<compile_context>
chip_gen: v7x
topology: tpu7x:2x2x1
jax: 0.10.2.dev20260603
libtpu: 0.0.44.dev20260713+nightly
codegen_flags: <defaults>
</compile_context>

<pallas_src>
import functools

import jax
import jax.numpy as jnp
from jax import lax
from jax.experimental import pallas as pl
from jax.experimental.pallas import tpu as pltpu
from jax.experimental.pallas import tpu_sc as plsc

_NC = 2
_NS = 16
_NW = _NC * _NS
_LN = 128


def _sc_mesh():
    return plsc.VectorSubcoreMesh(
        core_axis_name="c", subcore_axis_name="s", num_cores=_NC, num_subcores=_NS
    )


def _rsqrt16(d):
    i = lax.bitcast_convert_type(d, jnp.int32)
    y = lax.bitcast_convert_type(jnp.int32(0x5F3759DF) - (i >> 1), jnp.float32)
    for _ in range(3):
        y = y * (1.5 - 0.5 * d * y * y)
    return y


def _scale_rows(xw_hbm, dv, buf, y_s, base):
    blk = buf.at[0].at[pl.ds(0, _LN)]
    for k in range(5):
        off = base + _LN * k
        pltpu.sync_copy(xw_hbm.at[pl.ds(off, _LN)], blk)

        def sgrp(i, carry, k=k):
            dvec = dv[pl.ds(_LN * k + 16 * i, 16)]
            for u in range(16):
                s = jnp.broadcast_to(lax.slice(dvec, (u,), (u + 1,)), (16,))
                for q in range(4):
                    blk[16 * i + u, pl.ds(16 * q, 16)] = (
                        blk[16 * i + u, pl.ds(16 * q, 16)] * s)
            return carry

        lax.fori_loop(0, _LN // 16, sgrp, 0)
        pltpu.sync_copy(blk, y_s.at[pl.ds(off, _LN)])


def _zero_acc(buf, acc, base):
    blk = buf.at[0].at[pl.ds(0, _LN)]

    def zrow(j, carry):
        for q in range(4):
            blk[j, pl.ds(16 * q, 16)] = jnp.zeros((16,), jnp.float32)
        return carry

    lax.fori_loop(0, _LN, zrow, 0)
    for k in range(5):
        pltpu.sync_copy(blk, acc.at[pl.ds(base + _LN * k, _LN)])


def _edge_pipeline(y_ref, acc, src_v, dst_v, buf, gsems, ssems, ch):
    nit = ch // 8
    gw = 2 * _LN

    def fire_g(q, grp):
        pltpu.async_copy(y_ref.at[src_v.at[pl.ds(gw * grp, gw)]], buf.at[q], gsems[q])

    def drain_g(q, grp):
        pltpu.make_async_copy(y_ref.at[src_v.at[pl.ds(gw * grp, gw)]], buf.at[q], gsems[q]).wait()

    def fire_s(q, grp):
        pltpu.async_copy(buf.at[q], acc.at[dst_v.at[pl.ds(gw * grp, gw)]], ssems[q], add=True)

    def drain_s(q, grp):
        pltpu.make_async_copy(buf.at[q], acc.at[dst_v.at[pl.ds(gw * grp, gw)]], ssems[q]).wait()

    for q in range(4):
        fire_g(q, q)

    def body(gg, carry):
        g0 = 4 * gg
        for q in range(4):
            drain_g(q, g0 + q)
            fire_s(q, g0 + q)
        for q in range(4):
            drain_s(q, g0 + q)

            @pl.when(gg < nit - 1)
            def _(q=q):
                fire_g(q, g0 + q + 4)

        return carry

    lax.fori_loop(0, nit, body, 0)


def _make_deg_kernel(npad, ch):
    rpt = npad // _NS

    @functools.partial(
        pl.kernel,
        out_type=jax.ShapeDtypeStruct((_NC, npad), jnp.float32),
        mesh=_sc_mesh(),
        compiler_params=pltpu.CompilerParams(use_tc_tiling_on_sc=False),
        scratch_types=[
            pltpu.VMEM((ch * _LN,), jnp.int32),
            pltpu.VMEM((ch * _LN,), jnp.float32),
            pltpu.VMEM((rpt,), jnp.float32),
            pltpu.VMEM_SHARED((npad,), jnp.float32),
            pltpu.SemaphoreType.DMA,
        ],
    )
    def deg_kernel(dstg_hbm, out_hbm, dst_v, ones_v, zero_v, acc, ssem):
        cid = lax.axis_index("c")
        sid = lax.axis_index("s")
        wid = sid * _NC + cid
        pltpu.sync_copy(dstg_hbm.at[wid], dst_v)

        def fill(j, carry):
            for u in range(8):
                ones_v[pl.ds((8 * j + u) * 16, 16)] = jnp.full((16,), 1.0, jnp.float32)
            return carry

        lax.fori_loop(0, ch * _LN // 128, fill, 0)

        def fillz(j, carry):
            for u in range(8):
                zero_v[pl.ds((8 * j + u) * 16, 16)] = jnp.zeros((16,), jnp.float32)
            return carry

        lax.fori_loop(0, rpt // 128, fillz, 0)
        pltpu.sync_copy(zero_v, acc.at[pl.ds(sid * rpt, rpt)])
        plsc.subcore_barrier()
        pltpu.async_copy(ones_v, acc.at[dst_v], ssem, add=True).wait()
        plsc.subcore_barrier()
        pltpu.sync_copy(acc.at[pl.ds(sid * rpt, rpt)], out_hbm.at[cid, pl.ds(sid * rpt, rpt)])

    return deg_kernel


def _make_msg_kernel(npad, ch):
    rpt = npad // _NS

    @functools.partial(
        pl.kernel,
        out_type=jax.ShapeDtypeStruct((_NC, npad, 64), jnp.float32),
        mesh=_sc_mesh(),
        compiler_params=pltpu.CompilerParams(use_tc_tiling_on_sc=False),
        scratch_types=[
            pltpu.VMEM((ch * _LN,), jnp.int32),
            pltpu.VMEM((ch * _LN,), jnp.int32),
            pltpu.VMEM((4, 2 * _LN, 64), jnp.float32),
            pltpu.VMEM_SHARED((npad, 64), jnp.float32),
            [pltpu.SemaphoreType.DMA] * 4,
            [pltpu.SemaphoreType.DMA] * 4,
        ],
    )
    def msg2(y_hbm, srcg_hbm, dstg_hbm, s_out,
             dst_v, src_v, buf, acc, gsems, ssems):
        cid = lax.axis_index("c")
        sid = lax.axis_index("s")
        wid = sid * _NC + cid
        base = sid * rpt

        pltpu.sync_copy(dstg_hbm.at[wid], dst_v)
        pltpu.sync_copy(srcg_hbm.at[wid], src_v)
        _zero_acc(buf, acc, base)
        plsc.subcore_barrier()
        _edge_pipeline(y_hbm, acc, src_v, dst_v, buf, gsems, ssems, ch)
        plsc.subcore_barrier()
        pltpu.sync_copy(acc.at[pl.ds(base, rpt)], s_out.at[cid, pl.ds(base, rpt)])

    return msg2


def _tca_body(xe_ref, xo_ref, w1l_ref, w1r_ref, xw_ref, *, nh):
    xw = (jnp.dot(xe_ref[...], w1l_ref[...], preferred_element_type=jnp.float32)
          + jnp.dot(xo_ref[...], w1r_ref[...], preferred_element_type=jnp.float32))
    xw_ref[:nh, :] = xw
    xw_ref[nh:, :] = jnp.zeros_like(xw_ref[nh:, :])


def _tcb_body(xw1_ref, deg_ref, y1_ref):
    y1_ref[...] = xw1_ref[...] * _dinv_paired(deg_ref)


def _dinv_paired(deg_ref):
    d = deg_ref[...]
    dinv2 = lax.rsqrt(1.0 + d[0] + d[1])
    a = jnp.broadcast_to(dinv2[:, :1], (dinv2.shape[0], 64))
    b = jnp.broadcast_to(dinv2[:, 1:2], (dinv2.shape[0], 64))
    return jnp.concatenate([a, b], axis=1)


def _tc2_body(y1_ref, s_ref, deg_ref, b1_ref, w2_ref, y2_ref, *, nh):
    dp = _dinv_paired(deg_ref)
    s = s_ref[...]
    h = jnp.maximum(dp * (y1_ref[...] + s[0] + s[1]) + b1_ref[...], 0.0)
    rows = lax.broadcasted_iota(jnp.int32, h.shape, 0)
    h = jnp.where(rows < nh, h, 0.0)
    y2_ref[...] = jnp.dot(h, w2_ref[...], preferred_element_type=jnp.float32) * dp


def _tc3_body(y2_ref, s_ref, deg_ref, b2_ref, out_ref, *, nh):
    dp = _dinv_paired(deg_ref)
    s = s_ref[...]
    tot = dp * (y2_ref[...] + s[0] + s[1]) + b2_ref[...]
    out_ref[...] = tot[:nh, :]


def kernel(x, edge_index, W1, b1, W2, b2):
    n, fin = x.shape
    fh = W1.shape[1]
    e = edge_index.shape[1]
    f32 = jnp.float32

    npad = ((n + 16 + 511) // 512) * 512
    ch = -(-e // (_NW * _LN))
    ch = ((ch + 7) // 8) * 8
    epad = _NW * _LN * ch

    src = edge_index[0].astype(jnp.int32)
    dst = edge_index[1].astype(jnp.int32)
    pad_idx = n + (jnp.arange(epad - e, dtype=jnp.int32) % (npad - n))
    srcg = jnp.concatenate([src, pad_idx]).reshape(_NW, ch * _LN)
    dstg = jnp.concatenate([dst, pad_idx]).reshape(_NW, ch * _LN)

    x_even = x[0::2]
    x_odd = x[1::2]
    w1l = jnp.zeros((fin, 128), f32).at[:, :fh].set(W1)
    w1r = jnp.zeros((fin, 128), f32).at[:, fh:].set(W1)
    w2bd = (jnp.zeros((128, 128), f32)
            .at[:fh, :fh].set(W2).at[fh:, fh:].set(W2))
    b1p = jnp.concatenate([b1, b1]).reshape(1, 128)
    b2p = jnp.concatenate([b2, b2]).reshape(1, 128)

    nh = n // 2
    nph = npad // 2

    deg_parts = _make_deg_kernel(npad, ch)(dstg)
    deg2 = deg_parts.reshape(_NC, nph, 2)

    xw1 = pl.pallas_call(
        functools.partial(_tca_body, nh=nh),
        out_shape=jax.ShapeDtypeStruct((nph, 128), f32),
    )(x_even, x_odd, w1l, w1r)

    y1 = pl.pallas_call(
        _tcb_body,
        out_shape=jax.ShapeDtypeStruct((nph, 128), f32),
    )(xw1, deg2)

    msg = _make_msg_kernel(npad, ch)
    s1 = msg(y1.reshape(npad, 64), srcg, dstg)
    s1p = s1.reshape(_NC, nph, 128)

    y2 = pl.pallas_call(
        functools.partial(_tc2_body, nh=nh),
        out_shape=jax.ShapeDtypeStruct((nph, 128), f32),
    )(y1, s1p, deg2, b1p, w2bd)

    s2 = msg(y2.reshape(npad, 64), srcg, dstg)
    s2p = s2.reshape(_NC, nph, 128)

    out = pl.pallas_call(
        functools.partial(_tc3_body, nh=nh),
        out_shape=jax.ShapeDtypeStruct((nh, 128), f32),
    )(y2, s2p, deg2, b2p)
    return out.reshape(n, fh)

# --- scband reference (transcript-rebuilt; emitter-appended) ---
"""Pipeline reference for scband-gcnmodule-47777216200968 (READ-ONLY COPY).

The authoritative reference and input builder live on the scoring server;
editing this copy changes nothing except your own understanding.
"""

import jax, jax.numpy as jnp
import numpy as np

N_NODES = 10000
N_EDGES = 320000
IN_DIM = 128
HIDDEN_DIM = 64


def setup_inputs(seed: int = 0) -> dict:
    key = jax.random.key(seed)
    k1, k2, k3, k4, k5, k6 = jax.random.split(key, 6)
    x = jax.random.normal(k1, (N_NODES, IN_DIM), dtype=jnp.float32)
    edge_index = jax.random.randint(k2, (2, N_EDGES), 0, N_NODES, dtype=jnp.int64)
    # GCNConv layer 1 params (glorot weight, zero bias like PyG defaults)
    lim1 = float(np.sqrt(6.0 / (IN_DIM + HIDDEN_DIM)))
    W1 = jax.random.uniform(k3, (IN_DIM, HIDDEN_DIM), minval=-lim1, maxval=lim1, dtype=jnp.float32)
    b1 = jnp.zeros((HIDDEN_DIM,), dtype=jnp.float32)
    lim2 = float(np.sqrt(6.0 / (HIDDEN_DIM + HIDDEN_DIM)))
    W2 = jax.random.uniform(k4, (HIDDEN_DIM, HIDDEN_DIM), minval=-lim2, maxval=lim2, dtype=jnp.float32)
    b2 = jnp.zeros((HIDDEN_DIM,), dtype=jnp.float32)
    return {"x": x, "edge_index": edge_index, "W1": W1, "b1": b1, "W2": W2, "b2": b2}


def _gcn_conv(x, src, dst, norm, W, b):
    # x: [N, Fin], W: [Fin, Fout]
    xw = x @ W
    msg = xw[src] * norm[:, None]
    out = jnp.zeros((x.shape[0], W.shape[1]), dtype=x.dtype).at[dst].add(msg)
    return out + b


def reference(x, edge_index, W1, b1, W2, b2):
    # eval-mode forward of GCNModule._forward_single (no edge dropout in eval)
    N = x.shape[0]
    loop = jnp.arange(N, dtype=edge_index.dtype)
    src = jnp.concatenate([edge_index[0], loop])
    dst = jnp.concatenate([edge_index[1], loop])
    # symmetric normalization with self-loops (GCNConv default)
    deg = jnp.zeros((N,), dtype=jnp.float32).at[dst].add(1.0)
    dinv = jax.lax.rsqrt(jnp.maximum(deg, 1e-12))
    norm = dinv[src] * dinv[dst]
    h = jax.nn.relu(_gcn_conv(x, src, dst, norm, W1, b1))
    out = _gcn_conv(h, src, dst, norm, W2, b2)
    return out

if __name__ == "__main__":
    import jax
    _d = setup_inputs()
    print(jax.jit(kernel)(*tuple(_d.values())))

</pallas_src>

<mosaic_0001>
#map = affine_map<(d0, d1) -> (0, 0)>
#map1 = affine_map<(d0, d1) -> (0, 0, 0)>
module attributes {stable_mosaic.version = 14 : i64} {
  func.func @msg2(%arg0: i32, %arg1: i32, %arg2: memref<10240x64xf32, #tpu.memory_space<hbm>>, %arg3: memref<32x10240xi32, #tpu.memory_space<hbm>>, %arg4: memref<32x10240xi32, #tpu.memory_space<hbm>>, %arg5: memref<2x10240x64xf32, #tpu.memory_space<hbm>>, %arg6: memref<10240xi32, #tpu.memory_space<vmem>>, %arg7: memref<10240xi32, #tpu.memory_space<vmem>>, %arg8: memref<4x256x64xf32, #tpu.memory_space<vmem>>, %arg9: memref<10240x64xf32, #tpu.memory_space<vmem_shared>>, %arg10: memref<!tpu.dma_semaphore, #tpu.memory_space<semaphore_mem>>, %arg11: memref<!tpu.dma_semaphore, #tpu.memory_space<semaphore_mem>>, %arg12: memref<!tpu.dma_semaphore, #tpu.memory_space<semaphore_mem>>, %arg13: memref<!tpu.dma_semaphore, #tpu.memory_space<semaphore_mem>>, %arg14: memref<!tpu.dma_semaphore, #tpu.memory_space<semaphore_mem>>, %arg15: memref<!tpu.dma_semaphore, #tpu.memory_space<semaphore_mem>>, %arg16: memref<!tpu.dma_semaphore, #tpu.memory_space<semaphore_mem>>, %arg17: memref<!tpu.dma_semaphore, #tpu.memory_space<semaphore_mem>>) attributes {dimension_semantics = [#tpu.dimension_semantics<core_parallel>, #tpu.dimension_semantics<subcore_parallel>], iteration_bounds = array<i64: 2, 16>, scalar_prefetch = 0 : i64, scratch_operands = 12 : i64, tpu.core_type = #tpu.core_type<sc_vector_subcore>, window_params = [{transform_indices = #map}, {transform_indices = #map}, {transform_indices = #map}, {transform_indices = #map1}]} {
    %mul3A = arith.constant 2 : i32
    %mul3A_0 = arith.muli %arg1, %mul3A : i32
    %add3A = arith.addi %mul3A_0, %arg0 : i32
    %mul3A_1 = arith.constant 640 : i32
    %mul3A_2 = arith.muli %arg1, %mul3A_1 : i32
    "tpu.region"() ({
      %run_scoped3A_69 = tpu.sem_alloc : memref<!tpu.dma_semaphore, #tpu.memory_space<semaphore_mem>>
      %dma_start3A_70 = arith.constant 0 : i32
      %dma_start3A_71 = tpu.memref_slice %arg4[%add3A, %dma_start3A_70] : memref<32x10240xi32, #tpu.memory_space<hbm>> -> memref<1x10240xi32, #tpu.memory_space<hbm>>
      %dma_start3A_72 = tpu.memref_squeeze %dma_start3A_71 : memref<1x10240xi32, #tpu.memory_space<hbm>> -> memref<10240xi32, #tpu.memory_space<hbm>>
      %dma_start3A_73 = arith.constant 0 : i32
      %dma_start3A_74 = tpu.memref_slice %arg4[%add3A, %dma_start3A_73] : memref<32x10240xi32, #tpu.memory_space<hbm>> -> memref<1x10240xi32, #tpu.memory_space<hbm>>
      %dma_start3A_75 = tpu.memref_squeeze %dma_start3A_74 : memref<1x10240xi32, #tpu.memory_space<hbm>> -> memref<10240xi32, #tpu.memory_space<hbm>>
      tpu.enqueue_dma source(%dma_start3A_75 : memref<10240xi32, #tpu.memory_space<hbm>>) target(%arg6 : memref<10240xi32, #tpu.memory_space<vmem>>) target_semaphore(%run_scoped3A_69 : memref<!tpu.dma_semaphore, #tpu.memory_space<semaphore_mem>>)
      %dma_wait3A = arith.constant 0 : i32
      %dma_wait3A_76 = tpu.memref_slice %arg4[%add3A, %dma_wait3A] : memref<32x10240xi32, #tpu.memory_space<hbm>> -> memref<1x10240xi32, #tpu.memory_space<hbm>>
      %dma_wait3A_77 = tpu.memref_squeeze %dma_wait3A_76 : memref<1x10240xi32, #tpu.memory_space<hbm>> -> memref<10240xi32, #tpu.memory_space<hbm>>
      %dma_wait3A_78 = arith.constant 0 : i32
      %dma_wait3A_79 = tpu.memref_slice %arg4[%add3A, %dma_wait3A_78] : memref<32x10240xi32, #tpu.memory_space<hbm>> -> memref<1x10240xi32, #tpu.memory_space<hbm>>
      %dma_wait3A_80 = tpu.memref_squeeze %dma_wait3A_79 : memref<1x10240xi32, #tpu.memory_space<hbm>> -> memref<10240xi32, #tpu.memory_space<hbm>>
      tpu.wait_dma2 semaphore(%run_scoped3A_69 : memref<!tpu.dma_semaphore, #tpu.memory_space<semaphore_mem>>) src(%dma_wait3A_80 : memref<10240xi32, #tpu.memory_space<hbm>>) dst(%arg6 : memref<10240xi32, #tpu.memory_space<vmem>>)
      tpu.yield
    }) : () -> ()
    "tpu.region"() ({
      %run_scoped3A_69 = tpu.sem_alloc : memref<!tpu.dma_semaphore, #tpu.memory_space<semaphore_mem>>
      %dma_start3A_70 = arith.constant 0 : i32
      %dma_start3A_71 = tpu.memref_slice %arg3[%add3A, %dma_start3A_70] : memref<32x10240xi32, #tpu.memory_space<hbm>> -> memref<1x10240xi32, #tpu.memory_space<hbm>>
      %dma_start3A_72 = tpu.memref_squeeze %dma_start3A_71 : memref<1x10240xi32, #tpu.memory_space<hbm>> -> memref<10240xi32, #tpu.memory_space<hbm>>
      %dma_start3A_73 = arith.constant 0 : i32
      %dma_start3A_74 = tpu.memref_slice %arg3[%add3A, %dma_start3A_73] : memref<32x10240xi32, #tpu.memory_space<hbm>> -> memref<1x10240xi32, #tpu.memory_space<hbm>>
      %dma_start3A_75 = tpu.memref_squeeze %dma_start3A_74 : memref<1x10240xi32, #tpu.memory_space<hbm>> -> memref<10240xi32, #tpu.memory_space<hbm>>
      tpu.enqueue_dma source(%dma_start3A_75 : memref<10240xi32, #tpu.memory_space<hbm>>) target(%arg7 : memref<10240xi32, #tpu.memory_space<vmem>>) target_semaphore(%run_scoped3A_69 : memref<!tpu.dma_semaphore, #tpu.memory_space<semaphore_mem>>)
      %dma_wait3A = arith.constant 0 : i32
      %dma_wait3A_76 = tpu.memref_slice %arg3[%add3A, %dma_wait3A] : memref<32x10240xi32, #tpu.memory_space<hbm>> -> memref<1x10240xi32, #tpu.memory_space<hbm>>
      %dma_wait3A_77 = tpu.memref_squeeze %dma_wait3A_76 : memref<1x10240xi32, #tpu.memory_space<hbm>> -> memref<10240xi32, #tpu.memory_space<hbm>>
      %dma_wait3A_78 = arith.constant 0 : i32
      %dma_wait3A_79 = tpu.memref_slice %arg3[%add3A, %dma_wait3A_78] : memref<32x10240xi32, #tpu.memory_space<hbm>> -> memref<1x10240xi32, #tpu.memory_space<hbm>>
      %dma_wait3A_80 = tpu.memref_squeeze %dma_wait3A_79 : memref<1x10240xi32, #tpu.memory_space<hbm>> -> memref<10240xi32, #tpu.memory_space<hbm>>
      tpu.wait_dma2 semaphore(%run_scoped3A_69 : memref<!tpu.dma_semaphore, #tpu.memory_space<semaphore_mem>>) src(%dma_wait3A_80 : memref<10240xi32, #tpu.memory_space<hbm>>) dst(%arg7 : memref<10240xi32, #tpu.memory_space<vmem>>)
      tpu.yield
    }) : () -> ()
    %scan3A = arith.constant 0 : i32
    %scan3A_3 = arith.constant 0 : i32
    %scan3A_4 = arith.constant 0 : i32
    %scan3A_5 = arith.constant 128 : i32
    %scan3A_6 = arith.addi %scan3A_4, %scan3A_5 : i32
    %scan3A_7 = arith.constant 1 : i32
    scf.for %scan3A_69 = %scan3A_4 to %scan3A_6 step %scan3A_7  : i32 {
      %broadcast_in_dim3A = arith.constant 0.000000e+00 : f32
      %broadcast_in_dim3A_70 = vector.broadcast %broadcast_in_dim3A : f32 to vector<16xf32>
      %swap3A = arith.constant 0 : i32
      %swap3A_71 = arith.constant 0 : i32
      %swap3A_72 = tpu.memref_slice %arg8[%scan3A_3, %swap3A, %swap3A_71] : memref<4x256x64xf32, #tpu.memory_space<vmem>> -> memref<1x256x64xf32, #tpu.memory_space<vmem>>
      %swap3A_73 = tpu.memref_squeeze %swap3A_72 : memref<1x256x64xf32, #tpu.memory_space<vmem>> -> memref<256x64xf32, #tpu.memory_space<vmem>>
      %swap3A_74 = arith.constant 0 : i32
      %swap3A_75 = arith.constant 0 : i32
      %swap3A_76 = tpu.memref_slice %swap3A_73[%swap3A_74, %swap3A_75] : memref<256x64xf32, #tpu.memory_space<vmem>> -> memref<128x64xf32, #tpu.memory_space<vmem>>
      %swap3A_77 = arith.index_cast %scan3A_69 : i32 to index
      %swap3A_78 = arith.constant 0 : index
      %swap3A_79 = tpu.vector_load %swap3A_76[%swap3A_77, %swap3A_78] {strides = array<i32>} : memref<128x64xf32, #tpu.memory_space<vmem>>, vector<1x16xf32>,
      %swap3A_80 = vector.shape_cast %swap3A_79 : vector<1x16xf32> to vector<16xf32>
      %swap3A_81 = vector.shape_cast %broadcast_in_dim3A_70 : vector<16xf32> to vector<1x16xf32>
      tpu.vector_store %swap3A_76[%swap3A_77, %swap3A_78], %swap3A_81 {strides = array<i32>} : memref<128x64xf32, #tpu.memory_space<vmem>>, vector<1x16xf32>,
      %broadcast_in_dim3A_82 = arith.constant 0.000000e+00 : f32
      %broadcast_in_dim3A_83 = vector.broadcast %broadcast_in_dim3A_82 : f32 to vector<16xf32>
      %swap3A_84 = arith.constant 0 : i32
      %swap3A_85 = arith.constant 0 : i32
      %swap3A_86 = tpu.memref_slice %arg8[%scan3A_3, %swap3A_84, %swap3A_85] : memref<4x256x64xf32, #tpu.memory_space<vmem>> -> memref<1x256x64xf32, #tpu.memory_space<vmem>>
      %swap3A_87 = tpu.memref_squeeze %swap3A_86 : memref<1x256x64xf32, #tpu.memory_space<vmem>> -> memref<256x64xf32, #tpu.memory_space<vmem>>
      %swap3A_88 = arith.constant 0 : i32
      %swap3A_89 = arith.constant 0 : i32
      %swap3A_90 = tpu.memref_slice %swap3A_87[%swap3A_88, %swap3A_89] : memref<256x64xf32, #tpu.memory_space<vmem>> -> memref<128x64xf32, #tpu.memory_space<vmem>>
      %swap3A_91 = arith.index_cast %scan3A_69 : i32 to index
      %swap3A_92 = arith.constant 16 : index
      %swap3A_93 = tpu.vector_load %swap3A_90[%swap3A_91, %swap3A_92] {strides = array<i32>} : memref<128x64xf32, #tpu.memory_space<vmem>>, vector<1x16xf32>,
      %swap3A_94 = vector.shape_cast %swap3A_93 : vector<1x16xf32> to vector<16xf32>
      %swap3A_95 = vector.shape_cast %broadcast_in_dim3A_83 : vector<16xf32> to vector<1x16xf32>
      tpu.vector_store %swap3A_90[%swap3A_91, %swap3A_92], %swap3A_95 {strides = array<i32>} : memref<128x64xf32, #tpu.memory_space<vmem>>, vector<1x16xf32>,
      %broadcast_in_dim3A_96 = arith.constant 0.000000e+00 : f32
      %broadcast_in_dim3A_97 = vector.broadcast %broadcast_in_dim3A_96 : f32 to vector<16xf32>
      %swap3A_98 = arith.constant 0 : i32
      %swap3A_99 = arith.constant 0 : i32
      %swap3A_100 = tpu.memref_slice %arg8[%scan3A_3, %swap3A_98, %swap3A_99] : memref<4x256x64xf32, #tpu.memory_space<vmem>> -> memref<1x256x64xf32, #tpu.memory_space<vmem>>
      %swap3A_101 = tpu.memref_squeeze %swap3A_100 : memref<1x256x64xf32, #tpu.memory_space<vmem>> -> memref<256x64xf32, #tpu.memory_space<vmem>>
      %swap3A_102 = arith.constant 0 : i32
      %swap3A_103 = arith.constant 0 : i32
      %swap3A_104 = tpu.memref_slice %swap3A_101[%swap3A_102, %swap3A_103] : memref<256x64xf32, #tpu.memory_space<vmem>> -> memref<128x64xf32, #tpu.memory_space<vmem>>
      %swap3A_105 = arith.index_cast %scan3A_69 : i32 to index
      %swap3A_106 = arith.constant 32 : index
      %swap3A_107 = tpu.vector_load %swap3A_104[%swap3A_105, %swap3A_106] {strides = array<i32>} : memref<128x64xf32, #tpu.memory_space<vmem>>, vector<1x16xf32>,
      %swap3A_108 = vector.shape_cast %swap3A_107 : vector<1x16xf32> to vector<16xf32>
      %swap3A_109 = vector.shape_cast %broadcast_in_dim3A_97 : vector<16xf32> to vector<1x16xf32>
      tpu.vector_store %swap3A_104[%swap3A_105, %swap3A_106], %swap3A_109 {strides = array<i32>} : memref<128x64xf32, #tpu.memory_space<vmem>>, vector<1x16xf32>,
      %broadcast_in_dim3A_110 = arith.constant 0.000000e+00 : f32
      %broadcast_in_dim3A_111 = vector.broadcast %broadcast_in_dim3A_110 : f32 to vector<16xf32>
      %swap3A_112 = arith.constant 0 : i32
      %swap3A_113 = arith.constant 0 : i32
      %swap3A_114 = tpu.memref_slice %arg8[%scan3A_3, %swap3A_112, %swap3A_113] : memref<4x256x64xf32, #tpu.memory_space<vmem>> -> memref<1x256x64xf32, #tpu.memory_space<vmem>>
      %swap3A_115 = tpu.memref_squeeze %swap3A_114 : memref<1x256x64xf32, #tpu.memory_space<vmem>> -> memref<256x64xf32, #tpu.memory_space<vmem>>
      %swap3A_116 = arith.constant 0 : i32
      %swap3A_117 = arith.constant 0 : i32
      %swap3A_118 = tpu.memref_slice %swap3A_115[%swap3A_116, %swap3A_117] : memref<256x64xf32, #tpu.memory_space<vmem>> -> memref<128x64xf32, #tpu.memory_space<vmem>>
      %swap3A_119 = arith.index_cast %scan3A_69 : i32 to index
      %swap3A_120 = arith.constant 48 : index
      %swap3A_121 = tpu.vector_load %swap3A_118[%swap3A_119, %swap3A_120] {strides = array<i32>} : memref<128x64xf32, #tpu.memory_space<vmem>>, vector<1x16xf32>,
      %swap3A_122 = vector.shape_cast %swap3A_121 : vector<1x16xf32> to vector<16xf32>
      %swap3A_123 = vector.shape_cast %broadcast_in_dim3A_111 : vector<16xf32> to vector<1x16xf32>
      tpu.vector_store %swap3A_118[%swap3A_119, %swap3A_120], %swap3A_123 {strides = array<i32>} : memref<128x64xf32, #tpu.memory_space<vmem>>, vector<1x16xf32>,
    }
    %scan3A_8 = arith.constant 128 : i32
    %add3A_9 = arith.constant 0 : i32
    %add3A_10 = arith.addi %mul3A_2, %add3A_9 : i32
    %run_scoped3A = arith.constant 0 : i32
    "tpu.region"() ({
      %run_scoped3A_69 = tpu.sem_alloc : memref<!tpu.dma_semaphore, #tpu.memory_space<semaphore_mem>>
      %dma_start3A_70 = arith.constant 0 : i32
      %dma_start3A_71 = arith.constant 0 : i32
      %dma_start3A_72 = tpu.memref_slice %arg8[%run_scoped3A, %dma_start3A_70, %dma_start3A_71] : memref<4x256x64xf32, #tpu.memory_space<vmem>> -> memref<1x256x64xf32, #tpu.memory_space<vmem>>
      %dma_start3A_73 = tpu.memref_squeeze %dma_start3A_72 : memref<1x256x64xf32, #tpu.memory_space<vmem>> -> memref<256x64xf32, #tpu.memory_space<vmem>>
      %dma_start3A_74 = arith.constant 0 : i32
      %dma_start3A_75 = arith.constant 0 : i32
      %dma_start3A_76 = tpu.memref_slice %dma_start3A_73[%dma_start3A_74, %dma_start3A_75] : memref<256x64xf32, #tpu.memory_space<vmem>> -> memref<128x64xf32, #tpu.memory_space<vmem>>
      %dma_start3A_77 = arith.constant 0 : i32
      %dma_start3A_78 = tpu.memref_slice %arg9[%add3A_10, %dma_start3A_77] : memref<10240x64xf32, #tpu.memory_space<vmem_shared>> -> memref<128x64xf32, #tpu.memory_space<vmem_shared>>
      %dma_start3A_79 = arith.constant 0 : i32
      %dma_start3A_80 = tpu.memref_slice %arg9[%add3A_10, %dma_start3A_79] : memref<10240x64xf32, #tpu.memory_space<vmem_shared>> -> memref<128x64xf32, #tpu.memory_space<vmem_shared>>
      %dma_start3A_81 = arith.constant 0 : i32
      %dma_start3A_82 = arith.constant 0 : i32
      %dma_start3A_83 = tpu.memref_slice %arg8[%run_scoped3A, %dma_start3A_81, %dma_start3A_82] : memref<4x256x64xf32, #tpu.memory_space<vmem>> -> memref<1x256x64xf32, #tpu.memory_space<vmem>>
      %dma_start3A_84 = tpu.memref_squeeze %dma_start3A_83 : memref<1x256x64xf32, #tpu.memory_space<vmem>> -> memref<256x64xf32, #tpu.memory_space<vmem>>
      %dma_start3A_85 = arith.constant 0 : i32
      %dma_start3A_86 = arith.constant 0 : i32
      %dma_start3A_87 = tpu.memref_slice %dma_start3A_84[%dma_start3A_85, %dma_start3A_86] : memref<256x64xf32, #tpu.memory_space<vmem>> -> memref<128x64xf32, #tpu.memory_space<vmem>>
      tpu.enqueue_dma source(%dma_start3A_87 : memref<128x64xf32, #tpu.memory_space<vmem>>) target(%dma_start3A_80 : memref<128x64xf32, #tpu.memory_space<vmem_shared>>) target_semaphore(%run_scoped3A_69 : memref<!tpu.dma_semaphore, #tpu.memory_space<semaphore_mem>>)
      %dma_wait3A = arith.constant 0 : i32
      %dma_wait3A_88 = arith.constant 0 : i32
      %dma_wait3A_89 = tpu.memref_slice %arg8[%run_scoped3A, %dma_wait3A, %dma_wait3A_88] : memref<4x256x64xf32, #tpu.memory_space<vmem>> -> memref<1x256x64xf32, #tpu.memory_space<vmem>>
      %dma_wait3A_90 = tpu.memref_squeeze %dma_wait3A_89 : memref<1x256x64xf32, #tpu.memory_space<vmem>> -> memref<256x64xf32, #tpu.memory_space<vmem>>
      %dma_wait3A_91 = arith.constant 0 : i32
      %dma_wait3A_92 = arith.constant 0 : i32
      %dma_wait3A_93 = tpu.memref_slice %dma_wait3A_90[%dma_wait3A_91, %dma_wait3A_92] : memref<256x64xf32, #tpu.memory_space<vmem>> -> memref<128x64xf32, #tpu.memory_space<vmem>>
      %dma_wait3A_94 = arith.constant 0 : i32
      %dma_wait3A_95 = tpu.memref_slice %arg9[%add3A_10, %dma_wait3A_94] : memref<10240x64xf32, #tpu.memory_space<vmem_shared>> -> memref<128x64xf32, #tpu.memory_space<vmem_shared>>
      %dma_wait3A_96 = arith.constant 0 : i32
      %dma_wait3A_97 = tpu.memref_slice %arg9[%add3A_10, %dma_wait3A_96] : memref<10240x64xf32, #tpu.memory_space<vmem_shared>> -> memref<128x64xf32, #tpu.memory_space<vmem_shared>>
      %dma_wait3A_98 = arith.constant 0 : i32
      %dma_wait3A_99 = arith.constant 0 : i32
      %dma_wait3A_100 = tpu.memref_slice %arg8[%run_scoped3A, %dma_wait3A_98, %dma_wait3A_99] : memref<4x256x64xf32, #tpu.memory_space<vmem>> -> memref<1x256x64xf32, #tpu.memory_space<vmem>>
      %dma_wait3A_101 = tpu.memref_squeeze %dma_wait3A_100 : memref<1x256x64xf32, #tpu.memory_space<vmem>> -> memref<256x64xf32, #tpu.memory_space<vmem>>
      %dma_wait3A_102 = arith.constant 0 : i32
      %dma_wait3A_103 = arith.constant 0 : i32
      %dma_wait3A_104 = tpu.memref_slice %dma_wait3A_101[%dma_wait3A_102, %dma_wait3A_103] : memref<256x64xf32, #tpu.memory_space<vmem>> -> memref<128x64xf32, #tpu.memory_space<vmem>>
      tpu.wait_dma2 semaphore(%run_scoped3A_69 : memref<!tpu.dma_semaphore, #tpu.memory_space<semaphore_mem>>) src(%dma_wait3A_104 : memref<128x64xf32, #tpu.memory_space<vmem>>) dst(%dma_wait3A_97 : memref<128x64xf32, #tpu.memory_space<vmem_shared>>)
      tpu.yield
    }) : () -> ()
    %add3A_11 = arith.constant 128 : i32
    %add3A_12 = arith.addi %mul3A_2, %add3A_11 : i32
    %run_scoped3A_13 = arith.constant 0 : i32
    "tpu.region"() ({
      %run_scoped3A_69 = tpu.sem_alloc : memref<!tpu.dma_semaphore, #tpu.memory_space<semaphore_mem>>
      %dma_start3A_70 = arith.constant 0 : i32
      %dma_start3A_71 = arith.constant 0 : i32
      %dma_start3A_72 = tpu.memref_slice %arg8[%run_scoped3A_13, %dma_start3A_70, %dma_start3A_71] : memref<4x256x64xf32, #tpu.memory_space<vmem>> -> memref<1x256x64xf32, #tpu.memory_space<vmem>>
      %dma_start3A_73 = tpu.memref_squeeze %dma_start3A_72 : memref<1x256x64xf32, #tpu.memory_space<vmem>> -> memref<256x64xf32, #tpu.memory_space<vmem>>
      %dma_start3A_74 = arith.constant 0 : i32
      %dma_start3A_75 = arith.constant 0 : i32
      %dma_start3A_76 = tpu.memref_slice %dma_start3A_73[%dma_start3A_74, %dma_start3A_75] : memref<256x64xf32, #tpu.memory_space<vmem>> -> memref<128x64xf32, #tpu.memory_space<vmem>>
      %dma_start3A_77 = arith.constant 0 : i32
      %dma_start3A_78 = tpu.memref_slice %arg9[%add3A_12, %dma_start3A_77] : memref<10240x64xf32, #tpu.memory_space<vmem_shared>> -> memref<128x64xf32, #tpu.memory_space<vmem_shared>>
      %dma_start3A_79 = arith.constant 0 : i32
      %dma_start3A_80 = tpu.memref_slice %arg9[%add3A_12, %dma_start3A_79] : memref<10240x64xf32, #tpu.memory_space<vmem_shared>> -> memref<128x64xf32, #tpu.memory_space<vmem_shared>>
      %dma_start3A_81 = arith.constant 0 : i32
      %dma_start3A_82 = arith.constant 0 : i32
      %dma_start3A_83 = tpu.memref_slice %arg8[%run_scoped3A_13, %dma_start3A_81, %dma_start3A_82] : memref<4x256x64xf32, #tpu.memory_space<vmem>> -> memref<1x256x64xf32, #tpu.memory_space<vmem>>
      %dma_start3A_84 = tpu.memref_squeeze %dma_start3A_83 : memref<1x256x64xf32, #tpu.memory_space<vmem>> -> memref<256x64xf32, #tpu.memory_space<vmem>>
      %dma_start3A_85 = arith.constant 0 : i32
      %dma_start3A_86 = arith.constant 0 : i32
      %dma_start3A_87 = tpu.memref_slice %dma_start3A_84[%dma_start3A_85, %dma_start3A_86] : memref<256x64xf32, #tpu.memory_space<vmem>> -> memref<128x64xf32, #tpu.memory_space<vmem>>
      tpu.enqueue_dma source(%dma_start3A_87 : memref<128x64xf32, #tpu.memory_space<vmem>>) target(%dma_start3A_80 : memref<128x64xf32, #tpu.memory_space<vmem_shared>>) target_semaphore(%run_scoped3A_69 : memref<!tpu.dma_semaphore, #tpu.memory_space<semaphore_mem>>)
      %dma_wait3A = arith.constant 0 : i32
      %dma_wait3A_88 = arith.constant 0 : i32
      %dma_wait3A_89 = tpu.memref_slice %arg8[%run_scoped3A_13, %dma_wait3A, %dma_wait3A_88] : memref<4x256x64xf32, #tpu.memory_space<vmem>> -> memref<1x256x64xf32, #tpu.memory_space<vmem>>
      %dma_wait3A_90 = tpu.memref_squeeze %dma_wait3A_89 : memref<1x256x64xf32, #tpu.memory_space<vmem>> -> memref<256x64xf32, #tpu.memory_space<vmem>>
      %dma_wait3A_91 = arith.constant 0 : i32
      %dma_wait3A_92 = arith.constant 0 : i32
      %dma_wait3A_93 = tpu.memref_slice %dma_wait3A_90[%dma_wait3A_91, %dma_wait3A_92] : memref<256x64xf32, #tpu.memory_space<vmem>> -> memref<128x64xf32, #tpu.memory_space<vmem>>
      %dma_wait3A_94 = arith.constant 0 : i32
      %dma_wait3A_95 = tpu.memref_slice %arg9[%add3A_12, %dma_wait3A_94] : memref<10240x64xf32, #tpu.memory_space<vmem_shared>> -> memref<128x64xf32, #tpu.memory_space<vmem_shared>>
      %dma_wait3A_96 = arith.constant 0 : i32
      %dma_wait3A_97 = tpu.memref_slice %arg9[%add3A_12, %dma_wait3A_96] : memref<10240x64xf32, #tpu.memory_space<vmem_shared>> -> memref<128x64xf32, #tpu.memory_space<vmem_shared>>
      %dma_wait3A_98 = arith.constant 0 : i32
      %dma_wait3A_99 = arith.constant 0 : i32
      %dma_wait3A_100 = tpu.memref_slice %arg8[%run_scoped3A_13, %dma_wait3A_98, %dma_wait3A_99] : memref<4x256x64xf32, #tpu.memory_space<vmem>> -> memref<1x256x64xf32, #tpu.memory_space<vmem>>
      %dma_wait3A_101 = tpu.memref_squeeze %dma_wait3A_100 : memref<1x256x64xf32, #tpu.memory_space<vmem>> -> memref<256x64xf32, #tpu.memory_space<vmem>>
      %dma_wait3A_102 = arith.constant 0 : i32
      %dma_wait3A_103 = arith.constant 0 : i32
      %dma_wait3A_104 = tpu.memref_slice %dma_wait3A_101[%dma_wait3A_102, %dma_wait3A_103] : memref<256x64xf32, #tpu.memory_space<vmem>> -> memref<128x64xf32, #tpu.memory_space<vmem>>
      tpu.wait_dma2 semaphore(%run_scoped3A_69 : memref<!tpu.dma_semaphore, #tpu.memory_space<semaphore_mem>>) src(%dma_wait3A_104 : memref<128x64xf32, #tpu.memory_space<vmem>>) dst(%dma_wait3A_97 : memref<128x64xf32, #tpu.memory_space<vmem_shared>>)
      tpu.yield
    }) : () -> ()
    %add3A_14 = arith.constant 256 : i32
    %add3A_15 = arith.addi %mul3A_2, %add3A_14 : i32
    %run_scoped3A_16 = arith.constant 0 : i32
    "tpu.region"() ({
      %run_scoped3A_69 = tpu.sem_alloc : memref<!tpu.dma_semaphore, #tpu.memory_space<semaphore_mem>>
      %dma_start3A_70 = arith.constant 0 : i32
      %dma_start3A_71 = arith.constant 0 : i32
      %dma_start3A_72 = tpu.memref_slice %arg8[%run_scoped3A_16, %dma_start3A_70, %dma_start3A_71] : memref<4x256x64xf32, #tpu.memory_space<vmem>> -> memref<1x256x64xf32, #tpu.memory_space<vmem>>
      %dma_start3A_73 = tpu.memref_squeeze %dma_start3A_72 : memref<1x256x64xf32, #tpu.memory_space<vmem>> -> memref<256x64xf32, #tpu.memory_space<vmem>>
      %dma_start3A_74 = arith.constant 0 : i32
      %dma_start3A_75 = arith.constant 0 : i32
      %dma_start3A_76 = tpu.memref_slice %dma_start3A_73[%dma_start3A_74, %dma_start3A_75] : memref<256x64xf32, #tpu.memory_space<vmem>> -> memref<128x64xf32, #tpu.memory_space<vmem>>
      %dma_start3A_77 = arith.constant 0 : i32
      %dma_start3A_78 = tpu.memref_slice %arg9[%add3A_15, %dma_start3A_77] : memref<10240x64xf32, #tpu.memory_space<vmem_shared>> -> memref<128x64xf32, #tpu.memory_space<vmem_shared>>
      %dma_start3A_79 = arith.constant 0 : i32
      %dma_start3A_80 = tpu.memref_slice %arg9[%add3A_15, %dma_start3A_79] : memref<10240x64xf32, #tpu.memory_space<vmem_shared>> -> memref<128x64xf32, #tpu.memory_space<vmem_shared>>
      %dma_start3A_81 = arith.constant 0 : i32
      %dma_start3A_82 = arith.constant 0 : i32
      %dma_start3A_83 = tpu.memref_slice %arg8[%run_scoped3A_16, %dma_start3A_81, %dma_start3A_82] : memref<4x256x64xf32, #tpu.memory_space<vmem>> -> memref<1x256x64xf32, #tpu.memory_space<vmem>>
      %dma_start3A_84 = tpu.memref_squeeze %dma_start3A_83 : memref<1x256x64xf32, #tpu.memory_space<vmem>> -> memref<256x64xf32, #tpu.memory_space<vmem>>
      %dma_start3A_85 = arith.constant 0 : i32
      %dma_start3A_86 = arith.constant 0 : i32
      %dma_start3A_87 = tpu.memref_slice %dma_start3A_84[%dma_start3A_85, %dma_start3A_86] : memref<256x64xf32, #tpu.memory_space<vmem>> -> memref<128x64xf32, #tpu.memory_space<vmem>>
      tpu.enqueue_dma source(%dma_start3A_87 : memref<128x64xf32, #tpu.memory_space<vmem>>) target(%dma_start3A_80 : memref<128x64xf32, #tpu.memory_space<vmem_shared>>) target_semaphore(%run_scoped3A_69 : memref<!tpu.dma_semaphore, #tpu.memory_space<semaphore_mem>>)
      %dma_wait3A = arith.constant 0 : i32
      %dma_wait3A_88 = arith.constant 0 : i32
      %dma_wait3A_89 = tpu.memref_slice %arg8[%run_scoped3A_16, %dma_wait3A, %dma_wait3A_88] : memref<4x256x64xf32, #tpu.memory_space<vmem>> -> memref<1x256x64xf32, #tpu.memory_space<vmem>>
      %dma_wait3A_90 = tpu.memref_squeeze %dma_wait3A_89 : memref<1x256x64xf32, #tpu.memory_space<vmem>> -> memref<256x64xf32, #tpu.memory_space<vmem>>
      %dma_wait3A_91 = arith.constant 0 : i32
      %dma_wait3A_92 = arith.constant 0 : i32
      %dma_wait3A_93 = tpu.memref_slice %dma_wait3A_90[%dma_wait3A_91, %dma_wait3A_92] : memref<256x64xf32, #tpu.memory_space<vmem>> -> memref<128x64xf32, #tpu.memory_space<vmem>>
      %dma_wait3A_94 = arith.constant 0 : i32
      %dma_wait3A_95 = tpu.memref_slice %arg9[%add3A_15, %dma_wait3A_94] : memref<10240x64xf32, #tpu.memory_space<vmem_shared>> -> memref<128x64xf32, #tpu.memory_space<vmem_shared>>
      %dma_wait3A_96 = arith.constant 0 : i32
      %dma_wait3A_97 = tpu.memref_slice %arg9[%add3A_15, %dma_wait3A_96] : memref<10240x64xf32, #tpu.memory_space<vmem_shared>> -> memref<128x64xf32, #tpu.memory_space<vmem_shared>>
      %dma_wait3A_98 = arith.constant 0 : i32
      %dma_wait3A_99 = arith.constant 0 : i32
      %dma_wait3A_100 = tpu.memref_slice %arg8[%run_scoped3A_16, %dma_wait3A_98, %dma_wait3A_99] : memref<4x256x64xf32, #tpu.memory_space<vmem>> -> memref<1x256x64xf32, #tpu.memory_space<vmem>>
      %dma_wait3A_101 = tpu.memref_squeeze %dma_wait3A_100 : memref<1x256x64xf32, #tpu.memory_space<vmem>> -> memref<256x64xf32, #tpu.memory_space<vmem>>
      %dma_wait3A_102 = arith.constant 0 : i32
      %dma_wait3A_103 = arith.constant 0 : i32
      %dma_wait3A_104 = tpu.memref_slice %dma_wait3A_101[%dma_wait3A_102, %dma_wait3A_103] : memref<256x64xf32, #tpu.memory_space<vmem>> -> memref<128x64xf32, #tpu.memory_space<vmem>>
      tpu.wait_dma2 semaphore(%run_scoped3A_69 : memref<!tpu.dma_semaphore, #tpu.memory_space<semaphore_mem>>) src(%dma_wait3A_104 : memref<128x64xf32, #tpu.memory_space<vmem>>) dst(%dma_wait3A_97 : memref<128x64xf32, #tpu.memory_space<vmem_shared>>)
      tpu.yield
    }) : () -> ()
    %add3A_17 = arith.constant 384 : i32
    %add3A_18 = arith.addi %mul3A_2, %add3A_17 : i32
    %run_scoped3A_19 = arith.constant 0 : i32
    "tpu.region"() ({
      %run_scoped3A_69 = tpu.sem_alloc : memref<!tpu.dma_semaphore, #tpu.memory_space<semaphore_mem>>
      %dma_start3A_70 = arith.constant 0 : i32
      %dma_start3A_71 = arith.constant 0 : i32
      %dma_start3A_72 = tpu.memref_slice %arg8[%run_scoped3A_19, %dma_start3A_70, %dma_start3A_71] : memref<4x256x64xf32, #tpu.memory_space<vmem>> -> memref<1x256x64xf32, #tpu.memory_space<vmem>>
      %dma_start3A_73 = tpu.memref_squeeze %dma_start3A_72 : memref<1x256x64xf32, #tpu.memory_space<vmem>> -> memref<256x64xf32, #tpu.memory_space<vmem>>
      %dma_start3A_74 = arith.constant 0 : i32
      %dma_start3A_75 = arith.constant 0 : i32
      %dma_start3A_76 = tpu.memref_slice %dma_start3A_73[%dma_start3A_74, %dma_start3A_75] : memref<256x64xf32, #tpu.memory_space<vmem>> -> memref<128x64xf32, #tpu.memory_space<vmem>>
      %dma_start3A_77 = arith.constant 0 : i32
      %dma_start3A_78 = tpu.memref_slice %arg9[%add3A_18, %dma_start3A_77] : memref<10240x64xf32, #tpu.memory_space<vmem_shared>> -> memref<128x64xf32, #tpu.memory_space<vmem_shared>>
      %dma_start3A_79 = arith.constant 0 : i32
      %dma_start3A_80 = tpu.memref_slice %arg9[%add3A_18, %dma_start3A_79] : memref<10240x64xf32, #tpu.memory_space<vmem_shared>> -> memref<128x64xf32, #tpu.memory_space<vmem_shared>>
      %dma_start3A_81 = arith.constant 0 : i32
      %dma_start3A_82 = arith.constant 0 : i32
      %dma_start3A_83 = tpu.memref_slice %arg8[%run_scoped3A_19, %dma_start3A_81, %dma_start3A_82] : memref<4x256x64xf32, #tpu.memory_space<vmem>> -> memref<1x256x64xf32, #tpu.memory_space<vmem>>
      %dma_start3A_84 = tpu.memref_squeeze %dma_start3A_83 : memref<1x256x64xf32, #tpu.memory_space<vmem>> -> memref<256x64xf32, #tpu.memory_space<vmem>>
      %dma_start3A_85 = arith.constant 0 : i32
      %dma_start3A_86 = arith.constant 0 : i32
      %dma_start3A_87 = tpu.memref_slice %dma_start3A_84[%dma_start3A_85, %dma_start3A_86] : memref<256x64xf32, #tpu.memory_space<vmem>> -> memref<128x64xf32, #tpu.memory_space<vmem>>
      tpu.enqueue_dma source(%dma_start3A_87 : memref<128x64xf32, #tpu.memory_space<vmem>>) target(%dma_start3A_80 : memref<128x64xf32, #tpu.memory_space<vmem_shared>>) target_semaphore(%run_scoped3A_69 : memref<!tpu.dma_semaphore, #tpu.memory_space<semaphore_mem>>)
      %dma_wait3A = arith.constant 0 : i32
      %dma_wait3A_88 = arith.constant 0 : i32
      %dma_wait3A_89 = tpu.memref_slice %arg8[%run_scoped3A_19, %dma_wait3A, %dma_wait3A_88] : memref<4x256x64xf32, #tpu.memory_space<vmem>> -> memref<1x256x64xf32, #tpu.memory_space<vmem>>
      %dma_wait3A_90 = tpu.memref_squeeze %dma_wait3A_89 : memref<1x256x64xf32, #tpu.memory_space<vmem>> -> memref<256x64xf32, #tpu.memory_space<vmem>>
      %dma_wait3A_91 = arith.constant 0 : i32
      %dma_wait3A_92 = arith.constant 0 : i32
      %dma_wait3A_93 = tpu.memref_slice %dma_wait3A_90[%dma_wait3A_91, %dma_wait3A_92] : memref<256x64xf32, #tpu.memory_space<vmem>> -> memref<128x64xf32, #tpu.memory_space<vmem>>
      %dma_wait3A_94 = arith.constant 0 : i32
      %dma_wait3A_95 = tpu.memref_slice %arg9[%add3A_18, %dma_wait3A_94] : memref<10240x64xf32, #tpu.memory_space<vmem_shared>> -> memref<128x64xf32, #tpu.memory_space<vmem_shared>>
      %dma_wait3A_96 = arith.constant 0 : i32
      %dma_wait3A_97 = tpu.memref_slice %arg9[%add3A_18, %dma_wait3A_96] : memref<10240x64xf32, #tpu.memory_space<vmem_shared>> -> memref<128x64xf32, #tpu.memory_space<vmem_shared>>
      %dma_wait3A_98 = arith.constant 0 : i32
      %dma_wait3A_99 = arith.constant 0 : i32
      %dma_wait3A_100 = tpu.memref_slice %arg8[%run_scoped3A_19, %dma_wait3A_98, %dma_wait3A_99] : memref<4x256x64xf32, #tpu.memory_space<vmem>> -> memref<1x256x64xf32, #tpu.memory_space<vmem>>
      %dma_wait3A_101 = tpu.memref_squeeze %dma_wait3A_100 : memref<1x256x64xf32, #tpu.memory_space<vmem>> -> memref<256x64xf32, #tpu.memory_space<vmem>>
      %dma_wait3A_102 = arith.constant 0 : i32
      %dma_wait3A_103 = arith.constant 0 : i32
      %dma_wait3A_104 = tpu.memref_slice %dma_wait3A_101[%dma_wait3A_102, %dma_wait3A_103] : memref<256x64xf32, #tpu.memory_space<vmem>> -> memref<128x64xf32, #tpu.memory_space<vmem>>
      tpu.wait_dma2 semaphore(%run_scoped3A_69 : memref<!tpu.dma_semaphore, #tpu.memory_space<semaphore_mem>>) src(%dma_wait3A_104 : memref<128x64xf32, #tpu.memory_space<vmem>>) dst(%dma_wait3A_97 : memref<128x64xf32, #tpu.memory_space<vmem_shared>>)
      tpu.yield
    }) : () -> ()
    %add3A_20 = arith.constant 512 : i32
    %add3A_21 = arith.addi %mul3A_2, %add3A_20 : i32
    %run_scoped3A_22 = arith.constant 0 : i32
    "tpu.region"() ({
      %run_scoped3A_69 = tpu.sem_alloc : memref<!tpu.dma_semaphore, #tpu.memory_space<semaphore_mem>>
      %dma_start3A_70 = arith.constant 0 : i32
      %dma_start3A_71 = arith.constant 0 : i32
      %dma_start3A_72 = tpu.memref_slice %arg8[%run_scoped3A_22, %dma_start3A_70, %dma_start3A_71] : memref<4x256x64xf32, #tpu.memory_space<vmem>> -> memref<1x256x64xf32, #tpu.memory_space<vmem>>
      %dma_start3A_73 = tpu.memref_squeeze %dma_start3A_72 : memref<1x256x64xf32, #tpu.memory_space<vmem>> -> memref<256x64xf32, #tpu.memory_space<vmem>>
      %dma_start3A_74 = arith.constant 0 : i32
      %dma_start3A_75 = arith.constant 0 : i32
      %dma_start3A_76 = tpu.memref_slice %dma_start3A_73[%dma_start3A_74, %dma_start3A_75] : memref<256x64xf32, #tpu.memory_space<vmem>> -> memref<128x64xf32, #tpu.memory_space<vmem>>
      %dma_start3A_77 = arith.constant 0 : i32
      %dma_start3A_78 = tpu.memref_slice %arg9[%add3A_21, %dma_start3A_77] : memref<10240x64xf32, #tpu.memory_space<vmem_shared>> -> memref<128x64xf32, #tpu.memory_space<vmem_shared>>
      %dma_start3A_79 = arith.constant 0 : i32
      %dma_start3A_80 = tpu.memref_slice %arg9[%add3A_21, %dma_start3A_79] : memref<10240x64xf32, #tpu.memory_space<vmem_shared>> -> memref<128x64xf32, #tpu.memory_space<vmem_shared>>
      %dma_start3A_81 = arith.constant 0 : i32
      %dma_start3A_82 = arith.constant 0 : i32
      %dma_start3A_83 = tpu.memref_slice %arg8[%run_scoped3A_22, %dma_start3A_81, %dma_start3A_82] : memref<4x256x64xf32, #tpu.memory_space<vmem>> -> memref<1x256x64xf32, #tpu.memory_space<vmem>>
      %dma_start3A_84 = tpu.memref_squeeze %dma_start3A_83 : memref<1x256x64xf32, #tpu.memory_space<vmem>> -> memref<256x64xf32, #tpu.memory_space<vmem>>
      %dma_start3A_85 = arith.constant 0 : i32
      %dma_start3A_86 = arith.constant 0 : i32
      %dma_start3A_87 = tpu.memref_slice %dma_start3A_84[%dma_start3A_85, %dma_start3A_86] : memref<256x64xf32, #tpu.memory_space<vmem>> -> memref<128x64xf32, #tpu.memory_space<vmem>>
      tpu.enqueue_dma source(%dma_start3A_87 : memref<128x64xf32, #tpu.memory_space<vmem>>) target(%dma_start3A_80 : memref<128x64xf32, #tpu.memory_space<vmem_shared>>) target_semaphore(%run_scoped3A_69 : memref<!tpu.dma_semaphore, #tpu.memory_space<semaphore_mem>>)
      %dma_wait3A = arith.constant 0 : i32
      %dma_wait3A_88 = arith.constant 0 : i32
      %dma_wait3A_89 = tpu.memref_slice %arg8[%run_scoped3A_22, %dma_wait3A, %dma_wait3A_88] : memref<4x256x64xf32, #tpu.memory_space<vmem>> -> memref<1x256x64xf32, #tpu.memory_space<vmem>>
      %dma_wait3A_90 = tpu.memref_squeeze %dma_wait3A_89 : memref<1x256x64xf32, #tpu.memory_space<vmem>> -> memref<256x64xf32, #tpu.memory_space<vmem>>
      %dma_wait3A_91 = arith.constant 0 : i32
      %dma_wait3A_92 = arith.constant 0 : i32
      %dma_wait3A_93 = tpu.memref_slice %dma_wait3A_90[%dma_wait3A_91, %dma_wait3A_92] : memref<256x64xf32, #tpu.memory_space<vmem>> -> memref<128x64xf32, #tpu.memory_space<vmem>>
      %dma_wait3A_94 = arith.constant 0 : i32
      %dma_wait3A_95 = tpu.memref_slice %arg9[%add3A_21, %dma_wait3A_94] : memref<10240x64xf32, #tpu.memory_space<vmem_shared>> -> memref<128x64xf32, #tpu.memory_space<vmem_shared>>
      %dma_wait3A_96 = arith.constant 0 : i32
      %dma_wait3A_97 = tpu.memref_slice %arg9[%add3A_21, %dma_wait3A_96] : memref<10240x64xf32, #tpu.memory_space<vmem_shared>> -> memref<128x64xf32, #tpu.memory_space<vmem_shared>>
      %dma_wait3A_98 = arith.constant 0 : i32
      %dma_wait3A_99 = arith.constant 0 : i32
      %dma_wait3A_100 = tpu.memref_slice %arg8[%run_scoped3A_22, %dma_wait3A_98, %dma_wait3A_99] : memref<4x256x64xf32, #tpu.memory_space<vmem>> -> memref<1x256x64xf32, #tpu.memory_space<vmem>>
      %dma_wait3A_101 = tpu.memref_squeeze %dma_wait3A_100 : memref<1x256x64xf32, #tpu.memory_space<vmem>> -> memref<256x64xf32, #tpu.memory_space<vmem>>
      %dma_wait3A_102 = arith.constant 0 : i32
      %dma_wait3A_103 = arith.constant 0 : i32
      %dma_wait3A_104 = tpu.memref_slice %dma_wait3A_101[%dma_wait3A_102, %dma_wait3A_103] : memref<256x64xf32, #tpu.memory_space<vmem>> -> memref<128x64xf32, #tpu.memory_space<vmem>>
      tpu.wait_dma2 semaphore(%run_scoped3A_69 : memref<!tpu.dma_semaphore, #tpu.memory_space<semaphore_mem>>) src(%dma_wait3A_104 : memref<128x64xf32, #tpu.memory_space<vmem>>) dst(%dma_wait3A_97 : memref<128x64xf32, #tpu.memory_space<vmem_shared>>)
      tpu.yield
    }) : () -> ()
    %barrier3A = arith.constant 0 : index
    tpu.barrier barrier_id(%barrier3A)
    %dma_start3A = arith.constant 0 : i32
    %dma_start3A_23 = arith.constant 0 : i32
    %dma_start3A_24 = arith.constant 0 : i32
    %dma_start3A_25 = tpu.memref_slice %arg8[%dma_start3A, %dma_start3A_23, %dma_start3A_24] : memref<4x256x64xf32, #tpu.memory_space<vmem>> -> memref<1x256x64xf32, #tpu.memory_space<vmem>>
    %dma_start3A_26 = tpu.memref_squeeze %dma_start3A_25 : memref<1x256x64xf32, #tpu.memory_space<vmem>> -> memref<256x64xf32, #tpu.memory_space<vmem>>
    %dma_start3A_27 = arith.constant 0 : i32
    %dma_start3A_28 = tpu.memref_slice %arg7[%dma_start3A_27] : memref<10240xi32, #tpu.memory_space<vmem>> -> memref<256xi32, #tpu.memory_space<vmem>>
    %dma_start3A_29 = arith.constant 0 : i32
    %dma_start3A_30 = arith.constant 0 : i32
    %dma_start3A_31 = tpu.memref_slice %arg2[%dma_start3A_29, %dma_start3A_30] : memref<10240x64xf32, #tpu.memory_space<hbm>> -> memref<10240x64xf32, #tpu.memory_space<hbm>>
    tpu.enqueue_indirect_dma source(%dma_start3A_31 : memref<10240x64xf32, #tpu.memory_space<hbm>>) target(%dma_start3A_26 : memref<256x64xf32, #tpu.memory_space<vmem>>) offsets(%dma_start3A_28 : memref<256xi32, #tpu.memory_space<vmem>>) semaphore(%arg10 : memref<!tpu.dma_semaphore, #tpu.memory_space<semaphore_mem>>)
    %dma_start3A_32 = arith.constant 1 : i32
    %dma_start3A_33 = arith.constant 0 : i32
    %dma_start3A_34 = arith.constant 0 : i32
    %dma_start3A_35 = tpu.memref_slice %arg8[%dma_start3A_32, %dma_start3A_33, %dma_start3A_34] : memref<4x256x64xf32, #tpu.memory_space<vmem>> -> memref<1x256x64xf32, #tpu.memory_space<vmem>>
    %dma_start3A_36 = tpu.memref_squeeze %dma_start3A_35 : memref<1x256x64xf32, #tpu.memory_space<vmem>> -> memref<256x64xf32, #tpu.memory_space<vmem>>
    %dma_start3A_37 = arith.constant 256 : i32
    %dma_start3A_38 = tpu.memref_slice %arg7[%dma_start3A_37] : memref<10240xi32, #tpu.memory_space<vmem>> -> memref<256xi32, #tpu.memory_space<vmem>>
    %dma_start3A_39 = arith.constant 0 : i32
    %dma_start3A_40 = arith.constant 0 : i32
    %dma_start3A_41 = tpu.memref_slice %arg2[%dma_start3A_39, %dma_start3A_40] : memref<10240x64xf32, #tpu.memory_space<hbm>> -> memref<10240x64xf32, #tpu.memory_space<hbm>>
    tpu.enqueue_indirect_dma source(%dma_start3A_41 : memref<10240x64xf32, #tpu.memory_space<hbm>>) target(%dma_start3A_36 : memref<256x64xf32, #tpu.memory_space<vmem>>) offsets(%dma_start3A_38 : memref<256xi32, #tpu.memory_space<vmem>>) semaphore(%arg11 : memref<!tpu.dma_semaphore, #tpu.memory_space<semaphore_mem>>)
    %dma_start3A_42 = arith.constant 2 : i32
    %dma_start3A_43 = arith.constant 0 : i32
    %dma_start3A_44 = arith.constant 0 : i32
    %dma_start3A_45 = tpu.memref_slice %arg8[%dma_start3A_42, %dma_start3A_43, %dma_start3A_44] : memref<4x256x64xf32, #tpu.memory_space<vmem>> -> memref<1x256x64xf32, #tpu.memory_space<vmem>>
    %dma_start3A_46 = tpu.memref_squeeze %dma_start3A_45 : memref<1x256x64xf32, #tpu.memory_space<vmem>> -> memref<256x64xf32, #tpu.memory_space<vmem>>
    %dma_start3A_47 = arith.constant 512 : i32
    %dma_start3A_48 = tpu.memref_slice %arg7[%dma_start3A_47] : memref<10240xi32, #tpu.memory_space<vmem>> -> memref<256xi32, #tpu.memory_space<vmem>>
    %dma_start3A_49 = arith.constant 0 : i32
    %dma_start3A_50 = arith.constant 0 : i32
    %dma_start3A_51 = tpu.memref_slice %arg2[%dma_start3A_49, %dma_start3A_50] : memref<10240x64xf32, #tpu.memory_space<hbm>> -> memref<10240x64xf32, #tpu.memory_space<hbm>>
    tpu.enqueue_indirect_dma source(%dma_start3A_51 : memref<10240x64xf32, #tpu.memory_space<hbm>>) target(%dma_start3A_46 : memref<256x64xf32, #tpu.memory_space<vmem>>) offsets(%dma_start3A_48 : memref<256xi32, #tpu.memory_space<vmem>>) semaphore(%arg12 : memref<!tpu.dma_semaphore, #tpu.memory_space<semaphore_mem>>)
    %dma_start3A_52 = arith.constant 3 : i32
    %dma_start3A_53 = arith.constant 0 : i32
    %dma_start3A_54 = arith.constant 0 : i32
    %dma_start3A_55 = tpu.memref_slice %arg8[%dma_start3A_52, %dma_start3A_53, %dma_start3A_54] : memref<4x256x64xf32, #tpu.memory_space<vmem>> -> memref<1x256x64xf32, #tpu.memory_space<vmem>>
    %dma_start3A_56 = tpu.memref_squeeze %dma_start3A_55 : memref<1x256x64xf32, #tpu.memory_space<vmem>> -> memref<256x64xf32, #tpu.memory_space<vmem>>
    %dma_start3A_57 = arith.constant 768 : i32
    %dma_start3A_58 = tpu.memref_slice %arg7[%dma_start3A_57] : memref<10240xi32, #tpu.memory_space<vmem>> -> memref<256xi32, #tpu.memory_space<vmem>>
    %dma_start3A_59 = arith.constant 0 : i32
    %dma_start3A_60 = arith.constant 0 : i32
    %dma_start3A_61 = tpu.memref_slice %arg2[%dma_start3A_59, %dma_start3A_60] : memref<10240x64xf32, #tpu.memory_space<hbm>> -> memref<10240x64xf32, #tpu.memory_space<hbm>>
    tpu.enqueue_indirect_dma source(%dma_start3A_61 : memref<10240x64xf32, #tpu.memory_space<hbm>>) target(%dma_start3A_56 : memref<256x64xf32, #tpu.memory_space<vmem>>) offsets(%dma_start3A_58 : memref<256xi32, #tpu.memory_space<vmem>>) semaphore(%arg13 : memref<!tpu.dma_semaphore, #tpu.memory_space<semaphore_mem>>)
    %scan3A_62 = arith.constant 0 : i32
    %scan3A_63 = arith.constant 0 : i32
    %scan3A_64 = arith.constant 10 : i32
    %scan3A_65 = arith.addi %scan3A_63, %scan3A_64 : i32
    %scan3A_66 = arith.constant 1 : i32
    scf.for %scan3A_69 = %scan3A_63 to %scan3A_65 step %scan3A_66  : i32 {
      %mul3A_70 = arith.constant 4 : i32
      %mul3A_71 = arith.muli %mul3A_70, %scan3A_69 : i32
      %add3A_72 = arith.constant 0 : i32
      %add3A_73 = arith.addi %mul3A_71, %add3A_72 : i32
      %mul3A_74 = arith.constant 256 : i32
      %mul3A_75 = arith.muli %mul3A_74, %add3A_73 : i32
      %dma_wait3A = arith.constant 0 : i32
      %dma_wait3A_76 = arith.constant 0 : i32
      %dma_wait3A_77 = arith.constant 0 : i32
      %dma_wait3A_78 = tpu.memref_slice %arg8[%dma_wait3A, %dma_wait3A_76, %dma_wait3A_77] : memref<4x256x64xf32, #tpu.memory_space<vmem>> -> memref<1x256x64xf32, #tpu.memory_space<vmem>>
      %dma_wait3A_79 = tpu.memref_squeeze %dma_wait3A_78 : memref<1x256x64xf32, #tpu.memory_space<vmem>> -> memref<256x64xf32, #tpu.memory_space<vmem>>
      %dma_wait3A_80 = tpu.memref_slice %arg7[%mul3A_75] : memref<10240xi32, #tpu.memory_space<vmem>> -> memref<256xi32, #tpu.memory_space<vmem>>
      %dma_wait3A_81 = arith.constant 0 : i32
      %dma_wait3A_82 = arith.constant 0 : i32
      %dma_wait3A_83 = tpu.memref_slice %arg2[%dma_wait3A_81, %dma_wait3A_82] : memref<10240x64xf32, #tpu.memory_space<hbm>> -> memref<10240x64xf32, #tpu.memory_space<hbm>>
      tpu.wait_indirect_dma semaphore(%arg10 : memref<!tpu.dma_semaphore, #tpu.memory_space<semaphore_mem>>) src(%dma_wait3A_83 : memref<10240x64xf32, #tpu.memory_space<hbm>>) dst(%dma_wait3A_79 : memref<256x64xf32, #tpu.memory_space<vmem>>)
      %add3A_84 = arith.constant 0 : i32
      %add3A_85 = arith.addi %mul3A_71, %add3A_84 : i32
      %mul3A_86 = arith.constant 256 : i32
      %mul3A_87 = arith.muli %mul3A_86, %add3A_85 : i32
      %dma_start3A_88 = arith.constant 0 : i32
      %dma_start3A_89 = arith.constant 0 : i32
      %dma_start3A_90 = arith.constant 0 : i32
      %dma_start3A_91 = tpu.memref_slice %arg8[%dma_start3A_88, %dma_start3A_89, %dma_start3A_90] : memref<4x256x64xf32, #tpu.memory_space<vmem>> -> memref<1x256x64xf32, #tpu.memory_space<vmem>>
      %dma_start3A_92 = tpu.memref_squeeze %dma_start3A_91 : memref<1x256x64xf32, #tpu.memory_space<vmem>> -> memref<256x64xf32, #tpu.memory_space<vmem>>
      %dma_start3A_93 = tpu.memref_slice %arg6[%mul3A_87] : memref<10240xi32, #tpu.memory_space<vmem>> -> memref<256xi32, #tpu.memory_space<vmem>>
      %dma_start3A_94 = arith.constant 0 : i32
      %dma_start3A_95 = arith.constant 0 : i32
      %dma_start3A_96 = tpu.memref_slice %arg9[%dma_start3A_94, %dma_start3A_95] : memref<10240x64xf32, #tpu.memory_space<vmem_shared>> -> memref<10240x64xf32, #tpu.memory_space<vmem_shared>>
      tpu.enqueue_indirect_dma source(%dma_start3A_92 : memref<256x64xf32, #tpu.memory_space<vmem>>) target(%dma_start3A_96 : memref<10240x64xf32, #tpu.memory_space<vmem_shared>>) offsets(%dma_start3A_93 : memref<256xi32, #tpu.memory_space<vmem>>) semaphore(%arg14 : memref<!tpu.dma_semaphore, #tpu.memory_space<semaphore_mem>>) {add = true}
      %add3A_97 = arith.constant 1 : i32
      %add3A_98 = arith.addi %mul3A_71, %add3A_97 : i32
      %mul3A_99 = arith.constant 256 : i32
      %mul3A_100 = arith.muli %mul3A_99, %add3A_98 : i32
      %dma_wait3A_101 = arith.constant 1 : i32
      %dma_wait3A_102 = arith.constant 0 : i32
      %dma_wait3A_103 = arith.constant 0 : i32
      %dma_wait3A_104 = tpu.memref_slice %arg8[%dma_wait3A_101, %dma_wait3A_102, %dma_wait3A_103] : memref<4x256x64xf32, #tpu.memory_space<vmem>> -> memref<1x256x64xf32, #tpu.memory_space<vmem>>
      %dma_wait3A_105 = tpu.memref_squeeze %dma_wait3A_104 : memref<1x256x64xf32, #tpu.memory_space<vmem>> -> memref<256x64xf32, #tpu.memory_space<vmem>>
      %dma_wait3A_106 = tpu.memref_slice %arg7[%mul3A_100] : memref<10240xi32, #tpu.memory_space<vmem>> -> memref<256xi32, #tpu.memory_space<vmem>>
      %dma_wait3A_107 = arith.constant 0 : i32
      %dma_wait3A_108 = arith.constant 0 : i32
      %dma_wait3A_109 = tpu.memref_slice %arg2[%dma_wait3A_107, %dma_wait3A_108] : memref<10240x64xf32, #tpu.memory_space<hbm>> -> memref<10240x64xf32, #tpu.memory_space<hbm>>
      tpu.wait_indirect_dma semaphore(%arg11 : memref<!tpu.dma_semaphore, #tpu.memory_space<semaphore_mem>>) src(%dma_wait3A_109 : memref<10240x64xf32, #tpu.memory_space<hbm>>) dst(%dma_wait3A_105 : memref<256x64xf32, #tpu.memory_space<vmem>>)
      %add3A_110 = arith.constant 1 : i32
      %add3A_111 = arith.addi %mul3A_71, %add3A_110 : i32
      %mul3A_112 = arith.constant 256 : i32
      %mul3A_113 = arith.muli %mul3A_112, %add3A_111 : i32
      %dma_start3A_114 = arith.constant 1 : i32
      %dma_start3A_115 = arith.constant 0 : i32
      %dma_start3A_116 = arith.constant 0 : i32
      %dma_start3A_117 = tpu.memref_slice %arg8[%dma_start3A_114, %dma_start3A_115, %dma_start3A_116] : memref<4x256x64xf32, #tpu.memory_space<vmem>> -> memref<1x256x64xf32, #tpu.memory_space<vmem>>
      %dma_start3A_118 = tpu.memref_squeeze %dma_start3A_117 : memref<1x256x64xf32, #tpu.memory_space<vmem>> -> memref<256x64xf32, #tpu.memory_space<vmem>>
      %dma_start3A_119 = tpu.memref_slice %arg6[%mul3A_113] : memref<10240xi32, #tpu.memory_space<vmem>> -> memref<256xi32, #tpu.memory_space<vmem>>
      %dma_start3A_120 = arith.constant 0 : i32
      %dma_start3A_121 = arith.constant 0 : i32
      %dma_start3A_122 = tpu.memref_slice %arg9[%dma_start3A_120, %dma_start3A_121] : memref<10240x64xf32, #tpu.memory_space<vmem_shared>> -> memref<10240x64xf32, #tpu.memory_space<vmem_shared>>
      tpu.enqueue_indirect_dma source(%dma_start3A_118 : memref<256x64xf32, #tpu.memory_space<vmem>>) target(%dma_start3A_122 : memref<10240x64xf32, #tpu.memory_space<vmem_shared>>) offsets(%dma_start3A_119 : memref<256xi32, #tpu.memory_space<vmem>>) semaphore(%arg15 : memref<!tpu.dma_semaphore, #tpu.memory_space<semaphore_mem>>) {add = true}
      %add3A_123 = arith.constant 2 : i32
      %add3A_124 = arith.addi %mul3A_71, %add3A_123 : i32
      %mul3A_125 = arith.constant 256 : i32
      %mul3A_126 = arith.muli %mul3A_125, %add3A_124 : i32
      %dma_wait3A_127 = arith.constant 2 : i32
      %dma_wait3A_128 = arith.constant 0 : i32
      %dma_wait3A_129 = arith.constant 0 : i32
      %dma_wait3A_130 = tpu.memref_slice %arg8[%dma_wait3A_127, %dma_wait3A_128, %dma_wait3A_129] : memref<4x256x64xf32, #tpu.memory_space<vmem>> -> memref<1x256x64xf32, #tpu.memory_space<vmem>>
      %dma_wait3A_131 = tpu.memref_squeeze %dma_wait3A_130 : memref<1x256x64xf32, #tpu.memory_space<vmem>> -> memref<256x64xf32, #tpu.memory_space<vmem>>
      %dma_wait3A_132 = tpu.memref_slice %arg7[%mul3A_126] : memref<10240xi32, #tpu.memory_space<vmem>> -> memref<256xi32, #tpu.memory_space<vmem>>
      %dma_wait3A_133 = arith.constant 0 : i32
      %dma_wait3A_134 = arith.constant 0 : i32
      %dma_wait3A_135 = tpu.memref_slice %arg2[%dma_wait3A_133, %dma_wait3A_134] : memref<10240x64xf32, #tpu.memory_space<hbm>> -> memref<10240x64xf32, #tpu.memory_space<hbm>>
      tpu.wait_indirect_dma semaphore(%arg12 : memref<!tpu.dma_semaphore, #tpu.memory_space<semaphore_mem>>) src(%dma_wait3A_135 : memref<10240x64xf32, #tpu.memory_space<hbm>>) dst(%dma_wait3A_131 : memref<256x64xf32, #tpu.memory_space<vmem>>)
      %add3A_136 = arith.constant 2 : i32
      %add3A_137 = arith.addi %mul3A_71, %add3A_136 : i32
      %mul3A_138 = arith.constant 256 : i32
      %mul3A_139 = arith.muli %mul3A_138, %add3A_137 : i32
      %dma_start3A_140 = arith.constant 2 : i32
      %dma_start3A_141 = arith.constant 0 : i32
      %dma_start3A_142 = arith.constant 0 : i32
      %dma_start3A_143 = tpu.memref_slice %arg8[%dma_start3A_140, %dma_start3A_141, %dma_start3A_142] : memref<4x256x64xf32, #tpu.memory_space<vmem>> -> memref<1x256x64xf32, #tpu.memory_space<vmem>>
      %dma_start3A_144 = tpu.memref_squeeze %dma_start3A_143 : memref<1x256x64xf32, #tpu.memory_space<vmem>> -> memref<256x64xf32, #tpu.memory_space<vmem>>
      %dma_start3A_145 = tpu.memref_slice %arg6[%mul3A_139] : memref<10240xi32, #tpu.memory_space<vmem>> -> memref<256xi32, #tpu.memory_space<vmem>>
      %dma_start3A_146 = arith.constant 0 : i32
      %dma_start3A_147 = arith.constant 0 : i32
      %dma_start3A_148 = tpu.memref_slice %arg9[%dma_start3A_146, %dma_start3A_147] : memref<10240x64xf32, #tpu.memory_space<vmem_shared>> -> memref<10240x64xf32, #tpu.memory_space<vmem_shared>>
      tpu.enqueue_indirect_dma source(%dma_start3A_144 : memref<256x64xf32, #tpu.memory_space<vmem>>) target(%dma_start3A_148 : memref<10240x64xf32, #tpu.memory_space<vmem_shared>>) offsets(%dma_start3A_145 : memref<256xi32, #tpu.memory_space<vmem>>) semaphore(%arg16 : memref<!tpu.dma_semaphore, #tpu.memory_space<semaphore_mem>>) {add = true}
      %add3A_149 = arith.constant 3 : i32
      %add3A_150 = arith.addi %mul3A_71, %add3A_149 : i32
      %mul3A_151 = arith.constant 256 : i32
      %mul3A_152 = arith.muli %mul3A_151, %add3A_150 : i32
      %dma_wait3A_153 = arith.constant 3 : i32
      %dma_wait3A_154 = arith.constant 0 : i32
      %dma_wait3A_155 = arith.constant 0 : i32
      %dma_wait3A_156 = tpu.memref_slice %arg8[%dma_wait3A_153, %dma_wait3A_154, %dma_wait3A_155] : memref<4x256x64xf32, #tpu.memory_space<vmem>> -> memref<1x256x64xf32, #tpu.memory_space<vmem>>
      %dma_wait3A_157 = tpu.memref_squeeze %dma_wait3A_156 : memref<1x256x64xf32, #tpu.memory_space<vmem>> -> memref<256x64xf32, #tpu.memory_space<vmem>>
      %dma_wait3A_158 = tpu.memref_slice %arg7[%mul3A_152] : memref<10240xi32, #tpu.memory_space<vmem>> -> memref<256xi32, #tpu.memory_space<vmem>>
      %dma_wait3A_159 = arith.constant 0 : i32
      %dma_wait3A_160 = arith.constant 0 : i32
      %dma_wait3A_161 = tpu.memref_slice %arg2[%dma_wait3A_159, %dma_wait3A_160] : memref<10240x64xf32, #tpu.memory_space<hbm>> -> memref<10240x64xf32, #tpu.memory_space<hbm>>
      tpu.wait_indirect_dma semaphore(%arg13 : memref<!tpu.dma_semaphore, #tpu.memory_space<semaphore_mem>>) src(%dma_wait3A_161 : memref<10240x64xf32, #tpu.memory_space<hbm>>) dst(%dma_wait3A_157 : memref<256x64xf32, #tpu.memory_space<vmem>>)
      %add3A_162 = arith.constant 3 : i32
      %add3A_163 = arith.addi %mul3A_71, %add3A_162 : i32
      %mul3A_164 = arith.constant 256 : i32
      %mul3A_165 = arith.muli %mul3A_164, %add3A_163 : i32
      %dma_start3A_166 = arith.constant 3 : i32
      %dma_start3A_167 = arith.constant 0 : i32
      %dma_start3A_168 = arith.constant 0 : i32
      %dma_start3A_169 = tpu.memref_slice %arg8[%dma_start3A_166, %dma_start3A_167, %dma_start3A_168] : memref<4x256x64xf32, #tpu.memory_space<vmem>> -> memref<1x256x64xf32, #tpu.memory_space<vmem>>
      %dma_start3A_170 = tpu.memref_squeeze %dma_start3A_169 : memref<1x256x64xf32, #tpu.memory_space<vmem>> -> memref<256x64xf32, #tpu.memory_space<vmem>>
      %dma_start3A_171 = tpu.memref_slice %arg6[%mul3A_165] : memref<10240xi32, #tpu.memory_space<vmem>> -> memref<256xi32, #tpu.memory_space<vmem>>
      %dma_start3A_172 = arith.constant 0 : i32
      %dma_start3A_173 = arith.constant 0 : i32
      %dma_start3A_174 = tpu.memref_slice %arg9[%dma_start3A_172, %dma_start3A_173] : memref<10240x64xf32, #tpu.memory_space<vmem_shared>> -> memref<10240x64xf32, #tpu.memory_space<vmem_shared>>
      tpu.enqueue_indirect_dma source(%dma_start3A_170 : memref<256x64xf32, #tpu.memory_space<vmem>>) target(%dma_start3A_174 : memref<10240x64xf32, #tpu.memory_space<vmem_shared>>) offsets(%dma_start3A_171 : memref<256xi32, #tpu.memory_space<vmem>>) semaphore(%arg17 : memref<!tpu.dma_semaphore, #tpu.memory_space<semaphore_mem>>) {add = true}
      %add3A_175 = arith.constant 0 : i32
      %add3A_176 = arith.addi %mul3A_71, %add3A_175 : i32
      %mul3A_177 = arith.constant 256 : i32
      %mul3A_178 = arith.muli %mul3A_177, %add3A_176 : i32
      %dma_wait3A_179 = arith.constant 0 : i32
      %dma_wait3A_180 = arith.constant 0 : i32
      %dma_wait3A_181 = arith.constant 0 : i32
      %dma_wait3A_182 = tpu.memref_slice %arg8[%dma_wait3A_179, %dma_wait3A_180, %dma_wait3A_181] : memref<4x256x64xf32, #tpu.memory_space<vmem>> -> memref<1x256x64xf32, #tpu.memory_space<vmem>>
      %dma_wait3A_183 = tpu.memref_squeeze %dma_wait3A_182 : memref<1x256x64xf32, #tpu.memory_space<vmem>> -> memref<256x64xf32, #tpu.memory_space<vmem>>
      %dma_wait3A_184 = tpu.memref_slice %arg6[%mul3A_178] : memref<10240xi32, #tpu.memory_space<vmem>> -> memref<256xi32, #tpu.memory_space<vmem>>
      %dma_wait3A_185 = arith.constant 0 : i32
      %dma_wait3A_186 = arith.constant 0 : i32
      %dma_wait3A_187 = tpu.memref_slice %arg9[%dma_wait3A_185, %dma_wait3A_186] : memref<10240x64xf32, #tpu.memory_space<vmem_shared>> -> memref<10240x64xf32, #tpu.memory_space<vmem_shared>>
      tpu.wait_indirect_dma semaphore(%arg14 : memref<!tpu.dma_semaphore, #tpu.memory_space<semaphore_mem>>) src(%dma_wait3A_183 : memref<256x64xf32, #tpu.memory_space<vmem>>) dst(%dma_wait3A_187 : memref<10240x64xf32, #tpu.memory_space<vmem_shared>>)
      %lt3A = arith.constant 9 : i32
      %lt3A_188 = arith.cmpi slt, %scan3A_69, %lt3A : i32
      %convert_element_type3A = arith.extui %lt3A_188 : i1 to i32
      %cond3A = arith.constant 0 : i32
      %cond3A_189 = arith.cmpi ne, %convert_element_type3A, %cond3A : i32
      scf.if %cond3A_189 {
        %add3A_244 = arith.constant 0 : i32
        %add3A_245 = arith.addi %mul3A_71, %add3A_244 : i32
        %add3A_246 = arith.constant 4 : i32
        %add3A_247 = arith.addi %add3A_245, %add3A_246 : i32
        %mul3A_248 = arith.constant 256 : i32
        %mul3A_249 = arith.muli %mul3A_248, %add3A_247 : i32
        %dma_start3A_250 = arith.constant 0 : i32
        %dma_start3A_251 = arith.constant 0 : i32
        %dma_start3A_252 = arith.constant 0 : i32
        %dma_start3A_253 = tpu.memref_slice %arg8[%dma_start3A_250, %dma_start3A_251, %dma_start3A_252] : memref<4x256x64xf32, #tpu.memory_space<vmem>> -> memref<1x256x64xf32, #tpu.memory_space<vmem>>
        %dma_start3A_254 = tpu.memref_squeeze %dma_start3A_253 : memref<1x256x64xf32, #tpu.memory_space<vmem>> -> memref<256x64xf32, #tpu.memory_space<vmem>>
        %dma_start3A_255 = tpu.memref_slice %arg7[%mul3A_249] : memref<10240xi32, #tpu.memory_space<vmem>> -> memref<256xi32, #tpu.memory_space<vmem>>
        %dma_start3A_256 = arith.constant 0 : i32
        %dma_start3A_257 = arith.constant 0 : i32
        %dma_start3A_258 = tpu.memref_slice %arg2[%dma_start3A_256, %dma_start3A_257] : memref<10240x64xf32, #tpu.memory_space<hbm>> -> memref<10240x64xf32, #tpu.memory_space<hbm>>
        tpu.enqueue_indirect_dma source(%dma_start3A_258 : memref<10240x64xf32, #tpu.memory_space<hbm>>) target(%dma_start3A_254 : memref<256x64xf32, #tpu.memory_space<vmem>>) offsets(%dma_start3A_255 : memref<256xi32, #tpu.memory_space<vmem>>) semaphore(%arg10 : memref<!tpu.dma_semaphore, #tpu.memory_space<semaphore_mem>>)
      } else {
      }
      %add3A_190 = arith.constant 1 : i32
      %add3A_191 = arith.addi %mul3A_71, %add3A_190 : i32
      %mul3A_192 = arith.constant 256 : i32
      %mul3A_193 = arith.muli %mul3A_192, %add3A_191 : i32
      %dma_wait3A_194 = arith.constant 1 : i32
      %dma_wait3A_195 = arith.constant 0 : i32
      %dma_wait3A_196 = arith.constant 0 : i32
      %dma_wait3A_197 = tpu.memref_slice %arg8[%dma_wait3A_194, %dma_wait3A_195, %dma_wait3A_196] : memref<4x256x64xf32, #tpu.memory_space<vmem>> -> memref<1x256x64xf32, #tpu.memory_space<vmem>>
      %dma_wait3A_198 = tpu.memref_squeeze %dma_wait3A_197 : memref<1x256x64xf32, #tpu.memory_space<vmem>> -> memref<256x64xf32, #tpu.memory_space<vmem>>
      %dma_wait3A_199 = tpu.memref_slice %arg6[%mul3A_193] : memref<10240xi32, #tpu.memory_space<vmem>> -> memref<256xi32, #tpu.memory_space<vmem>>
      %dma_wait3A_200 = arith.constant 0 : i32
      %dma_wait3A_201 = arith.constant 0 : i32
      %dma_wait3A_202 = tpu.memref_slice %arg9[%dma_wait3A_200, %dma_wait3A_201] : memref<10240x64xf32, #tpu.memory_space<vmem_shared>> -> memref<10240x64xf32, #tpu.memory_space<vmem_shared>>
      tpu.wait_indirect_dma semaphore(%arg15 : memref<!tpu.dma_semaphore, #tpu.memory_space<semaphore_mem>>) src(%dma_wait3A_198 : memref<256x64xf32, #tpu.memory_space<vmem>>) dst(%dma_wait3A_202 : memref<10240x64xf32, #tpu.memory_space<vmem_shared>>)
      %lt3A_203 = arith.constant 9 : i32
      %lt3A_204 = arith.cmpi slt, %scan3A_69, %lt3A_203 : i32
      %convert_element_type3A_205 = arith.extui %lt3A_204 : i1 to i32
      %cond3A_206 = arith.constant 0 : i32
      %cond3A_207 = arith.cmpi ne, %convert_element_type3A_205, %cond3A_206 : i32
      scf.if %cond3A_207 {
        %add3A_244 = arith.constant 1 : i32
        %add3A_245 = arith.addi %mul3A_71, %add3A_244 : i32
        %add3A_246 = arith.constant 4 : i32
        %add3A_247 = arith.addi %add3A_245, %add3A_246 : i32
        %mul3A_248 = arith.constant 256 : i32
        %mul3A_249 = arith.muli %mul3A_248, %add3A_247 : i32
        %dma_start3A_250 = arith.constant 1 : i32
        %dma_start3A_251 = arith.constant 0 : i32
        %dma_start3A_252 = arith.constant 0 : i32
        %dma_start3A_253 = tpu.memref_slice %arg8[%dma_start3A_250, %dma_start3A_251, %dma_start3A_252] : memref<4x256x64xf32, #tpu.memory_space<vmem>> -> memref<1x256x64xf32, #tpu.memory_space<vmem>>
        %dma_start3A_254 = tpu.memref_squeeze %dma_start3A_253 : memref<1x256x64xf32, #tpu.memory_space<vmem>> -> memref<256x64xf32, #tpu.memory_space<vmem>>
        %dma_start3A_255 = tpu.memref_slice %arg7[%mul3A_249] : memref<10240xi32, #tpu.memory_space<vmem>> -> memref<256xi32, #tpu.memory_space<vmem>>
        %dma_start3A_256 = arith.constant 0 : i32
        %dma_start3A_257 = arith.constant 0 : i32
        %dma_start3A_258 = tpu.memref_slice %arg2[%dma_start3A_256, %dma_start3A_257] : memref<10240x64xf32, #tpu.memory_space<hbm>> -> memref<10240x64xf32, #tpu.memory_space<hbm>>
        tpu.enqueue_indirect_dma source(%dma_start3A_258 : memref<10240x64xf32, #tpu.memory_space<hbm>>) target(%dma_start3A_254 : memref<256x64xf32, #tpu.memory_space<vmem>>) offsets(%dma_start3A_255 : memref<256xi32, #tpu.memory_space<vmem>>) semaphore(%arg11 : memref<!tpu.dma_semaphore, #tpu.memory_space<semaphore_mem>>)
      } else {
      }
      %add3A_208 = arith.constant 2 : i32
      %add3A_209 = arith.addi %mul3A_71, %add3A_208 : i32
      %mul3A_210 = arith.constant 256 : i32
      %mul3A_211 = arith.muli %mul3A_210, %add3A_209 : i32
      %dma_wait3A_212 = arith.constant 2 : i32
      %dma_wait3A_213 = arith.constant 0 : i32
      %dma_wait3A_214 = arith.constant 0 : i32
      %dma_wait3A_215 = tpu.memref_slice %arg8[%dma_wait3A_212, %dma_wait3A_213, %dma_wait3A_214] : memref<4x256x64xf32, #tpu.memory_space<vmem>> -> memref<1x256x64xf32, #tpu.memory_space<vmem>>
      %dma_wait3A_216 = tpu.memref_squeeze %dma_wait3A_215 : memref<1x256x64xf32, #tpu.memory_space<vmem>> -> memref<256x64xf32, #tpu.memory_space<vmem>>
      %dma_wait3A_217 = tpu.memref_slice %arg6[%mul3A_211] : memref<10240xi32, #tpu.memory_space<vmem>> -> memref<256xi32, #tpu.memory_space<vmem>>
      %dma_wait3A_218 = arith.constant 0 : i32
      %dma_wait3A_219 = arith.constant 0 : i32
      %dma_wait3A_220 = tpu.memref_slice %arg9[%dma_wait3A_218, %dma_wait3A_219] : memref<10240x64xf32, #tpu.memory_space<vmem_shared>> -> memref<10240x64xf32, #tpu.memory_space<vmem_shared>>
      tpu.wait_indirect_dma semaphore(%arg16 : memref<!tpu.dma_semaphore, #tpu.memory_space<semaphore_mem>>) src(%dma_wait3A_216 : memref<256x64xf32, #tpu.memory_space<vmem>>) dst(%dma_wait3A_220 : memref<10240x64xf32, #tpu.memory_space<vmem_shared>>)
      %lt3A_221 = arith.constant 9 : i32
      %lt3A_222 = arith.cmpi slt, %scan3A_69, %lt3A_221 : i32
      %convert_element_type3A_223 = arith.extui %lt3A_222 : i1 to i32
      %cond3A_224 = arith.constant 0 : i32
      %cond3A_225 = arith.cmpi ne, %convert_element_type3A_223, %cond3A_224 : i32
      scf.if %cond3A_225 {
        %add3A_244 = arith.constant 2 : i32
        %add3A_245 = arith.addi %mul3A_71, %add3A_244 : i32
        %add3A_246 = arith.constant 4 : i32
        %add3A_247 = arith.addi %add3A_245, %add3A_246 : i32
        %mul3A_248 = arith.constant 256 : i32
        %mul3A_249 = arith.muli %mul3A_248, %add3A_247 : i32
        %dma_start3A_250 = arith.constant 2 : i32
        %dma_start3A_251 = arith.constant 0 : i32
        %dma_start3A_252 = arith.constant 0 : i32
        %dma_start3A_253 = tpu.memref_slice %arg8[%dma_start3A_250, %dma_start3A_251, %dma_start3A_252] : memref<4x256x64xf32, #tpu.memory_space<vmem>> -> memref<1x256x64xf32, #tpu.memory_space<vmem>>
        %dma_start3A_254 = tpu.memref_squeeze %dma_start3A_253 : memref<1x256x64xf32, #tpu.memory_space<vmem>> -> memref<256x64xf32, #tpu.memory_space<vmem>>
        %dma_start3A_255 = tpu.memref_slice %arg7[%mul3A_249] : memref<10240xi32, #tpu.memory_space<vmem>> -> memref<256xi32, #tpu.memory_space<vmem>>
        %dma_start3A_256 = arith.constant 0 : i32
        %dma_start3A_257 = arith.constant 0 : i32
        %dma_start3A_258 = tpu.memref_slice %arg2[%dma_start3A_256, %dma_start3A_257] : memref<10240x64xf32, #tpu.memory_space<hbm>> -> memref<10240x64xf32, #tpu.memory_space<hbm>>
        tpu.enqueue_indirect_dma source(%dma_start3A_258 : memref<10240x64xf32, #tpu.memory_space<hbm>>) target(%dma_start3A_254 : memref<256x64xf32, #tpu.memory_space<vmem>>) offsets(%dma_start3A_255 : memref<256xi32, #tpu.memory_space<vmem>>) semaphore(%arg12 : memref<!tpu.dma_semaphore, #tpu.memory_space<semaphore_mem>>)
      } else {
      }
      %add3A_226 = arith.constant 3 : i32
      %add3A_227 = arith.addi %mul3A_71, %add3A_226 : i32
      %mul3A_228 = arith.constant 256 : i32
      %mul3A_229 = arith.muli %mul3A_228, %add3A_227 : i32
      %dma_wait3A_230 = arith.constant 3 : i32
      %dma_wait3A_231 = arith.constant 0 : i32
      %dma_wait3A_232 = arith.constant 0 : i32
      %dma_wait3A_233 = tpu.memref_slice %arg8[%dma_wait3A_230, %dma_wait3A_231, %dma_wait3A_232] : memref<4x256x64xf32, #tpu.memory_space<vmem>> -> memref<1x256x64xf32, #tpu.memory_space<vmem>>
      %dma_wait3A_234 = tpu.memref_squeeze %dma_wait3A_233 : memref<1x256x64xf32, #tpu.memory_space<vmem>> -> memref<256x64xf32, #tpu.memory_space<vmem>>
      %dma_wait3A_235 = tpu.memref_slice %arg6[%mul3A_229] : memref<10240xi32, #tpu.memory_space<vmem>> -> memref<256xi32, #tpu.memory_space<vmem>>
      %dma_wait3A_236 = arith.constant 0 : i32
      %dma_wait3A_237 = arith.constant 0 : i32
      %dma_wait3A_238 = tpu.memref_slice %arg9[%dma_wait3A_236, %dma_wait3A_237] : memref<10240x64xf32, #tpu.memory_space<vmem_shared>> -> memref<10240x64xf32, #tpu.memory_space<vmem_shared>>
      tpu.wait_indirect_dma semaphore(%arg17 : memref<!tpu.dma_semaphore, #tpu.memory_space<semaphore_mem>>) src(%dma_wait3A_234 : memref<256x64xf32, #tpu.memory_space<vmem>>) dst(%dma_wait3A_238 : memref<10240x64xf32, #tpu.memory_space<vmem_shared>>)
      %lt3A_239 = arith.constant 9 : i32
      %lt3A_240 = arith.cmpi slt, %scan3A_69, %lt3A_239 : i32
      %convert_element_type3A_241 = arith.extui %lt3A_240 : i1 to i32
      %cond3A_242 = arith.constant 0 : i32
      %cond3A_243 = arith.cmpi ne, %convert_element_type3A_241, %cond3A_242 : i32
      scf.if %cond3A_243 {
        %add3A_244 = arith.constant 3 : i32
        %add3A_245 = arith.addi %mul3A_71, %add3A_244 : i32
        %add3A_246 = arith.constant 4 : i32
        %add3A_247 = arith.addi %add3A_245, %add3A_246 : i32
        %mul3A_248 = arith.constant 256 : i32
        %mul3A_249 = arith.muli %mul3A_248, %add3A_247 : i32
        %dma_start3A_250 = arith.constant 3 : i32
        %dma_start3A_251 = arith.constant 0 : i32
        %dma_start3A_252 = arith.constant 0 : i32
        %dma_start3A_253 = tpu.memref_slice %arg8[%dma_start3A_250, %dma_start3A_251, %dma_start3A_252] : memref<4x256x64xf32, #tpu.memory_space<vmem>> -> memref<1x256x64xf32, #tpu.memory_space<vmem>>
        %dma_start3A_254 = tpu.memref_squeeze %dma_start3A_253 : memref<1x256x64xf32, #tpu.memory_space<vmem>> -> memref<256x64xf32, #tpu.memory_space<vmem>>
        %dma_start3A_255 = tpu.memref_slice %arg7[%mul3A_249] : memref<10240xi32, #tpu.memory_space<vmem>> -> memref<256xi32, #tpu.memory_space<vmem>>
        %dma_start3A_256 = arith.constant 0 : i32
        %dma_start3A_257 = arith.constant 0 : i32
        %dma_start3A_258 = tpu.memref_slice %arg2[%dma_start3A_256, %dma_start3A_257] : memref<10240x64xf32, #tpu.memory_space<hbm>> -> memref<10240x64xf32, #tpu.memory_space<hbm>>
        tpu.enqueue_indirect_dma source(%dma_start3A_258 : memref<10240x64xf32, #tpu.memory_space<hbm>>) target(%dma_start3A_254 : memref<256x64xf32, #tpu.memory_space<vmem>>) offsets(%dma_start3A_255 : memref<256xi32, #tpu.memory_space<vmem>>) semaphore(%arg13 : memref<!tpu.dma_semaphore, #tpu.memory_space<semaphore_mem>>)
      } else {
      }
    }
    %scan3A_67 = arith.constant 10 : i32
    %barrier3A_68 = arith.constant 0 : index
    tpu.barrier barrier_id(%barrier3A_68)
    "tpu.region"() ({
      %run_scoped3A_69 = tpu.sem_alloc : memref<!tpu.dma_semaphore, #tpu.memory_space<semaphore_mem>>
      %dma_start3A_70 = arith.constant 0 : i32
      %dma_start3A_71 = tpu.memref_slice %arg5[%arg0, %mul3A_2, %dma_start3A_70] : memref<2x10240x64xf32, #tpu.memory_space<hbm>> -> memref<1x640x64xf32, #tpu.memory_space<hbm>>
      %dma_start3A_72 = tpu.memref_squeeze %dma_start3A_71 : memref<1x640x64xf32, #tpu.memory_space<hbm>> -> memref<640x64xf32, #tpu.memory_space<hbm>>
      %dma_start3A_73 = arith.constant 0 : i32
      %dma_start3A_74 = tpu.memref_slice %arg9[%mul3A_2, %dma_start3A_73] : memref<10240x64xf32, #tpu.memory_space<vmem_shared>> -> memref<640x64xf32, #tpu.memory_space<vmem_shared>>
      tpu.enqueue_dma source(%dma_start3A_74 : memref<640x64xf32, #tpu.memory_space<vmem_shared>>) target(%dma_start3A_72 : memref<640x64xf32, #tpu.memory_space<hbm>>) target_semaphore(%run_scoped3A_69 : memref<!tpu.dma_semaphore, #tpu.memory_space<semaphore_mem>>)
      %dma_wait3A = arith.constant 0 : i32
      %dma_wait3A_75 = tpu.memref_slice %arg5[%arg0, %mul3A_2, %dma_wait3A] : memref<2x10240x64xf32, #tpu.memory_space<hbm>> -> memref<1x640x64xf32, #tpu.memory_space<hbm>>
      %dma_wait3A_76 = tpu.memref_squeeze %dma_wait3A_75 : memref<1x640x64xf32, #tpu.memory_space<hbm>> -> memref<640x64xf32, #tpu.memory_space<hbm>>
      %dma_wait3A_77 = arith.constant 0 : i32
      %dma_wait3A_78 = tpu.memref_slice %arg9[%mul3A_2, %dma_wait3A_77] : memref<10240x64xf32, #tpu.memory_space<vmem_shared>> -> memref<640x64xf32, #tpu.memory_space<vmem_shared>>
      tpu.wait_dma2 semaphore(%run_scoped3A_69 : memref<!tpu.dma_semaphore, #tpu.memory_space<semaphore_mem>>) src(%dma_wait3A_78 : memref<640x64xf32, #tpu.memory_space<vmem_shared>>) dst(%dma_wait3A_76 : memref<640x64xf32, #tpu.memory_space<hbm>>)
      tpu.yield
    }) : () -> ()
    return
  }
}

#map = affine_map<(d0, d1) -> (0, 0)>
module attributes {stable_mosaic.version = 14 : i64} {
  func.func @deg_kernel(%arg0: i32, %arg1: i32, %arg2: memref<32x10240xi32, #tpu.memory_space<hbm>>, %arg3: memref<2x10240xf32, #tpu.memory_space<hbm>>, %arg4: memref<10240xi32, #tpu.memory_space<vmem>>, %arg5: memref<10240xf32, #tpu.memory_space<vmem>>, %arg6: memref<640xf32, #tpu.memory_space<vmem>>, %arg7: memref<10240xf32, #tpu.memory_space<vmem_shared>>, %arg8: memref<!tpu.dma_semaphore, #tpu.memory_space<semaphore_mem>>) attributes {dimension_semantics = [#tpu.dimension_semantics<core_parallel>, #tpu.dimension_semantics<subcore_parallel>], iteration_bounds = array<i64: 2, 16>, scalar_prefetch = 0 : i64, scratch_operands = 5 : i64, tpu.core_type = #tpu.core_type<sc_vector_subcore>, window_params = [{transform_indices = #map}, {transform_indices = #map}]} {
    %mul3A = arith.constant 2 : i32
    %mul3A_0 = arith.muli %arg1, %mul3A : i32
    %add3A = arith.addi %mul3A_0, %arg0 : i32
    "tpu.region"() ({
      %run_scoped3A = tpu.sem_alloc : memref<!tpu.dma_semaphore, #tpu.memory_space<semaphore_mem>>
      %dma_start3A_21 = arith.constant 0 : i32
      %dma_start3A_22 = tpu.memref_slice %arg2[%add3A, %dma_start3A_21] : memref<32x10240xi32, #tpu.memory_space<hbm>> -> memref<1x10240xi32, #tpu.memory_space<hbm>>
      %dma_start3A_23 = tpu.memref_squeeze %dma_start3A_22 : memref<1x10240xi32, #tpu.memory_space<hbm>> -> memref<10240xi32, #tpu.memory_space<hbm>>
      %dma_start3A_24 = arith.constant 0 : i32
      %dma_start3A_25 = tpu.memref_slice %arg2[%add3A, %dma_start3A_24] : memref<32x10240xi32, #tpu.memory_space<hbm>> -> memref<1x10240xi32, #tpu.memory_space<hbm>>
      %dma_start3A_26 = tpu.memref_squeeze %dma_start3A_25 : memref<1x10240xi32, #tpu.memory_space<hbm>> -> memref<10240xi32, #tpu.memory_space<hbm>>
      tpu.enqueue_dma source(%dma_start3A_26 : memref<10240xi32, #tpu.memory_space<hbm>>) target(%arg4 : memref<10240xi32, #tpu.memory_space<vmem>>) target_semaphore(%run_scoped3A : memref<!tpu.dma_semaphore, #tpu.memory_space<semaphore_mem>>)
      %dma_wait3A_27 = arith.constant 0 : i32
      %dma_wait3A_28 = tpu.memref_slice %arg2[%add3A, %dma_wait3A_27] : memref<32x10240xi32, #tpu.memory_space<hbm>> -> memref<1x10240xi32, #tpu.memory_space<hbm>>
      %dma_wait3A_29 = tpu.memref_squeeze %dma_wait3A_28 : memref<1x10240xi32, #tpu.memory_space<hbm>> -> memref<10240xi32, #tpu.memory_space<hbm>>
      %dma_wait3A_30 = arith.constant 0 : i32
      %dma_wait3A_31 = tpu.memref_slice %arg2[%add3A, %dma_wait3A_30] : memref<32x10240xi32, #tpu.memory_space<hbm>> -> memref<1x10240xi32, #tpu.memory_space<hbm>>
      %dma_wait3A_32 = tpu.memref_squeeze %dma_wait3A_31 : memref<1x10240xi32, #tpu.memory_space<hbm>> -> memref<10240xi32, #tpu.memory_space<hbm>>
      tpu.wait_dma2 semaphore(%run_scoped3A : memref<!tpu.dma_semaphore, #tpu.memory_space<semaphore_mem>>) src(%dma_wait3A_32 : memref<10240xi32, #tpu.memory_space<hbm>>) dst(%arg4 : memref<10240xi32, #tpu.memory_space<vmem>>)
      tpu.yield
    }) : () -> ()
    %scan3A = arith.constant 0 : i32
    %scan3A_1 = arith.constant 0 : i32
    %scan3A_2 = arith.constant 80 : i32
    %scan3A_3 = arith.addi %scan3A_1, %scan3A_2 : i32
    %scan3A_4 = arith.constant 1 : i32
    scf.for %scan3A_21 = %scan3A_1 to %scan3A_3 step %scan3A_4  : i32 {
      %broadcast_in_dim3A = arith.constant 1.000000e+00 : f32
      %broadcast_in_dim3A_22 = vector.broadcast %broadcast_in_dim3A : f32 to vector<16xf32>
      %mul3A_23 = arith.constant 8 : i32
      %mul3A_24 = arith.muli %mul3A_23, %scan3A_21 : i32
      %add3A_25 = arith.constant 0 : i32
      %add3A_26 = arith.addi %mul3A_24, %add3A_25 : i32
      %mul3A_27 = arith.constant 16 : i32
      %mul3A_28 = arith.muli %add3A_26, %mul3A_27 : i32
      %swap3A = arith.index_cast %mul3A_28 : i32 to index
      %swap3A_29 = tpu.vector_load %arg5[%swap3A] {strides = array<i32>} : memref<10240xf32, #tpu.memory_space<vmem>>, vector<16xf32>,
      %swap3A_30 = vector.shape_cast %swap3A_29 : vector<16xf32> to vector<16xf32>
      %swap3A_31 = vector.shape_cast %broadcast_in_dim3A_22 : vector<16xf32> to vector<16xf32>
      tpu.vector_store %arg5[%swap3A], %swap3A_31 {strides = array<i32>} : memref<10240xf32, #tpu.memory_space<vmem>>, vector<16xf32>,
      %broadcast_in_dim3A_32 = arith.constant 1.000000e+00 : f32
      %broadcast_in_dim3A_33 = vector.broadcast %broadcast_in_dim3A_32 : f32 to vector<16xf32>
      %mul3A_34 = arith.constant 8 : i32
      %mul3A_35 = arith.muli %mul3A_34, %scan3A_21 : i32
      %add3A_36 = arith.constant 1 : i32
      %add3A_37 = arith.addi %mul3A_35, %add3A_36 : i32
      %mul3A_38 = arith.constant 16 : i32
      %mul3A_39 = arith.muli %add3A_37, %mul3A_38 : i32
      %swap3A_40 = arith.index_cast %mul3A_39 : i32 to index
      %swap3A_41 = tpu.vector_load %arg5[%swap3A_40] {strides = array<i32>} : memref<10240xf32, #tpu.memory_space<vmem>>, vector<16xf32>,
      %swap3A_42 = vector.shape_cast %swap3A_41 : vector<16xf32> to vector<16xf32>
      %swap3A_43 = vector.shape_cast %broadcast_in_dim3A_33 : vector<16xf32> to vector<16xf32>
      tpu.vector_store %arg5[%swap3A_40], %swap3A_43 {strides = array<i32>} : memref<10240xf32, #tpu.memory_space<vmem>>, vector<16xf32>,
      %broadcast_in_dim3A_44 = arith.constant 1.000000e+00 : f32
      %broadcast_in_dim3A_45 = vector.broadcast %broadcast_in_dim3A_44 : f32 to vector<16xf32>
      %mul3A_46 = arith.constant 8 : i32
      %mul3A_47 = arith.muli %mul3A_46, %scan3A_21 : i32
      %add3A_48 = arith.constant 2 : i32
      %add3A_49 = arith.addi %mul3A_47, %add3A_48 : i32
      %mul3A_50 = arith.constant 16 : i32
      %mul3A_51 = arith.muli %add3A_49, %mul3A_50 : i32
      %swap3A_52 = arith.index_cast %mul3A_51 : i32 to index
      %swap3A_53 = tpu.vector_load %arg5[%swap3A_52] {strides = array<i32>} : memref<10240xf32, #tpu.memory_space<vmem>>, vector<16xf32>,
      %swap3A_54 = vector.shape_cast %swap3A_53 : vector<16xf32> to vector<16xf32>
      %swap3A_55 = vector.shape_cast %broadcast_in_dim3A_45 : vector<16xf32> to vector<16xf32>
      tpu.vector_store %arg5[%swap3A_52], %swap3A_55 {strides = array<i32>} : memref<10240xf32, #tpu.memory_space<vmem>>, vector<16xf32>,
      %broadcast_in_dim3A_56 = arith.constant 1.000000e+00 : f32
      %broadcast_in_dim3A_57 = vector.broadcast %broadcast_in_dim3A_56 : f32 to vector<16xf32>
      %mul3A_58 = arith.constant 8 : i32
      %mul3A_59 = arith.muli %mul3A_58, %scan3A_21 : i32
      %add3A_60 = arith.constant 3 : i32
      %add3A_61 = arith.addi %mul3A_59, %add3A_60 : i32
      %mul3A_62 = arith.constant 16 : i32
      %mul3A_63 = arith.muli %add3A_61, %mul3A_62 : i32
      %swap3A_64 = arith.index_cast %mul3A_63 : i32 to index
      %swap3A_65 = tpu.vector_load %arg5[%swap3A_64] {strides = array<i32>} : memref<10240xf32, #tpu.memory_space<vmem>>, vector<16xf32>,
      %swap3A_66 = vector.shape_cast %swap3A_65 : vector<16xf32> to vector<16xf32>
      %swap3A_67 = vector.shape_cast %broadcast_in_dim3A_57 : vector<16xf32> to vector<16xf32>
      tpu.vector_store %arg5[%swap3A_64], %swap3A_67 {strides = array<i32>} : memref<10240xf32, #tpu.memory_space<vmem>>, vector<16xf32>,
      %broadcast_in_dim3A_68 = arith.constant 1.000000e+00 : f32
      %broadcast_in_dim3A_69 = vector.broadcast %broadcast_in_dim3A_68 : f32 to vector<16xf32>
      %mul3A_70 = arith.constant 8 : i32
      %mul3A_71 = arith.muli %mul3A_70, %scan3A_21 : i32
      %add3A_72 = arith.constant 4 : i32
      %add3A_73 = arith.addi %mul3A_71, %add3A_72 : i32
      %mul3A_74 = arith.constant 16 : i32
      %mul3A_75 = arith.muli %add3A_73, %mul3A_74 : i32
      %swap3A_76 = arith.index_cast %mul3A_75 : i32 to index
      %swap3A_77 = tpu.vector_load %arg5[%swap3A_76] {strides = array<i32>} : memref<10240xf32, #tpu.memory_space<vmem>>, vector<16xf32>,
      %swap3A_78 = vector.shape_cast %swap3A_77 : vector<16xf32> to vector<16xf32>
      %swap3A_79 = vector.shape_cast %broadcast_in_dim3A_69 : vector<16xf32> to vector<16xf32>
      tpu.vector_store %arg5[%swap3A_76], %swap3A_79 {strides = array<i32>} : memref<10240xf32, #tpu.memory_space<vmem>>, vector<16xf32>,
      %broadcast_in_dim3A_80 = arith.constant 1.000000e+00 : f32
      %broadcast_in_dim3A_81 = vector.broadcast %broadcast_in_dim3A_80 : f32 to vector<16xf32>
      %mul3A_82 = arith.constant 8 : i32
      %mul3A_83 = arith.muli %mul3A_82, %scan3A_21 : i32
      %add3A_84 = arith.constant 5 : i32
      %add3A_85 = arith.addi %mul3A_83, %add3A_84 : i32
      %mul3A_86 = arith.constant 16 : i32
      %mul3A_87 = arith.muli %add3A_85, %mul3A_86 : i32
      %swap3A_88 = arith.index_cast %mul3A_87 : i32 to index
      %swap3A_89 = tpu.vector_load %arg5[%swap3A_88] {strides = array<i32>} : memref<10240xf32, #tpu.memory_space<vmem>>, vector<16xf32>,
      %swap3A_90 = vector.shape_cast %swap3A_89 : vector<16xf32> to vector<16xf32>
      %swap3A_91 = vector.shape_cast %broadcast_in_dim3A_81 : vector<16xf32> to vector<16xf32>
      tpu.vector_store %arg5[%swap3A_88], %swap3A_91 {strides = array<i32>} : memref<10240xf32, #tpu.memory_space<vmem>>, vector<16xf32>,
      %broadcast_in_dim3A_92 = arith.constant 1.000000e+00 : f32
      %broadcast_in_dim3A_93 = vector.broadcast %broadcast_in_dim3A_92 : f32 to vector<16xf32>
      %mul3A_94 = arith.constant 8 : i32
      %mul3A_95 = arith.muli %mul3A_94, %scan3A_21 : i32
      %add3A_96 = arith.constant 6 : i32
      %add3A_97 = arith.addi %mul3A_95, %add3A_96 : i32
      %mul3A_98 = arith.constant 16 : i32
      %mul3A_99 = arith.muli %add3A_97, %mul3A_98 : i32
      %swap3A_100 = arith.index_cast %mul3A_99 : i32 to index
      %swap3A_101 = tpu.vector_load %arg5[%swap3A_100] {strides = array<i32>} : memref<10240xf32, #tpu.memory_space<vmem>>, vector<16xf32>,
      %swap3A_102 = vector.shape_cast %swap3A_101 : vector<16xf32> to vector<16xf32>
      %swap3A_103 = vector.shape_cast %broadcast_in_dim3A_93 : vector<16xf32> to vector<16xf32>
      tpu.vector_store %arg5[%swap3A_100], %swap3A_103 {strides = array<i32>} : memref<10240xf32, #tpu.memory_space<vmem>>, vector<16xf32>,
      %broadcast_in_dim3A_104 = arith.constant 1.000000e+00 : f32
      %broadcast_in_dim3A_105 = vector.broadcast %broadcast_in_dim3A_104 : f32 to vector<16xf32>
      %mul3A_106 = arith.constant 8 : i32
      %mul3A_107 = arith.muli %mul3A_106, %scan3A_21 : i32
      %add3A_108 = arith.constant 7 : i32
      %add3A_109 = arith.addi %mul3A_107, %add3A_108 : i32
      %mul3A_110 = arith.constant 16 : i32
      %mul3A_111 = arith.muli %add3A_109, %mul3A_110 : i32
      %swap3A_112 = arith.index_cast %mul3A_111 : i32 to index
      %swap3A_113 = tpu.vector_load %arg5[%swap3A_112] {strides = array<i32>} : memref<10240xf32, #tpu.memory_space<vmem>>, vector<16xf32>,
      %swap3A_114 = vector.shape_cast %swap3A_113 : vector<16xf32> to vector<16xf32>
      %swap3A_115 = vector.shape_cast %broadcast_in_dim3A_105 : vector<16xf32> to vector<16xf32>
      tpu.vector_store %arg5[%swap3A_112], %swap3A_115 {strides = array<i32>} : memref<10240xf32, #tpu.memory_space<vmem>>, vector<16xf32>,
    }
    %scan3A_5 = arith.constant 80 : i32
    %scan3A_6 = arith.constant 0 : i32
    %scan3A_7 = arith.constant 0 : i32
    %scan3A_8 = arith.constant 5 : i32
    %scan3A_9 = arith.addi %scan3A_7, %scan3A_8 : i32
    %scan3A_10 = arith.constant 1 : i32
    scf.for %scan3A_21 = %scan3A_7 to %scan3A_9 step %scan3A_10  : i32 {
      %broadcast_in_dim3A = arith.constant 0.000000e+00 : f32
      %broadcast_in_dim3A_22 = vector.broadcast %broadcast_in_dim3A : f32 to vector<16xf32>
      %mul3A_23 = arith.constant 8 : i32
      %mul3A_24 = arith.muli %mul3A_23, %scan3A_21 : i32
      %add3A_25 = arith.constant 0 : i32
      %add3A_26 = arith.addi %mul3A_24, %add3A_25 : i32
      %mul3A_27 = arith.constant 16 : i32
      %mul3A_28 = arith.muli %add3A_26, %mul3A_27 : i32
      %swap3A = arith.index_cast %mul3A_28 : i32 to index
      %swap3A_29 = tpu.vector_load %arg6[%swap3A] {strides = array<i32>} : memref<640xf32, #tpu.memory_space<vmem>>, vector<16xf32>,
      %swap3A_30 = vector.shape_cast %swap3A_29 : vector<16xf32> to vector<16xf32>
      %swap3A_31 = vector.shape_cast %broadcast_in_dim3A_22 : vector<16xf32> to vector<16xf32>
      tpu.vector_store %arg6[%swap3A], %swap3A_31 {strides = array<i32>} : memref<640xf32, #tpu.memory_space<vmem>>, vector<16xf32>,
      %broadcast_in_dim3A_32 = arith.constant 0.000000e+00 : f32
      %broadcast_in_dim3A_33 = vector.broadcast %broadcast_in_dim3A_32 : f32 to vector<16xf32>
      %mul3A_34 = arith.constant 8 : i32
      %mul3A_35 = arith.muli %mul3A_34, %scan3A_21 : i32
      %add3A_36 = arith.constant 1 : i32
      %add3A_37 = arith.addi %mul3A_35, %add3A_36 : i32
      %mul3A_38 = arith.constant 16 : i32
      %mul3A_39 = arith.muli %add3A_37, %mul3A_38 : i32
      %swap3A_40 = arith.index_cast %mul3A_39 : i32 to index
      %swap3A_41 = tpu.vector_load %arg6[%swap3A_40] {strides = array<i32>} : memref<640xf32, #tpu.memory_space<vmem>>, vector<16xf32>,
      %swap3A_42 = vector.shape_cast %swap3A_41 : vector<16xf32> to vector<16xf32>
      %swap3A_43 = vector.shape_cast %broadcast_in_dim3A_33 : vector<16xf32> to vector<16xf32>
      tpu.vector_store %arg6[%swap3A_40], %swap3A_43 {strides = array<i32>} : memref<640xf32, #tpu.memory_space<vmem>>, vector<16xf32>,
      %broadcast_in_dim3A_44 = arith.constant 0.000000e+00 : f32
      %broadcast_in_dim3A_45 = vector.broadcast %broadcast_in_dim3A_44 : f32 to vector<16xf32>
      %mul3A_46 = arith.constant 8 : i32
      %mul3A_47 = arith.muli %mul3A_46, %scan3A_21 : i32
      %add3A_48 = arith.constant 2 : i32
      %add3A_49 = arith.addi %mul3A_47, %add3A_48 : i32
      %mul3A_50 = arith.constant 16 : i32
      %mul3A_51 = arith.muli %add3A_49, %mul3A_50 : i32
      %swap3A_52 = arith.index_cast %mul3A_51 : i32 to index
      %swap3A_53 = tpu.vector_load %arg6[%swap3A_52] {strides = array<i32>} : memref<640xf32, #tpu.memory_space<vmem>>, vector<16xf32>,
      %swap3A_54 = vector.shape_cast %swap3A_53 : vector<16xf32> to vector<16xf32>
      %swap3A_55 = vector.shape_cast %broadcast_in_dim3A_45 : vector<16xf32> to vector<16xf32>
      tpu.vector_store %arg6[%swap3A_52], %swap3A_55 {strides = array<i32>} : memref<640xf32, #tpu.memory_space<vmem>>, vector<16xf32>,
      %broadcast_in_dim3A_56 = arith.constant 0.000000e+00 : f32
      %broadcast_in_dim3A_57 = vector.broadcast %broadcast_in_dim3A_56 : f32 to vector<16xf32>
      %mul3A_58 = arith.constant 8 : i32
      %mul3A_59 = arith.muli %mul3A_58, %scan3A_21 : i32
      %add3A_60 = arith.constant 3 : i32
      %add3A_61 = arith.addi %mul3A_59, %add3A_60 : i32
      %mul3A_62 = arith.constant 16 : i32
      %mul3A_63 = arith.muli %add3A_61, %mul3A_62 : i32
      %swap3A_64 = arith.index_cast %mul3A_63 : i32 to index
      %swap3A_65 = tpu.vector_load %arg6[%swap3A_64] {strides = array<i32>} : memref<640xf32, #tpu.memory_space<vmem>>, vector<16xf32>,
      %swap3A_66 = vector.shape_cast %swap3A_65 : vector<16xf32> to vector<16xf32>
      %swap3A_67 = vector.shape_cast %broadcast_in_dim3A_57 : vector<16xf32> to vector<16xf32>
      tpu.vector_store %arg6[%swap3A_64], %swap3A_67 {strides = array<i32>} : memref<640xf32, #tpu.memory_space<vmem>>, vector<16xf32>,
      %broadcast_in_dim3A_68 = arith.constant 0.000000e+00 : f32
      %broadcast_in_dim3A_69 = vector.broadcast %broadcast_in_dim3A_68 : f32 to vector<16xf32>
      %mul3A_70 = arith.constant 8 : i32
      %mul3A_71 = arith.muli %mul3A_70, %scan3A_21 : i32
      %add3A_72 = arith.constant 4 : i32
      %add3A_73 = arith.addi %mul3A_71, %add3A_72 : i32
      %mul3A_74 = arith.constant 16 : i32
      %mul3A_75 = arith.muli %add3A_73, %mul3A_74 : i32
      %swap3A_76 = arith.index_cast %mul3A_75 : i32 to index
      %swap3A_77 = tpu.vector_load %arg6[%swap3A_76] {strides = array<i32>} : memref<640xf32, #tpu.memory_space<vmem>>, vector<16xf32>,
      %swap3A_78 = vector.shape_cast %swap3A_77 : vector<16xf32> to vector<16xf32>
      %swap3A_79 = vector.shape_cast %broadcast_in_dim3A_69 : vector<16xf32> to vector<16xf32>
      tpu.vector_store %arg6[%swap3A_76], %swap3A_79 {strides = array<i32>} : memref<640xf32, #tpu.memory_space<vmem>>, vector<16xf32>,
      %broadcast_in_dim3A_80 = arith.constant 0.000000e+00 : f32
      %broadcast_in_dim3A_81 = vector.broadcast %broadcast_in_dim3A_80 : f32 to vector<16xf32>
      %mul3A_82 = arith.constant 8 : i32
      %mul3A_83 = arith.muli %mul3A_82, %scan3A_21 : i32
      %add3A_84 = arith.constant 5 : i32
      %add3A_85 = arith.addi %mul3A_83, %add3A_84 : i32
      %mul3A_86 = arith.constant 16 : i32
      %mul3A_87 = arith.muli %add3A_85, %mul3A_86 : i32
      %swap3A_88 = arith.index_cast %mul3A_87 : i32 to index
      %swap3A_89 = tpu.vector_load %arg6[%swap3A_88] {strides = array<i32>} : memref<640xf32, #tpu.memory_space<vmem>>, vector<16xf32>,
      %swap3A_90 = vector.shape_cast %swap3A_89 : vector<16xf32> to vector<16xf32>
      %swap3A_91 = vector.shape_cast %broadcast_in_dim3A_81 : vector<16xf32> to vector<16xf32>
      tpu.vector_store %arg6[%swap3A_88], %swap3A_91 {strides = array<i32>} : memref<640xf32, #tpu.memory_space<vmem>>, vector<16xf32>,
      %broadcast_in_dim3A_92 = arith.constant 0.000000e+00 : f32
      %broadcast_in_dim3A_93 = vector.broadcast %broadcast_in_dim3A_92 : f32 to vector<16xf32>
      %mul3A_94 = arith.constant 8 : i32
      %mul3A_95 = arith.muli %mul3A_94, %scan3A_21 : i32
      %add3A_96 = arith.constant 6 : i32
      %add3A_97 = arith.addi %mul3A_95, %add3A_96 : i32
      %mul3A_98 = arith.constant 16 : i32
      %mul3A_99 = arith.muli %add3A_97, %mul3A_98 : i32
      %swap3A_100 = arith.index_cast %mul3A_99 : i32 to index
      %swap3A_101 = tpu.vector_load %arg6[%swap3A_100] {strides = array<i32>} : memref<640xf32, #tpu.memory_space<vmem>>, vector<16xf32>,
      %swap3A_102 = vector.shape_cast %swap3A_101 : vector<16xf32> to vector<16xf32>
      %swap3A_103 = vector.shape_cast %broadcast_in_dim3A_93 : vector<16xf32> to vector<16xf32>
      tpu.vector_store %arg6[%swap3A_100], %swap3A_103 {strides = array<i32>} : memref<640xf32, #tpu.memory_space<vmem>>, vector<16xf32>,
      %broadcast_in_dim3A_104 = arith.constant 0.000000e+00 : f32
      %broadcast_in_dim3A_105 = vector.broadcast %broadcast_in_dim3A_104 : f32 to vector<16xf32>
      %mul3A_106 = arith.constant 8 : i32
      %mul3A_107 = arith.muli %mul3A_106, %scan3A_21 : i32
      %add3A_108 = arith.constant 7 : i32
      %add3A_109 = arith.addi %mul3A_107, %add3A_108 : i32
      %mul3A_110 = arith.constant 16 : i32
      %mul3A_111 = arith.muli %add3A_109, %mul3A_110 : i32
      %swap3A_112 = arith.index_cast %mul3A_111 : i32 to index
      %swap3A_113 = tpu.vector_load %arg6[%swap3A_112] {strides = array<i32>} : memref<640xf32, #tpu.memory_space<vmem>>, vector<16xf32>,
      %swap3A_114 = vector.shape_cast %swap3A_113 : vector<16xf32> to vector<16xf32>
      %swap3A_115 = vector.shape_cast %broadcast_in_dim3A_105 : vector<16xf32> to vector<16xf32>
      tpu.vector_store %arg6[%swap3A_112], %swap3A_115 {strides = array<i32>} : memref<640xf32, #tpu.memory_space<vmem>>, vector<16xf32>,
    }
    %scan3A_11 = arith.constant 5 : i32
    %mul3A_12 = arith.constant 640 : i32
    %mul3A_13 = arith.muli %arg1, %mul3A_12 : i32
    "tpu.region"() ({
      %run_scoped3A = tpu.sem_alloc : memref<!tpu.dma_semaphore, #tpu.memory_space<semaphore_mem>>
      %dma_start3A_21 = tpu.memref_slice %arg7[%mul3A_13] : memref<10240xf32, #tpu.memory_space<vmem_shared>> -> memref<640xf32, #tpu.memory_space<vmem_shared>>
      %dma_start3A_22 = tpu.memref_slice %arg7[%mul3A_13] : memref<10240xf32, #tpu.memory_space<vmem_shared>> -> memref<640xf32, #tpu.memory_space<vmem_shared>>
      tpu.enqueue_dma source(%arg6 : memref<640xf32, #tpu.memory_space<vmem>>) target(%dma_start3A_22 : memref<640xf32, #tpu.memory_space<vmem_shared>>) target_semaphore(%run_scoped3A : memref<!tpu.dma_semaphore, #tpu.memory_space<semaphore_mem>>)
      %dma_wait3A_23 = tpu.memref_slice %arg7[%mul3A_13] : memref<10240xf32, #tpu.memory_space<vmem_shared>> -> memref<640xf32, #tpu.memory_space<vmem_shared>>
      %dma_wait3A_24 = tpu.memref_slice %arg7[%mul3A_13] : memref<10240xf32, #tpu.memory_space<vmem_shared>> -> memref<640xf32, #tpu.memory_space<vmem_shared>>
      tpu.wait_dma2 semaphore(%run_scoped3A : memref<!tpu.dma_semaphore, #tpu.memory_space<semaphore_mem>>) src(%arg6 : memref<640xf32, #tpu.memory_space<vmem>>) dst(%dma_wait3A_24 : memref<640xf32, #tpu.memory_space<vmem_shared>>)
      tpu.yield
    }) : () -> ()
    %barrier3A = arith.constant 0 : index
    tpu.barrier barrier_id(%barrier3A)
    %dma_start3A = arith.constant 0 : i32
    %dma_start3A_14 = tpu.memref_slice %arg7[%dma_start3A] : memref<10240xf32, #tpu.memory_space<vmem_shared>> -> memref<10240xf32, #tpu.memory_space<vmem_shared>>
    tpu.enqueue_indirect_dma source(%arg5 : memref<10240xf32, #tpu.memory_space<vmem>>) target(%dma_start3A_14 : memref<10240xf32, #tpu.memory_space<vmem_shared>>) offsets(%arg4 : memref<10240xi32, #tpu.memory_space<vmem>>) semaphore(%arg8 : memref<!tpu.dma_semaphore, #tpu.memory_space<semaphore_mem>>) {add = true}
    %dma_wait3A = arith.constant 0 : i32
    %dma_wait3A_15 = tpu.memref_slice %arg7[%dma_wait3A] : memref<10240xf32, #tpu.memory_space<vmem_shared>> -> memref<10240xf32, #tpu.memory_space<vmem_shared>>
    tpu.wait_indirect_dma semaphore(%arg8 : memref<!tpu.dma_semaphore, #tpu.memory_space<semaphore_mem>>) src(%arg5 : memref<10240xf32, #tpu.memory_space<vmem>>) dst(%dma_wait3A_15 : memref<10240xf32, #tpu.memory_space<vmem_shared>>)
    %barrier3A_16 = arith.constant 0 : index
    tpu.barrier barrier_id(%barrier3A_16)
    %mul3A_17 = arith.constant 640 : i32
    %mul3A_18 = arith.muli %arg1, %mul3A_17 : i32
    %mul3A_19 = arith.constant 640 : i32
    %mul3A_20 = arith.muli %arg1, %mul3A_19 : i32
    "tpu.region"() ({
      %run_scoped3A = tpu.sem_alloc : memref<!tpu.dma_semaphore, #tpu.memory_space<semaphore_mem>>
      %dma_start3A_21 = tpu.memref_slice %arg3[%arg0, %mul3A_20] : memref<2x10240xf32, #tpu.memory_space<hbm>> -> memref<1x640xf32, #tpu.memory_space<hbm>>
      %dma_start3A_22 = tpu.memref_squeeze %dma_start3A_21 : memref<1x640xf32, #tpu.memory_space<hbm>> -> memref<640xf32, #tpu.memory_space<hbm>>
      %dma_start3A_23 = tpu.memref_slice %arg7[%mul3A_18] : memref<10240xf32, #tpu.memory_space<vmem_shared>> -> memref<640xf32, #tpu.memory_space<vmem_shared>>
      tpu.enqueue_dma source(%dma_start3A_23 : memref<640xf32, #tpu.memory_space<vmem_shared>>) target(%dma_start3A_22 : memref<640xf32, #tpu.memory_space<hbm>>) target_semaphore(%run_scoped3A : memref<!tpu.dma_semaphore, #tpu.memory_space<semaphore_mem>>)
      %dma_wait3A_24 = tpu.memref_slice %arg3[%arg0, %mul3A_20] : memref<2x10240xf32, #tpu.memory_space<hbm>> -> memref<1x640xf32, #tpu.memory_space<hbm>>
      %dma_wait3A_25 = tpu.memref_squeeze %dma_wait3A_24 : memref<1x640xf32, #tpu.memory_space<hbm>> -> memref<640xf32, #tpu.memory_space<hbm>>
      %dma_wait3A_26 = tpu.memref_slice %arg7[%mul3A_18] : memref<10240xf32, #tpu.memory_space<vmem_shared>> -> memref<640xf32, #tpu.memory_space<vmem_shared>>
      tpu.wait_dma2 semaphore(%run_scoped3A : memref<!tpu.dma_semaphore, #tpu.memory_space<semaphore_mem>>) src(%dma_wait3A_26 : memref<640xf32, #tpu.memory_space<vmem_shared>>) dst(%dma_wait3A_25 : memref<640xf32, #tpu.memory_space<hbm>>)
      tpu.yield
    }) : () -> ()
    return
  }
}

#map = affine_map<(d0, d1) -> (0, 0)>
#map1 = affine_map<(d0, d1) -> (0, 0, 0)>
module attributes {stable_mosaic.version = 14 : i64} {
  func.func @msg2(%arg0: i32, %arg1: i32, %arg2: memref<10240x64xf32, #tpu.memory_space<hbm>>, %arg3: memref<32x10240xi32, #tpu.memory_space<hbm>>, %arg4: memref<32x10240xi32, #tpu.memory_space<hbm>>, %arg5: memref<2x10240x64xf32, #tpu.memory_space<hbm>>, %arg6: memref<10240xi32, #tpu.memory_space<vmem>>, %arg7: memref<10240xi32, #tpu.memory_space<vmem>>, %arg8: memref<4x256x64xf32, #tpu.memory_space<vmem>>, %arg9: memref<10240x64xf32, #tpu.memory_space<vmem_shared>>, %arg10: memref<!tpu.dma_semaphore, #tpu.memory_space<semaphore_mem>>, %arg11: memref<!tpu.dma_semaphore, #tpu.memory_space<semaphore_mem>>, %arg12: memref<!tpu.dma_semaphore, #tpu.memory_space<semaphore_mem>>, %arg13: memref<!tpu.dma_semaphore, #tpu.memory_space<semaphore_mem>>, %arg14: memref<!tpu.dma_semaphore, #tpu.memory_space<semaphore_mem>>, %arg15: memref<!tpu.dma_semaphore, #tpu.memory_space<semaphore_mem>>, %arg16: memref<!tpu.dma_semaphore, #tpu.memory_space<semaphore_mem>>, %arg17: memref<!tpu.dma_semaphore, #tpu.memory_space<semaphore_mem>>) attributes {dimension_semantics = [#tpu.dimension_semantics<core_parallel>, #tpu.dimension_semantics<subcore_parallel>], iteration_bounds = array<i64: 2, 16>, scalar_prefetch = 0 : i64, scratch_operands = 12 : i64, tpu.core_type = #tpu.core_type<sc_vector_subcore>, window_params = [{transform_indices = #map}, {transform_indices = #map}, {transform_indices = #map}, {transform_indices = #map1}]} {
    %mul3A = arith.constant 2 : i32
    %mul3A_0 = arith.muli %arg1, %mul3A : i32
    %add3A = arith.addi %mul3A_0, %arg0 : i32
    %mul3A_1 = arith.constant 640 : i32
    %mul3A_2 = arith.muli %arg1, %mul3A_1 : i32
    "tpu.region"() ({
      %run_scoped3A_69 = tpu.sem_alloc : memref<!tpu.dma_semaphore, #tpu.memory_space<semaphore_mem>>
      %dma_start3A_70 = arith.constant 0 : i32
      %dma_start3A_71 = tpu.memref_slice %arg4[%add3A, %dma_start3A_70] : memref<32x10240xi32, #tpu.memory_space<hbm>> -> memref<1x10240xi32, #tpu.memory_space<hbm>>
      %dma_start3A_72 = tpu.memref_squeeze %dma_start3A_71 : memref<1x10240xi32, #tpu.memory_space<hbm>> -> memref<10240xi32, #tpu.memory_space<hbm>>
      %dma_start3A_73 = arith.constant 0 : i32
      %dma_start3A_74 = tpu.memref_slice %arg4[%add3A, %dma_start3A_73] : memref<32x10240xi32, #tpu.memory_space<hbm>> -> memref<1x10240xi32, #tpu.memory_space<hbm>>
      %dma_start3A_75 = tpu.memref_squeeze %dma_start3A_74 : memref<1x10240xi32, #tpu.memory_space<hbm>> -> memref<10240xi32, #tpu.memory_space<hbm>>
      tpu.enqueue_dma source(%dma_start3A_75 : memref<10240xi32, #tpu.memory_space<hbm>>) target(%arg6 : memref<10240xi32, #tpu.memory_space<vmem>>) target_semaphore(%run_scoped3A_69 : memref<!tpu.dma_semaphore, #tpu.memory_space<semaphore_mem>>)
      %dma_wait3A = arith.constant 0 : i32
      %dma_wait3A_76 = tpu.memref_slice %arg4[%add3A, %dma_wait3A] : memref<32x10240xi32, #tpu.memory_space<hbm>> -> memref<1x10240xi32, #tpu.memory_space<hbm>>
      %dma_wait3A_77 = tpu.memref_squeeze %dma_wait3A_76 : memref<1x10240xi32, #tpu.memory_space<hbm>> -> memref<10240xi32, #tpu.memory_space<hbm>>
      %dma_wait3A_78 = arith.constant 0 : i32
      %dma_wait3A_79 = tpu.memref_slice %arg4[%add3A, %dma_wait3A_78] : memref<32x10240xi32, #tpu.memory_space<hbm>> -> memref<1x10240xi32, #tpu.memory_space<hbm>>
      %dma_wait3A_80 = tpu.memref_squeeze %dma_wait3A_79 : memref<1x10240xi32, #tpu.memory_space<hbm>> -> memref<10240xi32, #tpu.memory_space<hbm>>
      tpu.wait_dma2 semaphore(%run_scoped3A_69 : memref<!tpu.dma_semaphore, #tpu.memory_space<semaphore_mem>>) src(%dma_wait3A_80 : memref<10240xi32, #tpu.memory_space<hbm>>) dst(%arg6 : memref<10240xi32, #tpu.memory_space<vmem>>)
      tpu.yield
    }) : () -> ()
    "tpu.region"() ({
      %run_scoped3A_69 = tpu.sem_alloc : memref<!tpu.dma_semaphore, #tpu.memory_space<semaphore_mem>>
      %dma_start3A_70 = arith.constant 0 : i32
      %dma_start3A_71 = tpu.memref_slice %arg3[%add3A, %dma_start3A_70] : memref<32x10240xi32, #tpu.memory_space<hbm>> -> memref<1x10240xi32, #tpu.memory_space<hbm>>
      %dma_start3A_72 = tpu.memref_squeeze %dma_start3A_71 : memref<1x10240xi32, #tpu.memory_space<hbm>> -> memref<10240xi32, #tpu.memory_space<hbm>>
      %dma_start3A_73 = arith.constant 0 : i32
      %dma_start3A_74 = tpu.memref_slice %arg3[%add3A, %dma_start3A_73] : memref<32x10240xi32, #tpu.memory_space<hbm>> -> memref<1x10240xi32, #tpu.memory_space<hbm>>
      %dma_start3A_75 = tpu.memref_squeeze %dma_start3A_74 : memref<1x10240xi32, #tpu.memory_space<hbm>> -> memref<10240xi32, #tpu.memory_space<hbm>>
      tpu.enqueue_dma source(%dma_start3A_75 : memref<10240xi32, #tpu.memory_space<hbm>>) target(%arg7 : memref<10240xi32, #tpu.memory_space<vmem>>) target_semaphore(%run_scoped3A_69 : memref<!tpu.dma_semaphore, #tpu.memory_space<semaphore_mem>>)
      %dma_wait3A = arith.constant 0 : i32
      %dma_wait3A_76 = tpu.memref_slice %arg3[%add3A, %dma_wait3A] : memref<32x10240xi32, #tpu.memory_space<hbm>> -> memref<1x10240xi32, #tpu.memory_space<hbm>>
      %dma_wait3A_77 = tpu.memref_squeeze %dma_wait3A_76 : memref<1x10240xi32, #tpu.memory_space<hbm>> -> memref<10240xi32, #tpu.memory_space<hbm>>
      %dma_wait3A_78 = arith.constant 0 : i32
      %dma_wait3A_79 = tpu.memref_slice %arg3[%add3A, %dma_wait3A_78] : memref<32x10240xi32, #tpu.memory_space<hbm>> -> memref<1x10240xi32, #tpu.memory_space<hbm>>
      %dma_wait3A_80 = tpu.memref_squeeze %dma_wait3A_79 : memref<1x10240xi32, #tpu.memory_space<hbm>> -> memref<10240xi32, #tpu.memory_space<hbm>>
      tpu.wait_dma2 semaphore(%run_scoped3A_69 : memref<!tpu.dma_semaphore, #tpu.memory_space<semaphore_mem>>) src(%dma_wait3A_80 : memref<10240xi32, #tpu.memory_space<hbm>>) dst(%arg7 : memref<10240xi32, #tpu.memory_space<vmem>>)
      tpu.yield
    }) : () -> ()
    %scan3A = arith.constant 0 : i32
    %scan3A_3 = arith.constant 0 : i32
    %scan3A_4 = arith.constant 0 : i32
    %scan3A_5 = arith.constant 128 : i32
    %scan3A_6 = arith.addi %scan3A_4, %scan3A_5 : i32
    %scan3A_7 = arith.constant 1 : i32
    scf.for %scan3A_69 = %scan3A_4 to %scan3A_6 step %scan3A_7  : i32 {
      %broadcast_in_dim3A = arith.constant 0.000000e+00 : f32
      %broadcast_in_dim3A_70 = vector.broadcast %broadcast_in_dim3A : f32 to vector<16xf32>
      %swap3A = arith.constant 0 : i32
      %swap3A_71 = arith.constant 0 : i32
      %swap3A_72 = tpu.memref_slice %arg8[%scan3A_3, %swap3A, %swap3A_71] : memref<4x256x64xf32, #tpu.memory_space<vmem>> -> memref<1x256x64xf32, #tpu.memory_space<vmem>>
      %swap3A_73 = tpu.memref_squeeze %swap3A_72 : memref<1x256x64xf32, #tpu.memory_space<vmem>> -> memref<256x64xf32, #tpu.memory_space<vmem>>
      %swap3A_74 = arith.constant 0 : i32
      %swap3A_75 = arith.constant 0 : i32
      %swap3A_76 = tpu.memref_slice %swap3A_73[%swap3A_74, %swap3A_75] : memref<256x64xf32, #tpu.memory_space<vmem>> -> memref<128x64xf32, #tpu.memory_space<vmem>>
      %swap3A_77 = arith.index_cast %scan3A_69 : i32 to index
      %swap3A_78 = arith.constant 0 : index
      %swap3A_79 = tpu.vector_load %swap3A_76[%swap3A_77, %swap3A_78] {strides = array<i32>} : memref<128x64xf32, #tpu.memory_space<vmem>>, vector<1x16xf32>,
      %swap3A_80 = vector.shape_cast %swap3A_79 : vector<1x16xf32> to vector<16xf32>
      %swap3A_81 = vector.shape_cast %broadcast_in_dim3A_70 : vector<16xf32> to vector<1x16xf32>
      tpu.vector_store %swap3A_76[%swap3A_77, %swap3A_78], %swap3A_81 {strides = array<i32>} : memref<128x64xf32, #tpu.memory_space<vmem>>, vector<1x16xf32>,
      %broadcast_in_dim3A_82 = arith.constant 0.000000e+00 : f32
      %broadcast_in_dim3A_83 = vector.broadcast %broadcast_in_dim3A_82 : f32 to vector<16xf32>
      %swap3A_84 = arith.constant 0 : i32
      %swap3A_85 = arith.constant 0 : i32
      %swap3A_86 = tpu.memref_slice %arg8[%scan3A_3, %swap3A_84, %swap3A_85] : memref<4x256x64xf32, #tpu.memory_space<vmem>> -> memref<1x256x64xf32, #tpu.memory_space<vmem>>
      %swap3A_87 = tpu.memref_squeeze %swap3A_86 : memref<1x256x64xf32, #tpu.memory_space<vmem>> -> memref<256x64xf32, #tpu.memory_space<vmem>>
      %swap3A_88 = arith.constant 0 : i32
      %swap3A_89 = arith.constant 0 : i32
      %swap3A_90 = tpu.memref_slice %swap3A_87[%swap3A_88, %swap3A_89] : memref<256x64xf32, #tpu.memory_space<vmem>> -> memref<128x64xf32, #tpu.memory_space<vmem>>
      %swap3A_91 = arith.index_cast %scan3A_69 : i32 to index
      %swap3A_92 = arith.constant 16 : index
      %swap3A_93 = tpu.vector_load %swap3A_90[%swap3A_91, %swap3A_92] {strides = array<i32>} : memref<128x64xf32, #tpu.memory_space<vmem>>, vector<1x16xf32>,
      %swap3A_94 = vector.shape_cast %swap3A_93 : vector<1x16xf32> to vector<16xf32>
      %swap3A_95 = vector.shape_cast %broadcast_in_dim3A_83 : vector<16xf32> to vector<1x16xf32>
      tpu.vector_store %swap3A_90[%swap3A_91, %swap3A_92], %swap3A_95 {strides = array<i32>} : memref<128x64xf32, #tpu.memory_space<vmem>>, vector<1x16xf32>,
      %broadcast_in_dim3A_96 = arith.constant 0.000000e+00 : f32
      %broadcast_in_dim3A_97 = vector.broadcast %broadcast_in_dim3A_96 : f32 to vector<16xf32>
      %swap3A_98 = arith.constant 0 : i32
      %swap3A_99 = arith.constant 0 : i32
      %swap3A_100 = tpu.memref_slice %arg8[%scan3A_3, %swap3A_98, %swap3A_99] : memref<4x256x64xf32, #tpu.memory_space<vmem>> -> memref<1x256x64xf32, #tpu.memory_space<vmem>>
      %swap3A_101 = tpu.memref_squeeze %swap3A_100 : memref<1x256x64xf32, #tpu.memory_space<vmem>> -> memref<256x64xf32, #tpu.memory_space<vmem>>
      %swap3A_102 = arith.constant 0 : i32
      %swap3A_103 = arith.constant 0 : i32
      %swap3A_104 = tpu.memref_slice %swap3A_101[%swap3A_102, %swap3A_103] : memref<256x64xf32, #tpu.memory_space<vmem>> -> memref<128x64xf32, #tpu.memory_space<vmem>>
      %swap3A_105 = arith.index_cast %scan3A_69 : i32 to index
      %swap3A_106 = arith.constant 32 : index
      %swap3A_107 = tpu.vector_load %swap3A_104[%swap3A_105, %swap3A_106] {strides = array<i32>} : memref<128x64xf32, #tpu.memory_space<vmem>>, vector<1x16xf32>,
      %swap3A_108 = vector.shape_cast %swap3A_107 : vector<1x16xf32> to vector<16xf32>
      %swap3A_109 = vector.shape_cast %broadcast_in_dim3A_97 : vector<16xf32> to vector<1x16xf32>
      tpu.vector_store %swap3A_104[%swap3A_105, %swap3A_106], %swap3A_109 {strides = array<i32>} : memref<128x64xf32, #tpu.memory_space<vmem>>, vector<1x16xf32>,
      %broadcast_in_dim3A_110 = arith.constant 0.000000e+00 : f32
      %broadcast_in_dim3A_111 = vector.broadcast %broadcast_in_dim3A_110 : f32 to vector<16xf32>
      %swap3A_112 = arith.constant 0 : i32
      %swap3A_113 = arith.constant 0 : i32
      %swap3A_114 = tpu.memref_slice %arg8[%scan3A_3, %swap3A_112, %swap3A_113] : memref<4x256x64xf32, #tpu.memory_space<vmem>> -> memref<1x256x64xf32, #tpu.memory_space<vmem>>
      %swap3A_115 = tpu.memref_squeeze %swap3A_114 : memref<1x256x64xf32, #tpu.memory_space<vmem>> -> memref<256x64xf32, #tpu.memory_space<vmem>>
      %swap3A_116 = arith.constant 0 : i32
      %swap3A_117 = arith.constant 0 : i32
      %swap3A_118 = tpu.memref_slice %swap3A_115[%swap3A_116, %swap3A_117] : memref<256x64xf32, #tpu.memory_space<vmem>> -> memref<128x64xf32, #tpu.memory_space<vmem>>
      %swap3A_119 = arith.index_cast %scan3A_69 : i32 to index
      %swap3A_120 = arith.constant 48 : index
      %swap3A_121 = tpu.vector_load %swap3A_118[%swap3A_119, %swap3A_120] {strides = array<i32>} : memref<128x64xf32, #tpu.memory_space<vmem>>, vector<1x16xf32>,
      %swap3A_122 = vector.shape_cast %swap3A_121 : vector<1x16xf32> to vector<16xf32>
      %swap3A_123 = vector.shape_cast %broadcast_in_dim3A_111 : vector<16xf32> to vector<1x16xf32>
      tpu.vector_store %swap3A_118[%swap3A_119, %swap3A_120], %swap3A_123 {strides = array<i32>} : memref<128x64xf32, #tpu.memory_space<vmem>>, vector<1x16xf32>,
    }
    %scan3A_8 = arith.constant 128 : i32
    %add3A_9 = arith.constant 0 : i32
    %add3A_10 = arith.addi %mul3A_2, %add3A_9 : i32
    %run_scoped3A = arith.constant 0 : i32
    "tpu.region"() ({
      %run_scoped3A_69 = tpu.sem_alloc : memref<!tpu.dma_semaphore, #tpu.memory_space<semaphore_mem>>
      %dma_start3A_70 = arith.constant 0 : i32
      %dma_start3A_71 = arith.constant 0 : i32
      %dma_start3A_72 = tpu.memref_slice %arg8[%run_scoped3A, %dma_start3A_70, %dma_start3A_71] : memref<4x256x64xf32, #tpu.memory_space<vmem>> -> memref<1x256x64xf32, #tpu.memory_space<vmem>>
      %dma_start3A_73 = tpu.memref_squeeze %dma_start3A_72 : memref<1x256x64xf32, #tpu.memory_space<vmem>> -> memref<256x64xf32, #tpu.memory_space<vmem>>
      %dma_start3A_74 = arith.constant 0 : i32
      %dma_start3A_75 = arith.constant 0 : i32
      %dma_start3A_76 = tpu.memref_slice %dma_start3A_73[%dma_start3A_74, %dma_start3A_75] : memref<256x64xf32, #tpu.memory_space<vmem>> -> memref<128x64xf32, #tpu.memory_space<vmem>>
      %dma_start3A_77 = arith.constant 0 : i32
      %dma_start3A_78 = tpu.memref_slice %arg9[%add3A_10, %dma_start3A_77] : memref<10240x64xf32, #tpu.memory_space<vmem_shared>> -> memref<128x64xf32, #tpu.memory_space<vmem_shared>>
      %dma_start3A_79 = arith.constant 0 : i32
      %dma_start3A_80 = tpu.memref_slice %arg9[%add3A_10, %dma_start3A_79] : memref<10240x64xf32, #tpu.memory_space<vmem_shared>> -> memref<128x64xf32, #tpu.memory_space<vmem_shared>>
      %dma_start3A_81 = arith.constant 0 : i32
      %dma_start3A_82 = arith.constant 0 : i32
      %dma_start3A_83 = tpu.memref_slice %arg8[%run_scoped3A, %dma_start3A_81, %dma_start3A_82] : memref<4x256x64xf32, #tpu.memory_space<vmem>> -> memref<1x256x64xf32, #tpu.memory_space<vmem>>
      %dma_start3A_84 = tpu.memref_squeeze %dma_start3A_83 : memref<1x256x64xf32, #tpu.memory_space<vmem>> -> memref<256x64xf32, #tpu.memory_space<vmem>>
      %dma_start3A_85 = arith.constant 0 : i32
      %dma_start3A_86 = arith.constant 0 : i32
      %dma_start3A_87 = tpu.memref_slice %dma_start3A_84[%dma_start3A_85, %dma_start3A_86] : memref<256x64xf32, #tpu.memory_space<vmem>> -> memref<128x64xf32, #tpu.memory_space<vmem>>
      tpu.enqueue_dma source(%dma_start3A_87 : memref<128x64xf32, #tpu.memory_space<vmem>>) target(%dma_start3A_80 : memref<128x64xf32, #tpu.memory_space<vmem_shared>>) target_semaphore(%run_scoped3A_69 : memref<!tpu.dma_semaphore, #tpu.memory_space<semaphore_mem>>)
      %dma_wait3A = arith.constant 0 : i32
      %dma_wait3A_88 = arith.constant 0 : i32
      %dma_wait3A_89 = tpu.memref_slice %arg8[%run_scoped3A, %dma_wait3A, %dma_wait3A_88] : memref<4x256x64xf32, #tpu.memory_space<vmem>> -> memref<1x256x64xf32, #tpu.memory_space<vmem>>
      %dma_wait3A_90 = tpu.memref_squeeze %dma_wait3A_89 : memref<1x256x64xf32, #tpu.memory_space<vmem>> -> memref<256x64xf32, #tpu.memory_space<vmem>>
      %dma_wait3A_91 = arith.constant 0 : i32
      %dma_wait3A_92 = arith.constant 0 : i32
      %dma_wait3A_93 = tpu.memref_slice %dma_wait3A_90[%dma_wait3A_91, %dma_wait3A_92] : memref<256x64xf32, #tpu.memory_space<vmem>> -> memref<128x64xf32, #tpu.memory_space<vmem>>
      %dma_wait3A_94 = arith.constant 0 : i32
      %dma_wait3A_95 = tpu.memref_slice %arg9[%add3A_10, %dma_wait3A_94] : memref<10240x64xf32, #tpu.memory_space<vmem_shared>> -> memref<128x64xf32, #tpu.memory_space<vmem_shared>>
      %dma_wait3A_96 = arith.constant 0 : i32
      %dma_wait3A_97 = tpu.memref_slice %arg9[%add3A_10, %dma_wait3A_96] : memref<10240x64xf32, #tpu.memory_space<vmem_shared>> -> memref<128x64xf32, #tpu.memory_space<vmem_shared>>
      %dma_wait3A_98 = arith.constant 0 : i32
      %dma_wait3A_99 = arith.constant 0 : i32
      %dma_wait3A_100 = tpu.memref_slice %arg8[%run_scoped3A, %dma_wait3A_98, %dma_wait3A_99] : memref<4x256x64xf32, #tpu.memory_space<vmem>> -> memref<1x256x64xf32, #tpu.memory_space<vmem>>
      %dma_wait3A_101 = tpu.memref_squeeze %dma_wait3A_100 : memref<1x256x64xf32, #tpu.memory_space<vmem>> -> memref<256x64xf32, #tpu.memory_space<vmem>>
      %dma_wait3A_102 = arith.constant 0 : i32
      %dma_wait3A_103 = arith.constant 0 : i32
      %dma_wait3A_104 = tpu.memref_slice %dma_wait3A_101[%dma_wait3A_102, %dma_wait3A_103] : memref<256x64xf32, #tpu.memory_space<vmem>> -> memref<128x64xf32, #tpu.memory_space<vmem>>
      tpu.wait_dma2 semaphore(%run_scoped3A_69 : memref<!tpu.dma_semaphore, #tpu.memory_space<semaphore_mem>>) src(%dma_wait3A_104 : memref<128x64xf32, #tpu.memory_space<vmem>>) dst(%dma_wait3A_97 : memref<128x64xf32, #tpu.memory_space<vmem_shared>>)
      tpu.yield
    }) : () -> ()
    %add3A_11 = arith.constant 128 : i32
    %add3A_12 = arith.addi %mul3A_2, %add3A_11 : i32
    %run_scoped3A_13 = arith.constant 0 : i32
    "tpu.region"() ({
      %run_scoped3A_69 = tpu.sem_alloc : memref<!tpu.dma_semaphore, #tpu.memory_space<semaphore_mem>>
      %dma_start3A_70 = arith.constant 0 : i32
      %dma_start3A_71 = arith.constant 0 : i32
      %dma_start3A_72 = tpu.memref_slice %arg8[%run_scoped3A_13, %dma_start3A_70, %dma_start3A_71] : memref<4x256x64xf32, #tpu.memory_space<vmem>> -> memref<1x256x64xf32, #tpu.memory_space<vmem>>
      %dma_start3A_73 = tpu.memref_squeeze %dma_start3A_72 : memref<1x256x64xf32, #tpu.memory_space<vmem>> -> memref<256x64xf32, #tpu.memory_space<vmem>>
      %dma_start3A_74 = arith.constant 0 : i32
      %dma_start3A_75 = arith.constant 0 : i32
      %dma_start3A_76 = tpu.memref_slice %dma_start3A_73[%dma_start3A_74, %dma_start3A_75] : memref<256x64xf32, #tpu.memory_space<vmem>> -> memref<128x64xf32, #tpu.memory_space<vmem>>
      %dma_start3A_77 = arith.constant 0 : i32
      %dma_start3A_78 = tpu.memref_slice %arg9[%add3A_12, %dma_start3A_77] : memref<10240x64xf32, #tpu.memory_space<vmem_shared>> -> memref<128x64xf32, #tpu.memory_space<vmem_shared>>
      %dma_start3A_79 = arith.constant 0 : i32
      %dma_start3A_80 = tpu.memref_slice %arg9[%add3A_12, %dma_start3A_79] : memref<10240x64xf32, #tpu.memory_space<vmem_shared>> -> memref<128x64xf32, #tpu.memory_space<vmem_shared>>
      %dma_start3A_81 = arith.constant 0 : i32
      %dma_start3A_82 = arith.constant 0 : i32
      %dma_start3A_83 = tpu.memref_slice %arg8[%run_scoped3A_13, %dma_start3A_81, %dma_start3A_82] : memref<4x256x64xf32, #tpu.memory_space<vmem>> -> memref<1x256x64xf32, #tpu.memory_space<vmem>>
      %dma_start3A_84 = tpu.memref_squeeze %dma_start3A_83 : memref<1x256x64xf32, #tpu.memory_space<vmem>> -> memref<256x64xf32, #tpu.memory_space<vmem>>
      %dma_start3A_85 = arith.constant 0 : i32
      %dma_start3A_86 = arith.constant 0 : i32
      %dma_start3A_87 = tpu.memref_slice %dma_start3A_84[%dma_start3A_85, %dma_start3A_86] : memref<256x64xf32, #tpu.memory_space<vmem>> -> memref<128x64xf32, #tpu.memory_space<vmem>>
      tpu.enqueue_dma source(%dma_start3A_87 : memref<128x64xf32, #tpu.memory_space<vmem>>) target(%dma_start3A_80 : memref<128x64xf32, #tpu.memory_space<vmem_shared>>) target_semaphore(%run_scoped3A_69 : memref<!tpu.dma_semaphore, #tpu.memory_space<semaphore_mem>>)
      %dma_wait3A = arith.constant 0 : i32
      %dma_wait3A_88 = arith.constant 0 : i32
      %dma_wait3A_89 = tpu.memref_slice %arg8[%run_scoped3A_13, %dma_wait3A, %dma_wait3A_88] : memref<4x256x64xf32, #tpu.memory_space<vmem>> -> memref<1x256x64xf32, #tpu.memory_space<vmem>>
      %dma_wait3A_90 = tpu.memref_squeeze %dma_wait3A_89 : memref<1x256x64xf32, #tpu.memory_space<vmem>> -> memref<256x64xf32, #tpu.memory_space<vmem>>
      %dma_wait3A_91 = arith.constant 0 : i32
      %dma_wait3A_92 = arith.constant 0 : i32
      %dma_wait3A_93 = tpu.memref_slice %dma_wait3A_90[%dma_wait3A_91, %dma_wait3A_92] : memref<256x64xf32, #tpu.memory_space<vmem>> -> memref<128x64xf32, #tpu.memory_space<vmem>>
      %dma_wait3A_94 = arith.constant 0 : i32
      %dma_wait3A_95 = tpu.memref_slice %arg9[%add3A_12, %dma_wait3A_94] : memref<10240x64xf32, #tpu.memory_space<vmem_shared>> -> memref<128x64xf32, #tpu.memory_space<vmem_shared>>
      %dma_wait3A_96 = arith.constant 0 : i32
      %dma_wait3A_97 = tpu.memref_slice %arg9[%add3A_12, %dma_wait3A_96] : memref<10240x64xf32, #tpu.memory_space<vmem_shared>> -> memref<128x64xf32, #tpu.memory_space<vmem_shared>>
      %dma_wait3A_98 = arith.constant 0 : i32
      %dma_wait3A_99 = arith.constant 0 : i32
      %dma_wait3A_100 = tpu.memref_slice %arg8[%run_scoped3A_13, %dma_wait3A_98, %dma_wait3A_99] : memref<4x256x64xf32, #tpu.memory_space<vmem>> -> memref<1x256x64xf32, #tpu.memory_space<vmem>>
      %dma_wait3A_101 = tpu.memref_squeeze %dma_wait3A_100 : memref<1x256x64xf32, #tpu.memory_space<vmem>> -> memref<256x64xf32, #tpu.memory_space<vmem>>
      %dma_wait3A_102 = arith.constant 0 : i32
      %dma_wait3A_103 = arith.constant 0 : i32
      %dma_wait3A_104 = tpu.memref_slice %dma_wait3A_101[%dma_wait3A_102, %dma_wait3A_103] : memref<256x64xf32, #tpu.memory_space<vmem>> -> memref<128x64xf32, #tpu.memory_space<vmem>>
      tpu.wait_dma2 semaphore(%run_scoped3A_69 : memref<!tpu.dma_semaphore, #tpu.memory_space<semaphore_mem>>) src(%dma_wait3A_104 : memref<128x64xf32, #tpu.memory_space<vmem>>) dst(%dma_wait3A_97 : memref<128x64xf32, #tpu.memory_space<vmem_shared>>)
      tpu.yield
    }) : () -> ()
    %add3A_14 = arith.constant 256 : i32
    %add3A_15 = arith.addi %mul3A_2, %add3A_14 : i32
    %run_scoped3A_16 = arith.constant 0 : i32
    "tpu.region"() ({
      %run_scoped3A_69 = tpu.sem_alloc : memref<!tpu.dma_semaphore, #tpu.memory_space<semaphore_mem>>
      %dma_start3A_70 = arith.constant 0 : i32
      %dma_start3A_71 = arith.constant 0 : i32
      %dma_start3A_72 = tpu.memref_slice %arg8[%run_scoped3A_16, %dma_start3A_70, %dma_start3A_71] : memref<4x256x64xf32, #tpu.memory_space<vmem>> -> memref<1x256x64xf32, #tpu.memory_space<vmem>>
      %dma_start3A_73 = tpu.memref_squeeze %dma_start3A_72 : memref<1x256x64xf32, #tpu.memory_space<vmem>> -> memref<256x64xf32, #tpu.memory_space<vmem>>
      %dma_start3A_74 = arith.constant 0 : i32
      %dma_start3A_75 = arith.constant 0 : i32
      %dma_start3A_76 = tpu.memref_slice %dma_start3A_73[%dma_start3A_74, %dma_start3A_75] : memref<256x64xf32, #tpu.memory_space<vmem>> -> memref<128x64xf32, #tpu.memory_space<vmem>>
      %dma_start3A_77 = arith.constant 0 : i32
      %dma_start3A_78 = tpu.memref_slice %arg9[%add3A_15, %dma_start3A_77] : memref<10240x64xf32, #tpu.memory_space<vmem_shared>> -> memref<128x64xf32, #tpu.memory_space<vmem_shared>>
      %dma_start3A_79 = arith.constant 0 : i32
      %dma_start3A_80 = tpu.memref_slice %arg9[%add3A_15, %dma_start3A_79] : memref<10240x64xf32, #tpu.memory_space<vmem_shared>> -> memref<128x64xf32, #tpu.memory_space<vmem_shared>>
      %dma_start3A_81 = arith.constant 0 : i32
      %dma_start3A_82 = arith.constant 0 : i32
      %dma_start3A_83 = tpu.memref_slice %arg8[%run_scoped3A_16, %dma_start3A_81, %dma_start3A_82] : memref<4x256x64xf32, #tpu.memory_space<vmem>> -> memref<1x256x64xf32, #tpu.memory_space<vmem>>
      %dma_start3A_84 = tpu.memref_squeeze %dma_start3A_83 : memref<1x256x64xf32, #tpu.memory_space<vmem>> -> memref<256x64xf32, #tpu.memory_space<vmem>>
      %dma_start3A_85 = arith.constant 0 : i32
      %dma_start3A_86 = arith.constant 0 : i32
      %dma_start3A_87 = tpu.memref_slice %dma_start3A_84[%dma_start3A_85, %dma_start3A_86] : memref<256x64xf32, #tpu.memory_space<vmem>> -> memref<128x64xf32, #tpu.memory_space<vmem>>
      tpu.enqueue_dma source(%dma_start3A_87 : memref<128x64xf32, #tpu.memory_space<vmem>>) target(%dma_start3A_80 : memref<128x64xf32, #tpu.memory_space<vmem_shared>>) target_semaphore(%run_scoped3A_69 : memref<!tpu.dma_semaphore, #tpu.memory_space<semaphore_mem>>)
      %dma_wait3A = arith.constant 0 : i32
      %dma_wait3A_88 = arith.constant 0 : i32
      %dma_wait3A_89 = tpu.memref_slice %arg8[%run_scoped3A_16, %dma_wait3A, %dma_wait3A_88] : memref<4x256x64xf32, #tpu.memory_space<vmem>> -> memref<1x256x64xf32, #tpu.memory_space<vmem>>
      %dma_wait3A_90 = tpu.memref_squeeze %dma_wait3A_89 : memref<1x256x64xf32, #tpu.memory_space<vmem>> -> memref<256x64xf32, #tpu.memory_space<vmem>>
      %dma_wait3A_91 = arith.constant 0 : i32
      %dma_wait3A_92 = arith.constant 0 : i32
      %dma_wait3A_93 = tpu.memref_slice %dma_wait3A_90[%dma_wait3A_91, %dma_wait3A_92] : memref<256x64xf32, #tpu.memory_space<vmem>> -> memref<128x64xf32, #tpu.memory_space<vmem>>
      %dma_wait3A_94 = arith.constant 0 : i32
      %dma_wait3A_95 = tpu.memref_slice %arg9[%add3A_15, %dma_wait3A_94] : memref<10240x64xf32, #tpu.memory_space<vmem_shared>> -> memref<128x64xf32, #tpu.memory_space<vmem_shared>>
      %dma_wait3A_96 = arith.constant 0 : i32
      %dma_wait3A_97 = tpu.memref_slice %arg9[%add3A_15, %dma_wait3A_96] : memref<10240x64xf32, #tpu.memory_space<vmem_shared>> -> memref<128x64xf32, #tpu.memory_space<vmem_shared>>
      %dma_wait3A_98 = arith.constant 0 : i32
      %dma_wait3A_99 = arith.constant 0 : i32
      %dma_wait3A_100 = tpu.memref_slice %arg8[%run_scoped3A_16, %dma_wait3A_98, %dma_wait3A_99] : memref<4x256x64xf32, #tpu.memory_space<vmem>> -> memref<1x256x64xf32, #tpu.memory_space<vmem>>
      %dma_wait3A_101 = tpu.memref_squeeze %dma_wait3A_100 : memref<1x256x64xf32, #tpu.memory_space<vmem>> -> memref<256x64xf32, #tpu.memory_space<vmem>>
      %dma_wait3A_102 = arith.constant 0 : i32
      %dma_wait3A_103 = arith.constant 0 : i32
      %dma_wait3A_104 = tpu.memref_slice %dma_wait3A_101[%dma_wait3A_102, %dma_wait3A_103] : memref<256x64xf32, #tpu.memory_space<vmem>> -> memref<128x64xf32, #tpu.memory_space<vmem>>
      tpu.wait_dma2 semaphore(%run_scoped3A_69 : memref<!tpu.dma_semaphore, #tpu.memory_space<semaphore_mem>>) src(%dma_wait3A_104 : memref<128x64xf32, #tpu.memory_space<vmem>>) dst(%dma_wait3A_97 : memref<128x64xf32, #tpu.memory_space<vmem_shared>>)
      tpu.yield
    }) : () -> ()
    %add3A_17 = arith.constant 384 : i32
    %add3A_18 = arith.addi %mul3A_2, %add3A_17 : i32
    %run_scoped3A_19 = arith.constant 0 : i32
    "tpu.region"() ({
      %run_scoped3A_69 = tpu.sem_alloc : memref<!tpu.dma_semaphore, #tpu.memory_space<semaphore_mem>>
      %dma_start3A_70 = arith.constant 0 : i32
      %dma_start3A_71 = arith.constant 0 : i32
      %dma_start3A_72 = tpu.memref_slice %arg8[%run_scoped3A_19, %dma_start3A_70, %dma_start3A_71] : memref<4x256x64xf32, #tpu.memory_space<vmem>> -> memref<1x256x64xf32, #tpu.memory_space<vmem>>
      %dma_start3A_73 = tpu.memref_squeeze %dma_start3A_72 : memref<1x256x64xf32, #tpu.memory_space<vmem>> -> memref<256x64xf32, #tpu.memory_space<vmem>>
      %dma_start3A_74 = arith.constant 0 : i32
      %dma_start3A_75 = arith.constant 0 : i32
      %dma_start3A_76 = tpu.memref_slice %dma_start3A_73[%dma_start3A_74, %dma_start3A_75] : memref<256x64xf32, #tpu.memory_space<vmem>> -> memref<128x64xf32, #tpu.memory_space<vmem>>
      %dma_start3A_77 = arith.constant 0 : i32
      %dma_start3A_78 = tpu.memref_slice %arg9[%add3A_18, %dma_start3A_77] : memref<10240x64xf32, #tpu.memory_space<vmem_shared>> -> memref<128x64xf32, #tpu.memory_space<vmem_shared>>
      %dma_start3A_79 = arith.constant 0 : i32
      %dma_start3A_80 = tpu.memref_slice %arg9[%add3A_18, %dma_start3A_79] : memref<10240x64xf32, #tpu.memory_space<vmem_shared>> -> memref<128x64xf32, #tpu.memory_space<vmem_shared>>
      %dma_start3A_81 = arith.constant 0 : i32
      %dma_start3A_82 = arith.constant 0 : i32
      %dma_start3A_83 = tpu.memref_slice %arg8[%run_scoped3A_19, %dma_start3A_81, %dma_start3A_82] : memref<4x256x64xf32, #tpu.memory_space<vmem>> -> memref<1x256x64xf32, #tpu.memory_space<vmem>>
      %dma_start3A_84 = tpu.memref_squeeze %dma_start3A_83 : memref<1x256x64xf32, #tpu.memory_space<vmem>> -> memref<256x64xf32, #tpu.memory_space<vmem>>
      %dma_start3A_85 = arith.constant 0 : i32
      %dma_start3A_86 = arith.constant 0 : i32
      %dma_start3A_87 = tpu.memref_slice %dma_start3A_84[%dma_start3A_85, %dma_start3A_86] : memref<256x64xf32, #tpu.memory_space<vmem>> -> memref<128x64xf32, #tpu.memory_space<vmem>>
      tpu.enqueue_dma source(%dma_start3A_87 : memref<128x64xf32, #tpu.memory_space<vmem>>) target(%dma_start3A_80 : memref<128x64xf32, #tpu.memory_space<vmem_shared>>) target_semaphore(%run_scoped3A_69 : memref<!tpu.dma_semaphore, #tpu.memory_space<semaphore_mem>>)
      %dma_wait3A = arith.constant 0 : i32
      %dma_wait3A_88 = arith.constant 0 : i32
      %dma_wait3A_89 = tpu.memref_slice %arg8[%run_scoped3A_19, %dma_wait3A, %dma_wait3A_88] : memref<4x256x64xf32, #tpu.memory_space<vmem>> -> memref<1x256x64xf32, #tpu.memory_space<vmem>>
      %dma_wait3A_90 = tpu.memref_squeeze %dma_wait3A_89 : memref<1x256x64xf32, #tpu.memory_space<vmem>> -> memref<256x64xf32, #tpu.memory_space<vmem>>
      %dma_wait3A_91 = arith.constant 0 : i32
      %dma_wait3A_92 = arith.constant 0 : i32
      %dma_wait3A_93 = tpu.memref_slice %dma_wait3A_90[%dma_wait3A_91, %dma_wait3A_92] : memref<256x64xf32, #tpu.memory_space<vmem>> -> memref<128x64xf32, #tpu.memory_space<vmem>>
      %dma_wait3A_94 = arith.constant 0 : i32
      %dma_wait3A_95 = tpu.memref_slice %arg9[%add3A_18, %dma_wait3A_94] : memref<10240x64xf32, #tpu.memory_space<vmem_shared>> -> memref<128x64xf32, #tpu.memory_space<vmem_shared>>
      %dma_wait3A_96 = arith.constant 0 : i32
      %dma_wait3A_97 = tpu.memref_slice %arg9[%add3A_18, %dma_wait3A_96] : memref<10240x64xf32, #tpu.memory_space<vmem_shared>> -> memref<128x64xf32, #tpu.memory_space<vmem_shared>>
      %dma_wait3A_98 = arith.constant 0 : i32
      %dma_wait3A_99 = arith.constant 0 : i32
      %dma_wait3A_100 = tpu.memref_slice %arg8[%run_scoped3A_19, %dma_wait3A_98, %dma_wait3A_99] : memref<4x256x64xf32, #tpu.memory_space<vmem>> -> memref<1x256x64xf32, #tpu.memory_space<vmem>>
      %dma_wait3A_101 = tpu.memref_squeeze %dma_wait3A_100 : memref<1x256x64xf32, #tpu.memory_space<vmem>> -> memref<256x64xf32, #tpu.memory_space<vmem>>
      %dma_wait3A_102 = arith.constant 0 : i32
      %dma_wait3A_103 = arith.constant 0 : i32
      %dma_wait3A_104 = tpu.memref_slice %dma_wait3A_101[%dma_wait3A_102, %dma_wait3A_103] : memref<256x64xf32, #tpu.memory_space<vmem>> -> memref<128x64xf32, #tpu.memory_space<vmem>>
      tpu.wait_dma2 semaphore(%run_scoped3A_69 : memref<!tpu.dma_semaphore, #tpu.memory_space<semaphore_mem>>) src(%dma_wait3A_104 : memref<128x64xf32, #tpu.memory_space<vmem>>) dst(%dma_wait3A_97 : memref<128x64xf32, #tpu.memory_space<vmem_shared>>)
      tpu.yield
    }) : () -> ()
    %add3A_20 = arith.constant 512 : i32
    %add3A_21 = arith.addi %mul3A_2, %add3A_20 : i32
    %run_scoped3A_22 = arith.constant 0 : i32
    "tpu.region"() ({
      %run_scoped3A_69 = tpu.sem_alloc : memref<!tpu.dma_semaphore, #tpu.memory_space<semaphore_mem>>
      %dma_start3A_70 = arith.constant 0 : i32
      %dma_start3A_71 = arith.constant 0 : i32
      %dma_start3A_72 = tpu.memref_slice %arg8[%run_scoped3A_22, %dma_start3A_70, %dma_start3A_71] : memref<4x256x64xf32, #tpu.memory_space<vmem>> -> memref<1x256x64xf32, #tpu.memory_space<vmem>>
      %dma_start3A_73 = tpu.memref_squeeze %dma_start3A_72 : memref<1x256x64xf32, #tpu.memory_space<vmem>> -> memref<256x64xf32, #tpu.memory_space<vmem>>
      %dma_start3A_74 = arith.constant 0 : i32
      %dma_start3A_75 = arith.constant 0 : i32
      %dma_start3A_76 = tpu.memref_slice %dma_start3A_73[%dma_start3A_74, %dma_start3A_75] : memref<256x64xf32, #tpu.memory_space<vmem>> -> memref<128x64xf32, #tpu.memory_space<vmem>>
      %dma_start3A_77 = arith.constant 0 : i32
      %dma_start3A_78 = tpu.memref_slice %arg9[%add3A_21, %dma_start3A_77] : memref<10240x64xf32, #tpu.memory_space<vmem_shared>> -> memref<128x64xf32, #tpu.memory_space<vmem_shared>>
      %dma_start3A_79 = arith.constant 0 : i32
      %dma_start3A_80 = tpu.memref_slice %arg9[%add3A_21, %dma_start3A_79] : memref<10240x64xf32, #tpu.memory_space<vmem_shared>> -> memref<128x64xf32, #tpu.memory_space<vmem_shared>>
      %dma_start3A_81 = arith.constant 0 : i32
      %dma_start3A_82 = arith.constant 0 : i32
      %dma_start3A_83 = tpu.memref_slice %arg8[%run_scoped3A_22, %dma_start3A_81, %dma_start3A_82] : memref<4x256x64xf32, #tpu.memory_space<vmem>> -> memref<1x256x64xf32, #tpu.memory_space<vmem>>
      %dma_start3A_84 = tpu.memref_squeeze %dma_start3A_83 : memref<1x256x64xf32, #tpu.memory_space<vmem>> -> memref<256x64xf32, #tpu.memory_space<vmem>>
      %dma_start3A_85 = arith.constant 0 : i32
      %dma_start3A_86 = arith.constant 0 : i32
      %dma_start3A_87 = tpu.memref_slice %dma_start3A_84[%dma_start3A_85, %dma_start3A_86] : memref<256x64xf32, #tpu.memory_space<vmem>> -> memref<128x64xf32, #tpu.memory_space<vmem>>
      tpu.enqueue_dma source(%dma_start3A_87 : memref<128x64xf32, #tpu.memory_space<vmem>>) target(%dma_start3A_80 : memref<128x64xf32, #tpu.memory_space<vmem_shared>>) target_semaphore(%run_scoped3A_69 : memref<!tpu.dma_semaphore, #tpu.memory_space<semaphore_mem>>)
      %dma_wait3A = arith.constant 0 : i32
      %dma_wait3A_88 = arith.constant 0 : i32
      %dma_wait3A_89 = tpu.memref_slice %arg8[%run_scoped3A_22, %dma_wait3A, %dma_wait3A_88] : memref<4x256x64xf32, #tpu.memory_space<vmem>> -> memref<1x256x64xf32, #tpu.memory_space<vmem>>
      %dma_wait3A_90 = tpu.memref_squeeze %dma_wait3A_89 : memref<1x256x64xf32, #tpu.memory_space<vmem>> -> memref<256x64xf32, #tpu.memory_space<vmem>>
      %dma_wait3A_91 = arith.constant 0 : i32
      %dma_wait3A_92 = arith.constant 0 : i32
      %dma_wait3A_93 = tpu.memref_slice %dma_wait3A_90[%dma_wait3A_91, %dma_wait3A_92] : memref<256x64xf32, #tpu.memory_space<vmem>> -> memref<128x64xf32, #tpu.memory_space<vmem>>
      %dma_wait3A_94 = arith.constant 0 : i32
      %dma_wait3A_95 = tpu.memref_slice %arg9[%add3A_21, %dma_wait3A_94] : memref<10240x64xf32, #tpu.memory_space<vmem_shared>> -> memref<128x64xf32, #tpu.memory_space<vmem_shared>>
      %dma_wait3A_96 = arith.constant 0 : i32
      %dma_wait3A_97 = tpu.memref_slice %arg9[%add3A_21, %dma_wait3A_96] : memref<10240x64xf32, #tpu.memory_space<vmem_shared>> -> memref<128x64xf32, #tpu.memory_space<vmem_shared>>
      %dma_wait3A_98 = arith.constant 0 : i32
      %dma_wait3A_99 = arith.constant 0 : i32
      %dma_wait3A_100 = tpu.memref_slice %arg8[%run_scoped3A_22, %dma_wait3A_98, %dma_wait3A_99] : memref<4x256x64xf32, #tpu.memory_space<vmem>> -> memref<1x256x64xf32, #tpu.memory_space<vmem>>
      %dma_wait3A_101 = tpu.memref_squeeze %dma_wait3A_100 : memref<1x256x64xf32, #tpu.memory_space<vmem>> -> memref<256x64xf32, #tpu.memory_space<vmem>>
      %dma_wait3A_102 = arith.constant 0 : i32
      %dma_wait3A_103 = arith.constant 0 : i32
      %dma_wait3A_104 = tpu.memref_slice %dma_wait3A_101[%dma_wait3A_102, %dma_wait3A_103] : memref<256x64xf32, #tpu.memory_space<vmem>> -> memref<128x64xf32, #tpu.memory_space<vmem>>
      tpu.wait_dma2 semaphore(%run_scoped3A_69 : memref<!tpu.dma_semaphore, #tpu.memory_space<semaphore_mem>>) src(%dma_wait3A_104 : memref<128x64xf32, #tpu.memory_space<vmem>>) dst(%dma_wait3A_97 : memref<128x64xf32, #tpu.memory_space<vmem_shared>>)
      tpu.yield
    }) : () -> ()
    %barrier3A = arith.constant 0 : index
    tpu.barrier barrier_id(%barrier3A)
    %dma_start3A = arith.constant 0 : i32
    %dma_start3A_23 = arith.constant 0 : i32
    %dma_start3A_24 = arith.constant 0 : i32
    %dma_start3A_25 = tpu.memref_slice %arg8[%dma_start3A, %dma_start3A_23, %dma_start3A_24] : memref<4x256x64xf32, #tpu.memory_space<vmem>> -> memref<1x256x64xf32, #tpu.memory_space<vmem>>
    %dma_start3A_26 = tpu.memref_squeeze %dma_start3A_25 : memref<1x256x64xf32, #tpu.memory_space<vmem>> -> memref<256x64xf32, #tpu.memory_space<vmem>>
    %dma_start3A_27 = arith.constant 0 : i32
    %dma_start3A_28 = tpu.memref_slice %arg7[%dma_start3A_27] : memref<10240xi32, #tpu.memory_space<vmem>> -> memref<256xi32, #tpu.memory_space<vmem>>
    %dma_start3A_29 = arith.constant 0 : i32
    %dma_start3A_30 = arith.constant 0 : i32
    %dma_start3A_31 = tpu.memref_slice %arg2[%dma_start3A_29, %dma_start3A_30] : memref<10240x64xf32, #tpu.memory_space<hbm>> -> memref<10240x64xf32, #tpu.memory_space<hbm>>
    tpu.enqueue_indirect_dma source(%dma_start3A_31 : memref<10240x64xf32, #tpu.memory_space<hbm>>) target(%dma_start3A_26 : memref<256x64xf32, #tpu.memory_space<vmem>>) offsets(%dma_start3A_28 : memref<256xi32, #tpu.memory_space<vmem>>) semaphore(%arg10 : memref<!tpu.dma_semaphore, #tpu.memory_space<semaphore_mem>>)
    %dma_start3A_32 = arith.constant 1 : i32
    %dma_start3A_33 = arith.constant 0 : i32
    %dma_start3A_34 = arith.constant 0 : i32
    %dma_start3A_35 = tpu.memref_slice %arg8[%dma_start3A_32, %dma_start3A_33, %dma_start3A_34] : memref<4x256x64xf32, #tpu.memory_space<vmem>> -> memref<1x256x64xf32, #tpu.memory_space<vmem>>
    %dma_start3A_36 = tpu.memref_squeeze %dma_start3A_35 : memref<1x256x64xf32, #tpu.memory_space<vmem>> -> memref<256x64xf32, #tpu.memory_space<vmem>>
    %dma_start3A_37 = arith.constant 256 : i32
    %dma_start3A_38 = tpu.memref_slice %arg7[%dma_start3A_37] : memref<10240xi32, #tpu.memory_space<vmem>> -> memref<256xi32, #tpu.memory_space<vmem>>
    %dma_start3A_39 = arith.constant 0 : i32
    %dma_start3A_40 = arith.constant 0 : i32
    %dma_start3A_41 = tpu.memref_slice %arg2[%dma_start3A_39, %dma_start3A_40] : memref<10240x64xf32, #tpu.memory_space<hbm>> -> memref<10240x64xf32, #tpu.memory_space<hbm>>
    tpu.enqueue_indirect_dma source(%dma_start3A_41 : memref<10240x64xf32, #tpu.memory_space<hbm>>) target(%dma_start3A_36 : memref<256x64xf32, #tpu.memory_space<vmem>>) offsets(%dma_start3A_38 : memref<256xi32, #tpu.memory_space<vmem>>) semaphore(%arg11 : memref<!tpu.dma_semaphore, #tpu.memory_space<semaphore_mem>>)
    %dma_start3A_42 = arith.constant 2 : i32
    %dma_start3A_43 = arith.constant 0 : i32
    %dma_start3A_44 = arith.constant 0 : i32
    %dma_start3A_45 = tpu.memref_slice %arg8[%dma_start3A_42, %dma_start3A_43, %dma_start3A_44] : memref<4x256x64xf32, #tpu.memory_space<vmem>> -> memref<1x256x64xf32, #tpu.memory_space<vmem>>
    %dma_start3A_46 = tpu.memref_squeeze %dma_start3A_45 : memref<1x256x64xf32, #tpu.memory_space<vmem>> -> memref<256x64xf32, #tpu.memory_space<vmem>>
    %dma_start3A_47 = arith.constant 512 : i32
    %dma_start3A_48 = tpu.memref_slice %arg7[%dma_start3A_47] : memref<10240xi32, #tpu.memory_space<vmem>> -> memref<256xi32, #tpu.memory_space<vmem>>
    %dma_start3A_49 = arith.constant 0 : i32
    %dma_start3A_50 = arith.constant 0 : i32
    %dma_start3A_51 = tpu.memref_slice %arg2[%dma_start3A_49, %dma_start3A_50] : memref<10240x64xf32, #tpu.memory_space<hbm>> -> memref<10240x64xf32, #tpu.memory_space<hbm>>
    tpu.enqueue_indirect_dma source(%dma_start3A_51 : memref<10240x64xf32, #tpu.memory_space<hbm>>) target(%dma_start3A_46 : memref<256x64xf32, #tpu.memory_space<vmem>>) offsets(%dma_start3A_48 : memref<256xi32, #tpu.memory_space<vmem>>) semaphore(%arg12 : memref<!tpu.dma_semaphore, #tpu.memory_space<semaphore_mem>>)
    %dma_start3A_52 = arith.constant 3 : i32
    %dma_start3A_53 = arith.constant 0 : i32
    %dma_start3A_54 = arith.constant 0 : i32
    %dma_start3A_55 = tpu.memref_slice %arg8[%dma_start3A_52, %dma_start3A_53, %dma_start3A_54] : memref<4x256x64xf32, #tpu.memory_space<vmem>> -> memref<1x256x64xf32, #tpu.memory_space<vmem>>
    %dma_start3A_56 = tpu.memref_squeeze %dma_start3A_55 : memref<1x256x64xf32, #tpu.memory_space<vmem>> -> memref<256x64xf32, #tpu.memory_space<vmem>>
    %dma_start3A_57 = arith.constant 768 : i32
    %dma_start3A_58 = tpu.memref_slice %arg7[%dma_start3A_57] : memref<10240xi32, #tpu.memory_space<vmem>> -> memref<256xi32, #tpu.memory_space<vmem>>
    %dma_start3A_59 = arith.constant 0 : i32
    %dma_start3A_60 = arith.constant 0 : i32
    %dma_start3A_61 = tpu.memref_slice %arg2[%dma_start3A_59, %dma_start3A_60] : memref<10240x64xf32, #tpu.memory_space<hbm>> -> memref<10240x64xf32, #tpu.memory_space<hbm>>
    tpu.enqueue_indirect_dma source(%dma_start3A_61 : memref<10240x64xf32, #tpu.memory_space<hbm>>) target(%dma_start3A_56 : memref<256x64xf32, #tpu.memory_space<vmem>>) offsets(%dma_start3A_58 : memref<256xi32, #tpu.memory_space<vmem>>) semaphore(%arg13 : memref<!tpu.dma_semaphore, #tpu.memory_space<semaphore_mem>>)
    %scan3A_62 = arith.constant 0 : i32
    %scan3A_63 = arith.constant 0 : i32
    %scan3A_64 = arith.constant 10 : i32
    %scan3A_65 = arith.addi %scan3A_63, %scan3A_64 : i32
    %scan3A_66 = arith.constant 1 : i32
    scf.for %scan3A_69 = %scan3A_63 to %scan3A_65 step %scan3A_66  : i32 {
      %mul3A_70 = arith.constant 4 : i32
      %mul3A_71 = arith.muli %mul3A_70, %scan3A_69 : i32
      %add3A_72 = arith.constant 0 : i32
      %add3A_73 = arith.addi %mul3A_71, %add3A_72 : i32
      %mul3A_74 = arith.constant 256 : i32
      %mul3A_75 = arith.muli %mul3A_74, %add3A_73 : i32
      %dma_wait3A = arith.constant 0 : i32
      %dma_wait3A_76 = arith.constant 0 : i32
      %dma_wait3A_77 = arith.constant 0 : i32
      %dma_wait3A_78 = tpu.memref_slice %arg8[%dma_wait3A, %dma_wait3A_76, %dma_wait3A_77] : memref<4x256x64xf32, #tpu.memory_space<vmem>> -> memref<1x256x64xf32, #tpu.memory_space<vmem>>
      %dma_wait3A_79 = tpu.memref_squeeze %dma_wait3A_78 : memref<1x256x64xf32, #tpu.memory_space<vmem>> -> memref<256x64xf32, #tpu.memory_space<vmem>>
      %dma_wait3A_80 = tpu.memref_slice %arg7[%mul3A_75] : memref<10240xi32, #tpu.memory_space<vmem>> -> memref<256xi32, #tpu.memory_space<vmem>>
      %dma_wait3A_81 = arith.constant 0 : i32
      %dma_wait3A_82 = arith.constant 0 : i32
      %dma_wait3A_83 = tpu.memref_slice %arg2[%dma_wait3A_81, %dma_wait3A_82] : memref<10240x64xf32, #tpu.memory_space<hbm>> -> memref<10240x64xf32, #tpu.memory_space<hbm>>
      tpu.wait_indirect_dma semaphore(%arg10 : memref<!tpu.dma_semaphore, #tpu.memory_space<semaphore_mem>>) src(%dma_wait3A_83 : memref<10240x64xf32, #tpu.memory_space<hbm>>) dst(%dma_wait3A_79 : memref<256x64xf32, #tpu.memory_space<vmem>>)
      %add3A_84 = arith.constant 0 : i32
      %add3A_85 = arith.addi %mul3A_71, %add3A_84 : i32
      %mul3A_86 = arith.constant 256 : i32
      %mul3A_87 = arith.muli %mul3A_86, %add3A_85 : i32
      %dma_start3A_88 = arith.constant 0 : i32
      %dma_start3A_89 = arith.constant 0 : i32
      %dma_start3A_90 = arith.constant 0 : i32
      %dma_start3A_91 = tpu.memref_slice %arg8[%dma_start3A_88, %dma_start3A_89, %dma_start3A_90] : memref<4x256x64xf32, #tpu.memory_space<vmem>> -> memref<1x256x64xf32, #tpu.memory_space<vmem>>
      %dma_start3A_92 = tpu.memref_squeeze %dma_start3A_91 : memref<1x256x64xf32, #tpu.memory_space<vmem>> -> memref<256x64xf32, #tpu.memory_space<vmem>>
      %dma_start3A_93 = tpu.memref_slice %arg6[%mul3A_87] : memref<10240xi32, #tpu.memory_space<vmem>> -> memref<256xi32, #tpu.memory_space<vmem>>
      %dma_start3A_94 = arith.constant 0 : i32
      %dma_start3A_95 = arith.constant 0 : i32
      %dma_start3A_96 = tpu.memref_slice %arg9[%dma_start3A_94, %dma_start3A_95] : memref<10240x64xf32, #tpu.memory_space<vmem_shared>> -> memref<10240x64xf32, #tpu.memory_space<vmem_shared>>
      tpu.enqueue_indirect_dma source(%dma_start3A_92 : memref<256x64xf32, #tpu.memory_space<vmem>>) target(%dma_start3A_96 : memref<10240x64xf32, #tpu.memory_space<vmem_shared>>) offsets(%dma_start3A_93 : memref<256xi32, #tpu.memory_space<vmem>>) semaphore(%arg14 : memref<!tpu.dma_semaphore, #tpu.memory_space<semaphore_mem>>) {add = true}
      %add3A_97 = arith.constant 1 : i32
      %add3A_98 = arith.addi %mul3A_71, %add3A_97 : i32
      %mul3A_99 = arith.constant 256 : i32
      %mul3A_100 = arith.muli %mul3A_99, %add3A_98 : i32
      %dma_wait3A_101 = arith.constant 1 : i32
      %dma_wait3A_102 = arith.constant 0 : i32
      %dma_wait3A_103 = arith.constant 0 : i32
      %dma_wait3A_104 = tpu.memref_slice %arg8[%dma_wait3A_101, %dma_wait3A_102, %dma_wait3A_103] : memref<4x256x64xf32, #tpu.memory_space<vmem>> -> memref<1x256x64xf32, #tpu.memory_space<vmem>>
      %dma_wait3A_105 = tpu.memref_squeeze %dma_wait3A_104 : memref<1x256x64xf32, #tpu.memory_space<vmem>> -> memref<256x64xf32, #tpu.memory_space<vmem>>
      %dma_wait3A_106 = tpu.memref_slice %arg7[%mul3A_100] : memref<10240xi32, #tpu.memory_space<vmem>> -> memref<256xi32, #tpu.memory_space<vmem>>
      %dma_wait3A_107 = arith.constant 0 : i32
      %dma_wait3A_108 = arith.constant 0 : i32
      %dma_wait3A_109 = tpu.memref_slice %arg2[%dma_wait3A_107, %dma_wait3A_108] : memref<10240x64xf32, #tpu.memory_space<hbm>> -> memref<10240x64xf32, #tpu.memory_space<hbm>>
      tpu.wait_indirect_dma semaphore(%arg11 : memref<!tpu.dma_semaphore, #tpu.memory_space<semaphore_mem>>) src(%dma_wait3A_109 : memref<10240x64xf32, #tpu.memory_space<hbm>>) dst(%dma_wait3A_105 : memref<256x64xf32, #tpu.memory_space<vmem>>)
      %add3A_110 = arith.constant 1 : i32
      %add3A_111 = arith.addi %mul3A_71, %add3A_110 : i32
      %mul3A_112 = arith.constant 256 : i32
      %mul3A_113 = arith.muli %mul3A_112, %add3A_111 : i32
      %dma_start3A_114 = arith.constant 1 : i32
      %dma_start3A_115 = arith.constant 0 : i32
      %dma_start3A_116 = arith.constant 0 : i32
      %dma_start3A_117 = tpu.memref_slice %arg8[%dma_start3A_114, %dma_start3A_115, %dma_start3A_116] : memref<4x256x64xf32, #tpu.memory_space<vmem>> -> memref<1x256x64xf32, #tpu.memory_space<vmem>>
      %dma_start3A_118 = tpu.memref_squeeze %dma_start3A_117 : memref<1x256x64xf32, #tpu.memory_space<vmem>> -> memref<256x64xf32, #tpu.memory_space<vmem>>
      %dma_start3A_119 = tpu.memref_slice %arg6[%mul3A_113] : memref<10240xi32, #tpu.memory_space<vmem>> -> memref<256xi32, #tpu.memory_space<vmem>>
      %dma_start3A_120 = arith.constant 0 : i32
      %dma_start3A_121 = arith.constant 0 : i32
      %dma_start3A_122 = tpu.memref_slice %arg9[%dma_start3A_120, %dma_start3A_121] : memref<10240x64xf32, #tpu.memory_space<vmem_shared>> -> memref<10240x64xf32, #tpu.memory_space<vmem_shared>>
      tpu.enqueue_indirect_dma source(%dma_start3A_118 : memref<256x64xf32, #tpu.memory_space<vmem>>) target(%dma_start3A_122 : memref<10240x64xf32, #tpu.memory_space<vmem_shared>>) offsets(%dma_start3A_119 : memref<256xi32, #tpu.memory_space<vmem>>) semaphore(%arg15 : memref<!tpu.dma_semaphore, #tpu.memory_space<semaphore_mem>>) {add = true}
      %add3A_123 = arith.constant 2 : i32
      %add3A_124 = arith.addi %mul3A_71, %add3A_123 : i32
      %mul3A_125 = arith.constant 256 : i32
      %mul3A_126 = arith.muli %mul3A_125, %add3A_124 : i32
      %dma_wait3A_127 = arith.constant 2 : i32
      %dma_wait3A_128 = arith.constant 0 : i32
      %dma_wait3A_129 = arith.constant 0 : i32
      %dma_wait3A_130 = tpu.memref_slice %arg8[%dma_wait3A_127, %dma_wait3A_128, %dma_wait3A_129] : memref<4x256x64xf32, #tpu.memory_space<vmem>> -> memref<1x256x64xf32, #tpu.memory_space<vmem>>
      %dma_wait3A_131 = tpu.memref_squeeze %dma_wait3A_130 : memref<1x256x64xf32, #tpu.memory_space<vmem>> -> memref<256x64xf32, #tpu.memory_space<vmem>>
      %dma_wait3A_132 = tpu.memref_slice %arg7[%mul3A_126] : memref<10240xi32, #tpu.memory_space<vmem>> -> memref<256xi32, #tpu.memory_space<vmem>>
      %dma_wait3A_133 = arith.constant 0 : i32
      %dma_wait3A_134 = arith.constant 0 : i32
      %dma_wait3A_135 = tpu.memref_slice %arg2[%dma_wait3A_133, %dma_wait3A_134] : memref<10240x64xf32, #tpu.memory_space<hbm>> -> memref<10240x64xf32, #tpu.memory_space<hbm>>
      tpu.wait_indirect_dma semaphore(%arg12 : memref<!tpu.dma_semaphore, #tpu.memory_space<semaphore_mem>>) src(%dma_wait3A_135 : memref<10240x64xf32, #tpu.memory_space<hbm>>) dst(%dma_wait3A_131 : memref<256x64xf32, #tpu.memory_space<vmem>>)
      %add3A_136 = arith.constant 2 : i32
      %add3A_137 = arith.addi %mul3A_71, %add3A_136 : i32
      %mul3A_138 = arith.constant 256 : i32
      %mul3A_139 = arith.muli %mul3A_138, %add3A_137 : i32
      %dma_start3A_140 = arith.constant 2 : i32
      %dma_start3A_141 = arith.constant 0 : i32
      %dma_start3A_142 = arith.constant 0 : i32
      %dma_start3A_143 = tpu.memref_slice %arg8[%dma_start3A_140, %dma_start3A_141, %dma_start3A_142] : memref<4x256x64xf32, #tpu.memory_space<vmem>> -> memref<1x256x64xf32, #tpu.memory_space<vmem>>
      %dma_start3A_144 = tpu.memref_squeeze %dma_start3A_143 : memref<1x256x64xf32, #tpu.memory_space<vmem>> -> memref<256x64xf32, #tpu.memory_space<vmem>>
      %dma_start3A_145 = tpu.memref_slice %arg6[%mul3A_139] : memref<10240xi32, #tpu.memory_space<vmem>> -> memref<256xi32, #tpu.memory_space<vmem>>
      %dma_start3A_146 = arith.constant 0 : i32
      %dma_start3A_147 = arith.constant 0 : i32
      %dma_start3A_148 = tpu.memref_slice %arg9[%dma_start3A_146, %dma_start3A_147] : memref<10240x64xf32, #tpu.memory_space<vmem_shared>> -> memref<10240x64xf32, #tpu.memory_space<vmem_shared>>
      tpu.enqueue_indirect_dma source(%dma_start3A_144 : memref<256x64xf32, #tpu.memory_space<vmem>>) target(%dma_start3A_148 : memref<10240x64xf32, #tpu.memory_space<vmem_shared>>) offsets(%dma_start3A_145 : memref<256xi32, #tpu.memory_space<vmem>>) semaphore(%arg16 : memref<!tpu.dma_semaphore, #tpu.memory_space<semaphore_mem>>) {add = true}
      %add3A_149 = arith.constant 3 : i32
      %add3A_150 = arith.addi %mul3A_71, %add3A_149 : i32
      %mul3A_151 = arith.constant 256 : i32
      %mul3A_152 = arith.muli %mul3A_151, %add3A_150 : i32
      %dma_wait3A_153 = arith.constant 3 : i32
      %dma_wait3A_154 = arith.constant 0 : i32
      %dma_wait3A_155 = arith.constant 0 : i32
      %dma_wait3A_156 = tpu.memref_slice %arg8[%dma_wait3A_153, %dma_wait3A_154, %dma_wait3A_155] : memref<4x256x64xf32, #tpu.memory_space<vmem>> -> memref<1x256x64xf32, #tpu.memory_space<vmem>>
      %dma_wait3A_157 = tpu.memref_squeeze %dma_wait3A_156 : memref<1x256x64xf32, #tpu.memory_space<vmem>> -> memref<256x64xf32, #tpu.memory_space<vmem>>
      %dma_wait3A_158 = tpu.memref_slice %arg7[%mul3A_152] : memref<10240xi32, #tpu.memory_space<vmem>> -> memref<256xi32, #tpu.memory_space<vmem>>
      %dma_wait3A_159 = arith.constant 0 : i32
      %dma_wait3A_160 = arith.constant 0 : i32
      %dma_wait3A_161 = tpu.memref_slice %arg2[%dma_wait3A_159, %dma_wait3A_160] : memref<10240x64xf32, #tpu.memory_space<hbm>> -> memref<10240x64xf32, #tpu.memory_space<hbm>>
      tpu.wait_indirect_dma semaphore(%arg13 : memref<!tpu.dma_semaphore, #tpu.memory_space<semaphore_mem>>) src(%dma_wait3A_161 : memref<10240x64xf32, #tpu.memory_space<hbm>>) dst(%dma_wait3A_157 : memref<256x64xf32, #tpu.memory_space<vmem>>)
      %add3A_162 = arith.constant 3 : i32
      %add3A_163 = arith.addi %mul3A_71, %add3A_162 : i32
      %mul3A_164 = arith.constant 256 : i32
      %mul3A_165 = arith.muli %mul3A_164, %add3A_163 : i32
      %dma_start3A_166 = arith.constant 3 : i32
      %dma_start3A_167 = arith.constant 0 : i32
      %dma_start3A_168 = arith.constant 0 : i32
      %dma_start3A_169 = tpu.memref_slice %arg8[%dma_start3A_166, %dma_start3A_167, %dma_start3A_168] : memref<4x256x64xf32, #tpu.memory_space<vmem>> -> memref<1x256x64xf32, #tpu.memory_space<vmem>>
      %dma_start3A_170 = tpu.memref_squeeze %dma_start3A_169 : memref<1x256x64xf32, #tpu.memory_space<vmem>> -> memref<256x64xf32, #tpu.memory_space<vmem>>
      %dma_start3A_171 = tpu.memref_slice %arg6[%mul3A_165] : memref<10240xi32, #tpu.memory_space<vmem>> -> memref<256xi32, #tpu.memory_space<vmem>>
      %dma_start3A_172 = arith.constant 0 : i32
      %dma_start3A_173 = arith.constant 0 : i32
      %dma_start3A_174 = tpu.memref_slice %arg9[%dma_start3A_172, %dma_start3A_173] : memref<10240x64xf32, #tpu.memory_space<vmem_shared>> -> memref<10240x64xf32, #tpu.memory_space<vmem_shared>>
      tpu.enqueue_indirect_dma source(%dma_start3A_170 : memref<256x64xf32, #tpu.memory_space<vmem>>) target(%dma_start3A_174 : memref<10240x64xf32, #tpu.memory_space<vmem_shared>>) offsets(%dma_start3A_171 : memref<256xi32, #tpu.memory_space<vmem>>) semaphore(%arg17 : memref<!tpu.dma_semaphore, #tpu.memory_space<semaphore_mem>>) {add = true}
      %add3A_175 = arith.constant 0 : i32
      %add3A_176 = arith.addi %mul3A_71, %add3A_175 : i32
      %mul3A_177 = arith.constant 256 : i32
      %mul3A_178 = arith.muli %mul3A_177, %add3A_176 : i32
      %dma_wait3A_179 = arith.constant 0 : i32
      %dma_wait3A_180 = arith.constant 0 : i32
      %dma_wait3A_181 = arith.constant 0 : i32
      %dma_wait3A_182 = tpu.memref_slice %arg8[%dma_wait3A_179, %dma_wait3A_180, %dma_wait3A_181] : memref<4x256x64xf32, #tpu.memory_space<vmem>> -> memref<1x256x64xf32, #tpu.memory_space<vmem>>
      %dma_wait3A_183 = tpu.memref_squeeze %dma_wait3A_182 : memref<1x256x64xf32, #tpu.memory_space<vmem>> -> memref<256x64xf32, #tpu.memory_space<vmem>>
      %dma_wait3A_184 = tpu.memref_slice %arg6[%mul3A_178] : memref<10240xi32, #tpu.memory_space<vmem>> -> memref<256xi32, #tpu.memory_space<vmem>>
      %dma_wait3A_185 = arith.constant 0 : i32
      %dma_wait3A_186 = arith.constant 0 : i32
      %dma_wait3A_187 = tpu.memref_slice %arg9[%dma_wait3A_185, %dma_wait3A_186] : memref<10240x64xf32, #tpu.memory_space<vmem_shared>> -> memref<10240x64xf32, #tpu.memory_space<vmem_shared>>
      tpu.wait_indirect_dma semaphore(%arg14 : memref<!tpu.dma_semaphore, #tpu.memory_space<semaphore_mem>>) src(%dma_wait3A_183 : memref<256x64xf32, #tpu.memory_space<vmem>>) dst(%dma_wait3A_187 : memref<10240x64xf32, #tpu.memory_space<vmem_shared>>)
      %lt3A = arith.constant 9 : i32
      %lt3A_188 = arith.cmpi slt, %scan3A_69, %lt3A : i32
      %convert_element_type3A = arith.extui %lt3A_188 : i1 to i32
      %cond3A = arith.constant 0 : i32
      %cond3A_189 = arith.cmpi ne, %convert_element_type3A, %cond3A : i32
      scf.if %cond3A_189 {
        %add3A_244 = arith.constant 0 : i32
        %add3A_245 = arith.addi %mul3A_71, %add3A_244 : i32
        %add3A_246 = arith.constant 4 : i32
        %add3A_247 = arith.addi %add3A_245, %add3A_246 : i32
        %mul3A_248 = arith.constant 256 : i32
        %mul3A_249 = arith.muli %mul3A_248, %add3A_247 : i32
        %dma_start3A_250 = arith.constant 0 : i32
        %dma_start3A_251 = arith.constant 0 : i32
        %dma_start3A_252 = arith.constant 0 : i32
        %dma_start3A_253 = tpu.memref_slice %arg8[%dma_start3A_250, %dma_start3A_251, %dma_start3A_252] : memref<4x256x64xf32, #tpu.memory_space<vmem>> -> memref<1x256x64xf32, #tpu.memory_space<vmem>>
        %dma_start3A_254 = tpu.memref_squeeze %dma_start3A_253 : memref<1x256x64xf32, #tpu.memory_space<vmem>> -> memref<256x64xf32, #tpu.memory_space<vmem>>
        %dma_start3A_255 = tpu.memref_slice %arg7[%mul3A_249] : memref<10240xi32, #tpu.memory_space<vmem>> -> memref<256xi32, #tpu.memory_space<vmem>>
        %dma_start3A_256 = arith.constant 0 : i32
        %dma_start3A_257 = arith.constant 0 : i32
        %dma_start3A_258 = tpu.memref_slice %arg2[%dma_start3A_256, %dma_start3A_257] : memref<10240x64xf32, #tpu.memory_space<hbm>> -> memref<10240x64xf32, #tpu.memory_space<hbm>>
        tpu.enqueue_indirect_dma source(%dma_start3A_258 : memref<10240x64xf32, #tpu.memory_space<hbm>>) target(%dma_start3A_254 : memref<256x64xf32, #tpu.memory_space<vmem>>) offsets(%dma_start3A_255 : memref<256xi32, #tpu.memory_space<vmem>>) semaphore(%arg10 : memref<!tpu.dma_semaphore, #tpu.memory_space<semaphore_mem>>)
      } else {
      }
      %add3A_190 = arith.constant 1 : i32
      %add3A_191 = arith.addi %mul3A_71, %add3A_190 : i32
      %mul3A_192 = arith.constant 256 : i32
      %mul3A_193 = arith.muli %mul3A_192, %add3A_191 : i32
      %dma_wait3A_194 = arith.constant 1 : i32
      %dma_wait3A_195 = arith.constant 0 : i32
      %dma_wait3A_196 = arith.constant 0 : i32
      %dma_wait3A_197 = tpu.memref_slice %arg8[%dma_wait3A_194, %dma_wait3A_195, %dma_wait3A_196] : memref<4x256x64xf32, #tpu.memory_space<vmem>> -> memref<1x256x64xf32, #tpu.memory_space<vmem>>
      %dma_wait3A_198 = tpu.memref_squeeze %dma_wait3A_197 : memref<1x256x64xf32, #tpu.memory_space<vmem>> -> memref<256x64xf32, #tpu.memory_space<vmem>>
      %dma_wait3A_199 = tpu.memref_slice %arg6[%mul3A_193] : memref<10240xi32, #tpu.memory_space<vmem>> -> memref<256xi32, #tpu.memory_space<vmem>>
      %dma_wait3A_200 = arith.constant 0 : i32
      %dma_wait3A_201 = arith.constant 0 : i32
      %dma_wait3A_202 = tpu.memref_slice %arg9[%dma_wait3A_200, %dma_wait3A_201] : memref<10240x64xf32, #tpu.memory_space<vmem_shared>> -> memref<10240x64xf32, #tpu.memory_space<vmem_shared>>
      tpu.wait_indirect_dma semaphore(%arg15 : memref<!tpu.dma_semaphore, #tpu.memory_space<semaphore_mem>>) src(%dma_wait3A_198 : memref<256x64xf32, #tpu.memory_space<vmem>>) dst(%dma_wait3A_202 : memref<10240x64xf32, #tpu.memory_space<vmem_shared>>)
      %lt3A_203 = arith.constant 9 : i32
      %lt3A_204 = arith.cmpi slt, %scan3A_69, %lt3A_203 : i32
      %convert_element_type3A_205 = arith.extui %lt3A_204 : i1 to i32
      %cond3A_206 = arith.constant 0 : i32
      %cond3A_207 = arith.cmpi ne, %convert_element_type3A_205, %cond3A_206 : i32
      scf.if %cond3A_207 {
        %add3A_244 = arith.constant 1 : i32
        %add3A_245 = arith.addi %mul3A_71, %add3A_244 : i32
        %add3A_246 = arith.constant 4 : i32
        %add3A_247 = arith.addi %add3A_245, %add3A_246 : i32
        %mul3A_248 = arith.constant 256 : i32
        %mul3A_249 = arith.muli %mul3A_248, %add3A_247 : i32
        %dma_start3A_250 = arith.constant 1 : i32
        %dma_start3A_251 = arith.constant 0 : i32
        %dma_start3A_252 = arith.constant 0 : i32
        %dma_start3A_253 = tpu.memref_slice %arg8[%dma_start3A_250, %dma_start3A_251, %dma_start3A_252] : memref<4x256x64xf32, #tpu.memory_space<vmem>> -> memref<1x256x64xf32, #tpu.memory_space<vmem>>
        %dma_start3A_254 = tpu.memref_squeeze %dma_start3A_253 : memref<1x256x64xf32, #tpu.memory_space<vmem>> -> memref<256x64xf32, #tpu.memory_space<vmem>>
        %dma_start3A_255 = tpu.memref_slice %arg7[%mul3A_249] : memref<10240xi32, #tpu.memory_space<vmem>> -> memref<256xi32, #tpu.memory_space<vmem>>
        %dma_start3A_256 = arith.constant 0 : i32
        %dma_start3A_257 = arith.constant 0 : i32
        %dma_start3A_258 = tpu.memref_slice %arg2[%dma_start3A_256, %dma_start3A_257] : memref<10240x64xf32, #tpu.memory_space<hbm>> -> memref<10240x64xf32, #tpu.memory_space<hbm>>
        tpu.enqueue_indirect_dma source(%dma_start3A_258 : memref<10240x64xf32, #tpu.memory_space<hbm>>) target(%dma_start3A_254 : memref<256x64xf32, #tpu.memory_space<vmem>>) offsets(%dma_start3A_255 : memref<256xi32, #tpu.memory_space<vmem>>) semaphore(%arg11 : memref<!tpu.dma_semaphore, #tpu.memory_space<semaphore_mem>>)
      } else {
      }
      %add3A_208 = arith.constant 2 : i32
      %add3A_209 = arith.addi %mul3A_71, %add3A_208 : i32
      %mul3A_210 = arith.constant 256 : i32
      %mul3A_211 = arith.muli %mul3A_210, %add3A_209 : i32
      %dma_wait3A_212 = arith.constant 2 : i32
      %dma_wait3A_213 = arith.constant 0 : i32
      %dma_wait3A_214 = arith.constant 0 : i32
      %dma_wait3A_215 = tpu.memref_slice %arg8[%dma_wait3A_212, %dma_wait3A_213, %dma_wait3A_214] : memref<4x256x64xf32, #tpu.memory_space<vmem>> -> memref<1x256x64xf32, #tpu.memory_space<vmem>>
      %dma_wait3A_216 = tpu.memref_squeeze %dma_wait3A_215 : memref<1x256x64xf32, #tpu.memory_space<vmem>> -> memref<256x64xf32, #tpu.memory_space<vmem>>
      %dma_wait3A_217 = tpu.memref_slice %arg6[%mul3A_211] : memref<10240xi32, #tpu.memory_space<vmem>> -> memref<256xi32, #tpu.memory_space<vmem>>
      %dma_wait3A_218 = arith.constant 0 : i32
      %dma_wait3A_219 = arith.constant 0 : i32
      %dma_wait3A_220 = tpu.memref_slice %arg9[%dma_wait3A_218, %dma_wait3A_219] : memref<10240x64xf32, #tpu.memory_space<vmem_shared>> -> memref<10240x64xf32, #tpu.memory_space<vmem_shared>>
      tpu.wait_indirect_dma semaphore(%arg16 : memref<!tpu.dma_semaphore, #tpu.memory_space<semaphore_mem>>) src(%dma_wait3A_216 : memref<256x64xf32, #tpu.memory_space<vmem>>) dst(%dma_wait3A_220 : memref<10240x64xf32, #tpu.memory_space<vmem_shared>>)
      %lt3A_221 = arith.constant 9 : i32
      %lt3A_222 = arith.cmpi slt, %scan3A_69, %lt3A_221 : i32
      %convert_element_type3A_223 = arith.extui %lt3A_222 : i1 to i32
      %cond3A_224 = arith.constant 0 : i32
      %cond3A_225 = arith.cmpi ne, %convert_element_type3A_223, %cond3A_224 : i32
      scf.if %cond3A_225 {
        %add3A_244 = arith.constant 2 : i32
        %add3A_245 = arith.addi %mul3A_71, %add3A_244 : i32
        %add3A_246 = arith.constant 4 : i32
        %add3A_247 = arith.addi %add3A_245, %add3A_246 : i32
        %mul3A_248 = arith.constant 256 : i32
        %mul3A_249 = arith.muli %mul3A_248, %add3A_247 : i32
        %dma_start3A_250 = arith.constant 2 : i32
        %dma_start3A_251 = arith.constant 0 : i32
        %dma_start3A_252 = arith.constant 0 : i32
        %dma_start3A_253 = tpu.memref_slice %arg8[%dma_start3A_250, %dma_start3A_251, %dma_start3A_252] : memref<4x256x64xf32, #tpu.memory_space<vmem>> -> memref<1x256x64xf32, #tpu.memory_space<vmem>>
        %dma_start3A_254 = tpu.memref_squeeze %dma_start3A_253 : memref<1x256x64xf32, #tpu.memory_space<vmem>> -> memref<256x64xf32, #tpu.memory_space<vmem>>
        %dma_start3A_255 = tpu.memref_slice %arg7[%mul3A_249] : memref<10240xi32, #tpu.memory_space<vmem>> -> memref<256xi32, #tpu.memory_space<vmem>>
        %dma_start3A_256 = arith.constant 0 : i32
        %dma_start3A_257 = arith.constant 0 : i32
        %dma_start3A_258 = tpu.memref_slice %arg2[%dma_start3A_256, %dma_start3A_257] : memref<10240x64xf32, #tpu.memory_space<hbm>> -> memref<10240x64xf32, #tpu.memory_space<hbm>>
        tpu.enqueue_indirect_dma source(%dma_start3A_258 : memref<10240x64xf32, #tpu.memory_space<hbm>>) target(%dma_start3A_254 : memref<256x64xf32, #tpu.memory_space<vmem>>) offsets(%dma_start3A_255 : memref<256xi32, #tpu.memory_space<vmem>>) semaphore(%arg12 : memref<!tpu.dma_semaphore, #tpu.memory_space<semaphore_mem>>)
      } else {
      }
      %add3A_226 = arith.constant 3 : i32
      %add3A_227 = arith.addi %mul3A_71, %add3A_226 : i32
      %mul3A_228 = arith.constant 256 : i32
      %mul3A_229 = arith.muli %mul3A_228, %add3A_227 : i32
      %dma_wait3A_230 = arith.constant 3 : i32
      %dma_wait3A_231 = arith.constant 0 : i32
      %dma_wait3A_232 = arith.constant 0 : i32
      %dma_wait3A_233 = tpu.memref_slice %arg8[%dma_wait3A_230, %dma_wait3A_231, %dma_wait3A_232] : memref<4x256x64xf32, #tpu.memory_space<vmem>> -> memref<1x256x64xf32, #tpu.memory_space<vmem>>
      %dma_wait3A_234 = tpu.memref_squeeze %dma_wait3A_233 : memref<1x256x64xf32, #tpu.memory_space<vmem>> -> memref<256x64xf32, #tpu.memory_space<vmem>>
      %dma_wait3A_235 = tpu.memref_slice %arg6[%mul3A_229] : memref<10240xi32, #tpu.memory_space<vmem>> -> memref<256xi32, #tpu.memory_space<vmem>>
      %dma_wait3A_236 = arith.constant 0 : i32
      %dma_wait3A_237 = arith.constant 0 : i32
      %dma_wait3A_238 = tpu.memref_slice %arg9[%dma_wait3A_236, %dma_wait3A_237] : memref<10240x64xf32, #tpu.memory_space<vmem_shared>> -> memref<10240x64xf32, #tpu.memory_space<vmem_shared>>
      tpu.wait_indirect_dma semaphore(%arg17 : memref<!tpu.dma_semaphore, #tpu.memory_space<semaphore_mem>>) src(%dma_wait3A_234 : memref<256x64xf32, #tpu.memory_space<vmem>>) dst(%dma_wait3A_238 : memref<10240x64xf32, #tpu.memory_space<vmem_shared>>)
      %lt3A_239 = arith.constant 9 : i32
      %lt3A_240 = arith.cmpi slt, %scan3A_69, %lt3A_239 : i32
      %convert_element_type3A_241 = arith.extui %lt3A_240 : i1 to i32
      %cond3A_242 = arith.constant 0 : i32
      %cond3A_243 = arith.cmpi ne, %convert_element_type3A_241, %cond3A_242 : i32
      scf.if %cond3A_243 {
        %add3A_244 = arith.constant 3 : i32
        %add3A_245 = arith.addi %mul3A_71, %add3A_244 : i32
        %add3A_246 = arith.constant 4 : i32
        %add3A_247 = arith.addi %add3A_245, %add3A_246 : i32
        %mul3A_248 = arith.constant 256 : i32
        %mul3A_249 = arith.muli %mul3A_248, %add3A_247 : i32
        %dma_start3A_250 = arith.constant 3 : i32
        %dma_start3A_251 = arith.constant 0 : i32
        %dma_start3A_252 = arith.constant 0 : i32
        %dma_start3A_253 = tpu.memref_slice %arg8[%dma_start3A_250, %dma_start3A_251, %dma_start3A_252] : memref<4x256x64xf32, #tpu.memory_space<vmem>> -> memref<1x256x64xf32, #tpu.memory_space<vmem>>
        %dma_start3A_254 = tpu.memref_squeeze %dma_start3A_253 : memref<1x256x64xf32, #tpu.memory_space<vmem>> -> memref<256x64xf32, #tpu.memory_space<vmem>>
        %dma_start3A_255 = tpu.memref_slice %arg7[%mul3A_249] : memref<10240xi32, #tpu.memory_space<vmem>> -> memref<256xi32, #tpu.memory_space<vmem>>
        %dma_start3A_256 = arith.constant 0 : i32
        %dma_start3A_257 = arith.constant 0 : i32
        %dma_start3A_258 = tpu.memref_slice %arg2[%dma_start3A_256, %dma_start3A_257] : memref<10240x64xf32, #tpu.memory_space<hbm>> -> memref<10240x64xf32, #tpu.memory_space<hbm>>
        tpu.enqueue_indirect_dma source(%dma_start3A_258 : memref<10240x64xf32, #tpu.memory_space<hbm>>) target(%dma_start3A_254 : memref<256x64xf32, #tpu.memory_space<vmem>>) offsets(%dma_start3A_255 : memref<256xi32, #tpu.memory_space<vmem>>) semaphore(%arg13 : memref<!tpu.dma_semaphore, #tpu.memory_space<semaphore_mem>>)
      } else {
      }
    }
    %scan3A_67 = arith.constant 10 : i32
    %barrier3A_68 = arith.constant 0 : index
    tpu.barrier barrier_id(%barrier3A_68)
    "tpu.region"() ({
      %run_scoped3A_69 = tpu.sem_alloc : memref<!tpu.dma_semaphore, #tpu.memory_space<semaphore_mem>>
      %dma_start3A_70 = arith.constant 0 : i32
      %dma_start3A_71 = tpu.memref_slice %arg5[%arg0, %mul3A_2, %dma_start3A_70] : memref<2x10240x64xf32, #tpu.memory_space<hbm>> -> memref<1x640x64xf32, #tpu.memory_space<hbm>>
      %dma_start3A_72 = tpu.memref_squeeze %dma_start3A_71 : memref<1x640x64xf32, #tpu.memory_space<hbm>> -> memref<640x64xf32, #tpu.memory_space<hbm>>
      %dma_start3A_73 = arith.constant 0 : i32
      %dma_start3A_74 = tpu.memref_slice %arg9[%mul3A_2, %dma_start3A_73] : memref<10240x64xf32, #tpu.memory_space<vmem_shared>> -> memref<640x64xf32, #tpu.memory_space<vmem_shared>>
      tpu.enqueue_dma source(%dma_start3A_74 : memref<640x64xf32, #tpu.memory_space<vmem_shared>>) target(%dma_start3A_72 : memref<640x64xf32, #tpu.memory_space<hbm>>) target_semaphore(%run_scoped3A_69 : memref<!tpu.dma_semaphore, #tpu.memory_space<semaphore_mem>>)
      %dma_wait3A = arith.constant 0 : i32
      %dma_wait3A_75 = tpu.memref_slice %arg5[%arg0, %mul3A_2, %dma_wait3A] : memref<2x10240x64xf32, #tpu.memory_space<hbm>> -> memref<1x640x64xf32, #tpu.memory_space<hbm>>
      %dma_wait3A_76 = tpu.memref_squeeze %dma_wait3A_75 : memref<1x640x64xf32, #tpu.memory_space<hbm>> -> memref<640x64xf32, #tpu.memory_space<hbm>>
      %dma_wait3A_77 = arith.constant 0 : i32
      %dma_wait3A_78 = tpu.memref_slice %arg9[%mul3A_2, %dma_wait3A_77] : memref<10240x64xf32, #tpu.memory_space<vmem_shared>> -> memref<640x64xf32, #tpu.memory_space<vmem_shared>>
      tpu.wait_dma2 semaphore(%run_scoped3A_69 : memref<!tpu.dma_semaphore, #tpu.memory_space<semaphore_mem>>) src(%dma_wait3A_78 : memref<640x64xf32, #tpu.memory_space<vmem_shared>>) dst(%dma_wait3A_76 : memref<640x64xf32, #tpu.memory_space<hbm>>)
      tpu.yield
    }) : () -> ()
    return
  }
}

module attributes {stable_mosaic.version = 14 : i64} {
  func.func @_tca_body(%arg0: memref<5000x128xf32, #tpu.memory_space<vmem>>, %arg1: memref<5000x128xf32, #tpu.memory_space<vmem>>, %arg2: memref<128x128xf32, #tpu.memory_space<vmem>>, %arg3: memref<128x128xf32, #tpu.memory_space<vmem>>, %arg4: memref<5120x128xf32, #tpu.memory_space<vmem>>) attributes {dimension_semantics = [], scalar_prefetch = 0 : i64, scratch_operands = 0 : i64, tpu.core_type = #tpu.core_type<tc>} {
    %get3A = arith.constant 0 : index
    %get3A_0 = arith.constant 0 : index
    %get3A_1 = vector.load %arg0[%get3A, %get3A_0] : memref<5000x128xf32, #tpu.memory_space<vmem>>, vector<5000x128xf32>
    %get3A_2 = arith.constant 0 : index
    %get3A_3 = arith.constant 0 : index
    %get3A_4 = vector.load %arg2[%get3A_2, %get3A_3] : memref<128x128xf32, #tpu.memory_space<vmem>>, vector<128x128xf32>
    %dot_general3A = arith.constant dense<0.000000e+00> : vector<5000x128xf32>
    %dot_general3A_5 = tpu.matmul %get3A_1, %get3A_4, %dot_general3A {dimension_numbers = #tpu.dot_dimension_numbers<[1], [0], [0], [1], [0, 0, 1, 1], [], []>, transpose_lhs_hint = false} : vector<5000x128xf32>, vector<128x128xf32>, vector<5000x128xf32> -> vector<5000x128xf32>
    %get3A_6 = arith.constant 0 : index
    %get3A_7 = arith.constant 0 : index
    %get3A_8 = vector.load %arg1[%get3A_6, %get3A_7] : memref<5000x128xf32, #tpu.memory_space<vmem>>, vector<5000x128xf32>
    %get3A_9 = arith.constant 0 : index
    %get3A_10 = arith.constant 0 : index
    %get3A_11 = vector.load %arg3[%get3A_9, %get3A_10] : memref<128x128xf32, #tpu.memory_space<vmem>>, vector<128x128xf32>
    %dot_general3A_12 = arith.constant dense<0.000000e+00> : vector<5000x128xf32>
    %dot_general3A_13 = tpu.matmul %get3A_8, %get3A_11, %dot_general3A_12 {dimension_numbers = #tpu.dot_dimension_numbers<[1], [0], [0], [1], [0, 0, 1, 1], [], []>, transpose_lhs_hint = false} : vector<5000x128xf32>, vector<128x128xf32>, vector<5000x128xf32> -> vector<5000x128xf32>
    %add3A = arith.addf %dot_general3A_5, %dot_general3A_13 : vector<5000x128xf32>
    %swap3A = arith.constant 0 : index
    %swap3A_14 = arith.constant 0 : index
    %swap3A_15 = vector.load %arg4[%swap3A, %swap3A_14] : memref<5120x128xf32, #tpu.memory_space<vmem>>, vector<5000x128xf32>
    tpu.vector_store %arg4[%swap3A, %swap3A_14], %add3A {strides = array<i32>} : memref<5120x128xf32, #tpu.memory_space<vmem>>, vector<5000x128xf32>,
    %broadcast_in_dim3A = arith.constant 0.000000e+00 : f32
    %broadcast_in_dim3A_16 = vector.broadcast %broadcast_in_dim3A : f32 to vector<120x128xf32>
    %swap3A_17 = arith.constant 5000 : index
    %swap3A_18 = arith.constant 0 : index
    %swap3A_19 = vector.load %arg4[%swap3A_17, %swap3A_18] : memref<5120x128xf32, #tpu.memory_space<vmem>>, vector<120x128xf32>
    tpu.vector_store %arg4[%swap3A_17, %swap3A_18], %broadcast_in_dim3A_16 {strides = array<i32>} : memref<5120x128xf32, #tpu.memory_space<vmem>>, vector<120x128xf32>,
    return
  }
}

module attributes {stable_mosaic.version = 14 : i64} {
  func.func @_tcb_body(%arg0: memref<5120x128xf32, #tpu.memory_space<vmem>>, %arg1: memref<2x5120x2xf32, #tpu.memory_space<vmem>>, %arg2: memref<5120x128xf32, #tpu.memory_space<vmem>>) attributes {dimension_semantics = [], scalar_prefetch = 0 : i64, scratch_operands = 0 : i64, tpu.core_type = #tpu.core_type<tc>} {
    %get3A = arith.constant 0 : index
    %get3A_0 = arith.constant 0 : index
    %get3A_1 = vector.load %arg0[%get3A, %get3A_0] : memref<5120x128xf32, #tpu.memory_space<vmem>>, vector<5120x128xf32>
    %get3A_2 = arith.constant 0 : index
    %get3A_3 = arith.constant 0 : index
    %get3A_4 = arith.constant 0 : index
    %get3A_5 = vector.load %arg1[%get3A_2, %get3A_3, %get3A_4] : memref<2x5120x2xf32, #tpu.memory_space<vmem>>, vector<2x5120x2xf32>
    %slice3A = vector.extract_strided_slice %get3A_5 {offsets = [0, 0, 0], sizes = [1, 5120, 2], strides = [1, 1, 1]} : vector<2x5120x2xf32> to vector<1x5120x2xf32>
    %squeeze3A = vector.shape_cast %slice3A : vector<1x5120x2xf32> to vector<5120x2xf32>
    %add3A = arith.constant 1.000000e+00 : f32
    %add3A_6 = vector.broadcast %add3A : f32 to vector<5120x2xf32>
    %add3A_7 = arith.addf %add3A_6, %squeeze3A : vector<5120x2xf32>
    %slice3A_8 = vector.extract_strided_slice %get3A_5 {offsets = [1, 0, 0], sizes = [1, 5120, 2], strides = [1, 1, 1]} : vector<2x5120x2xf32> to vector<1x5120x2xf32>
    %squeeze3A_9 = vector.shape_cast %slice3A_8 : vector<1x5120x2xf32> to vector<5120x2xf32>
    %add3A_10 = arith.addf %add3A_7, %squeeze3A_9 : vector<5120x2xf32>
    %rsqrt3A = math.rsqrt %add3A_10 : vector<5120x2xf32>
    %slice3A_11 = vector.extract_strided_slice %rsqrt3A {offsets = [0, 0], sizes = [5120, 1], strides = [1, 1]} : vector<5120x2xf32> to vector<5120x1xf32>
    %broadcast_in_dim3A = vector.shape_cast %slice3A_11 : vector<5120x1xf32> to vector<5120x1xf32>
    %broadcast_in_dim3A_12 = vector.broadcast %broadcast_in_dim3A : vector<5120x1xf32> to vector<5120x64xf32>
    %slice3A_13 = vector.extract_strided_slice %rsqrt3A {offsets = [0, 1], sizes = [5120, 1], strides = [1, 1]} : vector<5120x2xf32> to vector<5120x1xf32>
    %broadcast_in_dim3A_14 = vector.shape_cast %slice3A_13 : vector<5120x1xf32> to vector<5120x1xf32>
    %broadcast_in_dim3A_15 = vector.broadcast %broadcast_in_dim3A_14 : vector<5120x1xf32> to vector<5120x64xf32>
    %concatenate3A = tpu.concatenate %broadcast_in_dim3A_12, %broadcast_in_dim3A_15 in 1 : vector<5120x64xf32>, vector<5120x64xf32> -> vector<5120x128xf32>
    %mul3A = arith.mulf %get3A_1, %concatenate3A : vector<5120x128xf32>
    %swap3A = arith.constant 0 : index
    %swap3A_16 = arith.constant 0 : index
    %swap3A_17 = vector.load %arg2[%swap3A, %swap3A_16] : memref<5120x128xf32, #tpu.memory_space<vmem>>, vector<5120x128xf32>
    tpu.vector_store %arg2[%swap3A, %swap3A_16], %mul3A {strides = array<i32>} : memref<5120x128xf32, #tpu.memory_space<vmem>>, vector<5120x128xf32>,
    return
  }
}

module attributes {stable_mosaic.version = 14 : i64} {
  func.func @_tc2_body(%arg0: memref<5120x128xf32, #tpu.memory_space<vmem>>, %arg1: memref<2x5120x128xf32, #tpu.memory_space<vmem>>, %arg2: memref<2x5120x2xf32, #tpu.memory_space<vmem>>, %arg3: memref<1x128xf32, #tpu.memory_space<vmem>>, %arg4: memref<128x128xf32, #tpu.memory_space<vmem>>, %arg5: memref<5120x128xf32, #tpu.memory_space<vmem>>) attributes {dimension_semantics = [], scalar_prefetch = 0 : i64, scratch_operands = 0 : i64, tpu.core_type = #tpu.core_type<tc>} {
    %get3A = arith.constant 0 : index
    %get3A_0 = arith.constant 0 : index
    %get3A_1 = arith.constant 0 : index
    %get3A_2 = vector.load %arg2[%get3A, %get3A_0, %get3A_1] : memref<2x5120x2xf32, #tpu.memory_space<vmem>>, vector<2x5120x2xf32>
    %slice3A = vector.extract_strided_slice %get3A_2 {offsets = [0, 0, 0], sizes = [1, 5120, 2], strides = [1, 1, 1]} : vector<2x5120x2xf32> to vector<1x5120x2xf32>
    %squeeze3A = vector.shape_cast %slice3A : vector<1x5120x2xf32> to vector<5120x2xf32>
    %add3A = arith.constant 1.000000e+00 : f32
    %add3A_3 = vector.broadcast %add3A : f32 to vector<5120x2xf32>
    %add3A_4 = arith.addf %add3A_3, %squeeze3A : vector<5120x2xf32>
    %slice3A_5 = vector.extract_strided_slice %get3A_2 {offsets = [1, 0, 0], sizes = [1, 5120, 2], strides = [1, 1, 1]} : vector<2x5120x2xf32> to vector<1x5120x2xf32>
    %squeeze3A_6 = vector.shape_cast %slice3A_5 : vector<1x5120x2xf32> to vector<5120x2xf32>
    %add3A_7 = arith.addf %add3A_4, %squeeze3A_6 : vector<5120x2xf32>
    %rsqrt3A = math.rsqrt %add3A_7 : vector<5120x2xf32>
    %slice3A_8 = vector.extract_strided_slice %rsqrt3A {offsets = [0, 0], sizes = [5120, 1], strides = [1, 1]} : vector<5120x2xf32> to vector<5120x1xf32>
    %broadcast_in_dim3A = vector.shape_cast %slice3A_8 : vector<5120x1xf32> to vector<5120x1xf32>
    %broadcast_in_dim3A_9 = vector.broadcast %broadcast_in_dim3A : vector<5120x1xf32> to vector<5120x64xf32>
    %slice3A_10 = vector.extract_strided_slice %rsqrt3A {offsets = [0, 1], sizes = [5120, 1], strides = [1, 1]} : vector<5120x2xf32> to vector<5120x1xf32>
    %broadcast_in_dim3A_11 = vector.shape_cast %slice3A_10 : vector<5120x1xf32> to vector<5120x1xf32>
    %broadcast_in_dim3A_12 = vector.broadcast %broadcast_in_dim3A_11 : vector<5120x1xf32> to vector<5120x64xf32>
    %concatenate3A = tpu.concatenate %broadcast_in_dim3A_9, %broadcast_in_dim3A_12 in 1 : vector<5120x64xf32>, vector<5120x64xf32> -> vector<5120x128xf32>
    %get3A_13 = arith.constant 0 : index
    %get3A_14 = arith.constant 0 : index
    %get3A_15 = arith.constant 0 : index
    %get3A_16 = vector.load %arg1[%get3A_13, %get3A_14, %get3A_15] : memref<2x5120x128xf32, #tpu.memory_space<vmem>>, vector<2x5120x128xf32>
    %get3A_17 = arith.constant 0 : index
    %get3A_18 = arith.constant 0 : index
    %get3A_19 = vector.load %arg0[%get3A_17, %get3A_18] : memref<5120x128xf32, #tpu.memory_space<vmem>>, vector<5120x128xf32>
    %slice3A_20 = vector.extract_strided_slice %get3A_16 {offsets = [0, 0, 0], sizes = [1, 5120, 128], strides = [1, 1, 1]} : vector<2x5120x128xf32> to vector<1x5120x128xf32>
    %squeeze3A_21 = vector.shape_cast %slice3A_20 : vector<1x5120x128xf32> to vector<5120x128xf32>
    %add3A_22 = arith.addf %get3A_19, %squeeze3A_21 : vector<5120x128xf32>
    %slice3A_23 = vector.extract_strided_slice %get3A_16 {offsets = [1, 0, 0], sizes = [1, 5120, 128], strides = [1, 1, 1]} : vector<2x5120x128xf32> to vector<1x5120x128xf32>
    %squeeze3A_24 = vector.shape_cast %slice3A_23 : vector<1x5120x128xf32> to vector<5120x128xf32>
    %add3A_25 = arith.addf %add3A_22, %squeeze3A_24 : vector<5120x128xf32>
    %mul3A = arith.mulf %concatenate3A, %add3A_25 : vector<5120x128xf32>
    %get3A_26 = arith.constant 0 : index
    %get3A_27 = arith.constant 0 : index
    %get3A_28 = vector.load %arg3[%get3A_26, %get3A_27] : memref<1x128xf32, #tpu.memory_space<vmem>>, vector<1x128xf32>
    %add3A_29 = vector.broadcast %get3A_28 : vector<1x128xf32> to vector<5120x128xf32>
    %add3A_30 = arith.addf %mul3A, %add3A_29 : vector<5120x128xf32>
    %max3A = arith.constant 0.000000e+00 : f32
    %max3A_31 = vector.broadcast %max3A : f32 to vector<5120x128xf32>
    %max3A_32 = arith.maximumf %add3A_30, %max3A_31 : vector<5120x128xf32>
    %iota3A = tpu.iota {dimensions = array<i32: 0>} : vector<5120x128xi32>
    %lt3A = arith.constant 5000 : i32
    %lt3A_33 = vector.broadcast %lt3A : i32 to vector<5120x128xi32>
    %lt3A_34 = arith.cmpi slt, %iota3A, %lt3A_33 : vector<5120x128xi32>
    %jit3A = arith.constant 0.000000e+00 : f32
    %broadcast_in_dim3A_35 = vector.broadcast %jit3A : f32 to vector<5120x128xf32>
    %select_n3A = arith.select %lt3A_34, %max3A_32, %broadcast_in_dim3A_35 : vector<5120x128xi1>, vector<5120x128xf32>
    %get3A_36 = arith.constant 0 : index
    %get3A_37 = arith.constant 0 : index
    %get3A_38 = vector.load %arg4[%get3A_36, %get3A_37] : memref<128x128xf32, #tpu.memory_space<vmem>>, vector<128x128xf32>
    %dot_general3A = arith.constant dense<0.000000e+00> : vector<5120x128xf32>
    %dot_general3A_39 = tpu.matmul %select_n3A, %get3A_38, %dot_general3A {dimension_numbers = #tpu.dot_dimension_numbers<[1], [0], [0], [1], [0, 0, 1, 1], [], []>, transpose_lhs_hint = false} : vector<5120x128xf32>, vector<128x128xf32>, vector<5120x128xf32> -> vector<5120x128xf32>
    %mul3A_40 = arith.mulf %dot_general3A_39, %concatenate3A : vector<5120x128xf32>
    %swap3A = arith.constant 0 : index
    %swap3A_41 = arith.constant 0 : index
    %swap3A_42 = vector.load %arg5[%swap3A, %swap3A_41] : memref<5120x128xf32, #tpu.memory_space<vmem>>, vector<5120x128xf32>
    tpu.vector_store %arg5[%swap3A, %swap3A_41], %mul3A_40 {strides = array<i32>} : memref<5120x128xf32, #tpu.memory_space<vmem>>, vector<5120x128xf32>,
    return
  }
}

module attributes {stable_mosaic.version = 14 : i64} {
  func.func @_tc3_body(%arg0: memref<5120x128xf32, #tpu.memory_space<vmem>>, %arg1: memref<2x5120x128xf32, #tpu.memory_space<vmem>>, %arg2: memref<2x5120x2xf32, #tpu.memory_space<vmem>>, %arg3: memref<1x128xf32, #tpu.memory_space<vmem>>, %arg4: memref<5000x128xf32, #tpu.memory_space<vmem>>) attributes {dimension_semantics = [], scalar_prefetch = 0 : i64, scratch_operands = 0 : i64, tpu.core_type = #tpu.core_type<tc>} {
    %get3A = arith.constant 0 : index
    %get3A_0 = arith.constant 0 : index
    %get3A_1 = arith.constant 0 : index
    %get3A_2 = vector.load %arg2[%get3A, %get3A_0, %get3A_1] : memref<2x5120x2xf32, #tpu.memory_space<vmem>>, vector<2x5120x2xf32>
    %slice3A = vector.extract_strided_slice %get3A_2 {offsets = [0, 0, 0], sizes = [1, 5120, 2], strides = [1, 1, 1]} : vector<2x5120x2xf32> to vector<1x5120x2xf32>
    %squeeze3A = vector.shape_cast %slice3A : vector<1x5120x2xf32> to vector<5120x2xf32>
    %add3A = arith.constant 1.000000e+00 : f32
    %add3A_3 = vector.broadcast %add3A : f32 to vector<5120x2xf32>
    %add3A_4 = arith.addf %add3A_3, %squeeze3A : vector<5120x2xf32>
    %slice3A_5 = vector.extract_strided_slice %get3A_2 {offsets = [1, 0, 0], sizes = [1, 5120, 2], strides = [1, 1, 1]} : vector<2x5120x2xf32> to vector<1x5120x2xf32>
    %squeeze3A_6 = vector.shape_cast %slice3A_5 : vector<1x5120x2xf32> to vector<5120x2xf32>
    %add3A_7 = arith.addf %add3A_4, %squeeze3A_6 : vector<5120x2xf32>
    %rsqrt3A = math.rsqrt %add3A_7 : vector<5120x2xf32>
    %slice3A_8 = vector.extract_strided_slice %rsqrt3A {offsets = [0, 0], sizes = [5120, 1], strides = [1, 1]} : vector<5120x2xf32> to vector<5120x1xf32>
    %broadcast_in_dim3A = vector.shape_cast %slice3A_8 : vector<5120x1xf32> to vector<5120x1xf32>
    %broadcast_in_dim3A_9 = vector.broadcast %broadcast_in_dim3A : vector<5120x1xf32> to vector<5120x64xf32>
    %slice3A_10 = vector.extract_strided_slice %rsqrt3A {offsets = [0, 1], sizes = [5120, 1], strides = [1, 1]} : vector<5120x2xf32> to vector<5120x1xf32>
    %broadcast_in_dim3A_11 = vector.shape_cast %slice3A_10 : vector<5120x1xf32> to vector<5120x1xf32>
    %broadcast_in_dim3A_12 = vector.broadcast %broadcast_in_dim3A_11 : vector<5120x1xf32> to vector<5120x64xf32>
    %concatenate3A = tpu.concatenate %broadcast_in_dim3A_9, %broadcast_in_dim3A_12 in 1 : vector<5120x64xf32>, vector<5120x64xf32> -> vector<5120x128xf32>
    %get3A_13 = arith.constant 0 : index
    %get3A_14 = arith.constant 0 : index
    %get3A_15 = arith.constant 0 : index
    %get3A_16 = vector.load %arg1[%get3A_13, %get3A_14, %get3A_15] : memref<2x5120x128xf32, #tpu.memory_space<vmem>>, vector<2x5120x128xf32>
    %get3A_17 = arith.constant 0 : index
    %get3A_18 = arith.constant 0 : index
    %get3A_19 = vector.load %arg0[%get3A_17, %get3A_18] : memref<5120x128xf32, #tpu.memory_space<vmem>>, vector<5120x128xf32>
    %slice3A_20 = vector.extract_strided_slice %get3A_16 {offsets = [0, 0, 0], sizes = [1, 5120, 128], strides = [1, 1, 1]} : vector<2x5120x128xf32> to vector<1x5120x128xf32>
    %squeeze3A_21 = vector.shape_cast %slice3A_20 : vector<1x5120x128xf32> to vector<5120x128xf32>
    %add3A_22 = arith.addf %get3A_19, %squeeze3A_21 : vector<5120x128xf32>
    %slice3A_23 = vector.extract_strided_slice %get3A_16 {offsets = [1, 0, 0], sizes = [1, 5120, 128], strides = [1, 1, 1]} : vector<2x5120x128xf32> to vector<1x5120x128xf32>
    %squeeze3A_24 = vector.shape_cast %slice3A_23 : vector<1x5120x128xf32> to vector<5120x128xf32>
    %add3A_25 = arith.addf %add3A_22, %squeeze3A_24 : vector<5120x128xf32>
    %mul3A = arith.mulf %concatenate3A, %add3A_25 : vector<5120x128xf32>
    %get3A_26 = arith.constant 0 : index
    %get3A_27 = arith.constant 0 : index
    %get3A_28 = vector.load %arg3[%get3A_26, %get3A_27] : memref<1x128xf32, #tpu.memory_space<vmem>>, vector<1x128xf32>
    %add3A_29 = vector.broadcast %get3A_28 : vector<1x128xf32> to vector<5120x128xf32>
    %add3A_30 = arith.addf %mul3A, %add3A_29 : vector<5120x128xf32>
    %slice3A_31 = vector.extract_strided_slice %add3A_30 {offsets = [0, 0], sizes = [5000, 128], strides = [1, 1]} : vector<5120x128xf32> to vector<5000x128xf32>
    %swap3A = arith.constant 0 : index
    %swap3A_32 = arith.constant 0 : index
    %swap3A_33 = vector.load %arg4[%swap3A, %swap3A_32] : memref<5000x128xf32, #tpu.memory_space<vmem>>, vector<5000x128xf32>
    tpu.vector_store %arg4[%swap3A, %swap3A_32], %slice3A_31 {strides = array<i32>} : memref<5000x128xf32, #tpu.memory_space<vmem>>, vector<5000x128xf32>,
    return
  }
}

</mosaic_0001>

<sc_bundles>
// kernel: kernel.12.cloned.1.call-start
scs
__scs_entry_jumppad:
0x0: {  	(pc) =	sbr.rel $0x88, $3  }
0x1: {  	(tag) =	ssettag $0x0;
	lr =	simm.s32 $0x1  }
0x2: {  	[smem:$0x3F9B] =	sst lr;
	_ =	strace $0xD0000000  }
0x3: {  	_ = 	snop  }
0x4: {  	_ = 	snop  }
0x5: {  	_ = 	snop  }
0x6: {  	_ = 	snop  }
0x7: {  	_ = 	snop  }
__scs_overlays_trampoline_lowered:
0x8: {  	[smem:$0x3FAA] =	sst s0  }
0x9: {  	[smem:$0x3FAB] =	sst s1  }
0xa: {  	[smem:$0x3FAC] =	sst s2  }
0xb: {  	[smem:$0x3FAD] =	sst s3  }
0xc: {  	[smem:$0x3FAE] =	sst s4  }
0xd: {  	[smem:$0x3FAF] =	sst s5  }
0xe: {  	[smem:$0x3FB0] =	sst s6  }
0xf: {  	[smem:$0x3FB1] =	sst s7  }
0x10: {  	[smem:$0x3FB2] =	sst s8  }
0x11: {  	[smem:$0x3FB3] =	sst s9;
	s0 =	simm.s32 @!p0 $0x0  }
0x12: {  	s1 =	sld [smem:$0x3F99];
	s0 =	simm.s32 @p0 $0x1  }
0x13: {  	[smem:$0x3FB4] =	sst s0;
	s0 =	simm.s32 @!p1 $0x0  }
0x14: {  	s2 =	sld [smem:$0x3F98];
	s0 =	simm.s32 @p1 $0x1  }
0x15: {  	[smem:$0x3FB5] =	sst s0;
	s0 =	simm.s32 @!p2 $0x0  }
0x16: {  	s3 =	sld [smem:$0x3FDB];
	s0 =	simm.s32 @p2 $0x1  }
0x17: {  	s4 =	simm.s32 $0x1BF5;
	[smem:$0x3FB7] =	sst s0  }
0x18: {  	s0 =	sld [smem:$0x3F9A];
	_ =	swait.ge [sflag:s4], $0x0  }
0x19: {  	s7 =	sld [smem:$0x3F9B]  }
0x1a: {  	s8 =	sadd.s32 $0xFFFFE003, lr  }
0x1b: {  	s9 =	sadd.s32 $0xFFFFFEF7, lr;
	s5 =	simm.s32 $0xFFFFFFFF;
	p2 =	slt.u32 s8, $0xFFFFF086  }
0x1c: {  	p1 =	slt.u32 s9, $0xF7A;
	s5 =	simm.s32 @!p2 $0x0  }
0x1d: {  	s5 =	simm.s32 @p1 $0x1;
	p0 =	seq.s32 s7, s2  }
0x1e: {  	s7 =	smul.u32 @!p0 $0xF7A, s2;
	p2 =	seq.s32 @!p0 s5, $0x0  }
0x1f: {  	s9 =	smul.u32 $0xF7A, s1;
	s8 =	simm.s32 @!p0 $0x1BF5;
	p2 =	por !p2, p0  }
0x20: {  	[sflag:s8] =	ssyncset.s32 @!p0 $0xFFFFF086;
	s6 =	sadd.s32 @!p0 s3, s7;
	s7 =	simm.s32 @!p0 $0x108  }
0x21: {  	s3 =	sadd.s32 s3, s9;
	s6 =	sadd.s32 @!p0 $0x88, s6;
	s7 =	simm.s32 @p2 $0x1082  }
0x22: {  	[simem:s7], [sflag:s8] =	dma.local @!p0 [hbm:s6], $0xF7A  }
0x23: {  	s9 =	sor.u32 $0xD0000000, s2;
	s6 =	simm.s32 $0x108;
	_ =	swait.ge @!p0 [sflag:s8], $0x0  }
0x24: {  	s3 =	sadd.s32 $0x88, s3;
	s6 =	simm.s32 @!p1 $0x1082;
	[sflag:s4] =	ssyncset.s32 $0xFFFFF086  }
0x25: {  	[simem:s6], [sflag:s4] =	dma.local [hbm:s3], $0xF7A  }
0x26: {  	[smem:$0x3F9B] =	sst s1;
	(tag) =	ssettag s2;
	_ =	strace s9  }
0x27: {  	s1 =	sld [smem:$0x3FAB]  }
0x28: {  	s2 =	sld [smem:$0x3FAC]  }
0x29: {  	s4 =	sld [smem:$0x3FAE]  }
0x2a: {  	p0 =	seq.s32 s5, $0x0;
	s5 =	sld [smem:$0x3FAF]  }
0x2b: {  	s6 =	sld [smem:$0x3FB0]  }
0x2c: {  	s7 =	sld [smem:$0x3FB1]  }
0x2d: {  	s3 =	simm.s32 $0x108;
	s8 =	sld [smem:$0x3FB2]  }
0x2e: {  	s3 =	simm.s32 @!p0 $0x1082;
	s9 =	sld [smem:$0x3FB3]  }
0x2f: {  	lr =	sadd.s32 s0, s3;
	s0 =	sld [smem:$0x3FAA]  }
0x30: {  	s3 =	sld [smem:$0x3FAD]  }
0x31: {  	[smem:$0x3FB6] =	sst s10  }
0x32: {  	s10 =	sld [smem:$0x3FB4];
	_ =	sdelay $0x3  }
0x33: {  	p0 =	seq.s32 s10, $0x1;
	s10 =	sld [smem:$0x3FB6];
	_ =	sdelay $0x3  }
0x34: {  	[smem:$0x3FB6] =	sst s10  }
0x35: {  	s10 =	sld [smem:$0x3FB5];
	_ =	sdelay $0x3  }
0x36: {  	p1 =	seq.s32 s10, $0x1;
	s10 =	sld [smem:$0x3FB6];
	_ =	sdelay $0x3  }
0x37: {  	[smem:$0x3FB6] =	sst s10  }
0x38: {  	s10 =	sld [smem:$0x3FB7]  }
0x39: {  	_ = 	snop;
	(pc) =	sbr.ind lr, $3  }
0x3a: {  	_ = 	snop  }
0x3b: {  	_ = 	snop  }
0x3c: {  	p2 =	seq.s32 s10, $0x1;
	s10 =	sld [smem:$0x3FB6]  }
0x3d: {  	_ =	shalt  }
0x3e: {  	_ =	shalt  }
0x3f: {  	_ =	shalt  }
0x40: {  	_ =	shalt  }
0x41: {  	_ =	shalt  }
0x42: {  	_ =	shalt  }
0x43: {  	_ =	shalt  }
0x44: {  	_ =	shalt  }
0x45: {  	_ =	shalt  }
0x46: {  	_ =	shalt  }
0x47: {  	_ =	shalt  }
0x48: {  	_ =	shalt  }
0x49: {  	_ =	shalt  }
0x4a: {  	_ =	shalt  }
0x4b: {  	_ =	shalt  }
0x4c: {  	_ =	shalt  }
0x4d: {  	_ =	shalt  }
0x4e: {  	_ =	shalt  }
0x4f: {  	_ =	shalt  }
0x50: {  	_ =	shalt  }
0x51: {  	_ =	shalt  }
0x52: {  	_ =	shalt  }
0x53: {  	_ =	shalt  }
0x54: {  	_ =	shalt  }
0x55: {  	_ =	shalt  }
0x56: {  	_ =	shalt  }
0x57: {  	_ =	shalt  }
0x58: {  	_ =	shalt  }
0x59: {  	_ =	shalt  }
0x5a: {  	_ =	shalt  }
0x5b: {  	_ =	shalt  }
0x5c: {  	_ =	shalt  }
0x5d: {  	_ =	shalt  }
0x5e: {  	_ =	shalt  }
0x5f: {  	_ =	shalt  }
0x60: {  	_ =	shalt  }
0x61: {  	_ =	shalt  }
0x62: {  	_ =	shalt  }
0x63: {  	_ =	shalt  }
0x64: {  	_ =	shalt  }
0x65: {  	_ =	shalt  }
0x66: {  	_ =	shalt  }
0x67: {  	_ =	shalt  }
0x68: {  	_ =	shalt  }
0x69: {  	_ =	shalt  }
0x6a: {  	_ =	shalt  }
0x6b: {  	_ =	shalt  }
0x6c: {  	_ =	shalt  }
0x6d: {  	_ =	shalt  }
0x6e: {  	_ =	shalt  }
0x6f: {  	_ =	shalt  }
0x70: {  	_ =	shalt  }
0x71: {  	_ =	shalt  }
0x72: {  	_ =	shalt  }
0x73: {  	_ =	shalt  }
0x74: {  	_ =	shalt  }
0x75: {  	_ =	shalt  }
0x76: {  	_ =	shalt  }
0x77: {  	_ =	shalt  }
0x78: {  	_ =	shalt  }
0x79: {  	_ =	shalt  }
0x7a: {  	_ =	shalt  }
0x7b: {  	_ =	shalt  }
0x7c: {  	_ =	shalt  }
0x7d: {  	_ =	shalt  }
0x7e: {  	_ =	shalt  }
0x7f: {  	_ =	shalt  }
0x80: {  	_ =	shalt  }
0x81: {  	_ =	shalt  }
0x82: {  	_ =	shalt  }
0x83: {  	_ =	shalt  }
0x84: {  	_ =	shalt  }
0x85: {  	_ =	shalt  }
0x86: {  	_ =	shalt  }
0x87: {  	_ =	shalt  }
.Lfunc_end0:
.L_simem_size_0:
called_computation.1_lowered:
.L_overlay_start_0:
0x88: {  	s2 =	sld [smem:$0x3FD9]  }
0x89: {  	s3 =	sld [smem:$0x3FFE];
	_ =	sdelay $0x1  }
0x8a: {  	s1 =	srdreg.scid  }
0x8b: {  	s0 =	sand.u32 $0x1, s1  }
0x8c: {  	s17 =	sshll.u32 s0, $0xA;
	s2 =	sadd.s32 s3, s2  }
0x8d: {  	s2 =	sadd.s32 s2, s17  }
0x8e: {  	[smem:$0x3FC2] =	sst s2  }
0x8f: {  	_ = 	snop  }
0x90: {  	s2 =	sld [smem:$0x3FD0];
	(tm) =	ssettm $0x1  }
0x91: {  	s18 =	sld [smem:$0x3FFB];
	_ =	sdelay $0x3  }
0x92: {  	_ =	strace s18  }
0x93: {  	s3 =	sld [smem:$0x3FFC];
	_ =	sdelay $0x3  }
0x94: {  	_ =	strace s3  }
0x95: {  	s3 =	sld [smem:$0x3FFD];
	_ =	sdelay $0x3  }
0x96: {  	_ =	strace s3  }
0x97: {  	_ =	strace $0x8FFFFFFF  }
0x98: {  	s19 =	sld [smem:$0x3FDB];
	_ =	sdelay $0x1  }
0x99: {  	s4 =	simm.s32 $_scs_section_size  }
0x9a: {  	s5 =	simm.s32 $_size__tile_overlayer_lowered;
	s6 =	simm.s32 $_tile_overlayer_lowered  }
0x9b: {  	s22 =	simm.s32 $0x1BFF;
	s21 =	sshll.u32 s6, $0x1;
	s3 =	sadd.s32 s4, s19  }
0x9c: {  	s7 =	simm.s32 $0x0;
	s20 =	sshll.u32 s5, $0x1;
	s5 =	sadd.s32 s21, s3  }
0x9d: {  	[timem:s7], [sflag:s22] =	dma.local [hbm:s5], s20  }
0x9e: {  	_ =	swait.ge [sflag:s22], s20  }
0x9f: {  	s4 =	ssub.s32 $0x0, s20;
	[sflag:s22] =	ssyncset.done $0x0  }
0xa0: {  	[sflag:s22] =	ssyncadd.s32 s4;
	_ =	sdelay $0x1  }
0xa1: {  	s23 =	simm.s32 $0x1B8B  }
0xa2: {  	_ =	swait.ge [sflag:s23], $0x1  }
0xa3: {  	[sflag:s23] =	ssyncset.done $0x0  }
0xa4: {  	s25 =	simm.s32 $0x1B8E;
	s24 =	sld [smem:$0x3FFE];
	[sflag:s23] =	ssyncadd.s32 $0xFFFFFFFF  }
0xa5: {  	s26 =	simm.s32 $execute0_lowered;
	[smem:$0x3FD2] =	sst s25  }
0xa6: {  	s5 =	sshll.u32 s26, $0x1;
	_ =	strace $0x80000049;
	[dreg:$0x1] =	wrdreg $0xFFFFFFFF  }
0xa7: {  	s28 =	simm.s32 $_size_execute0_lowered;
	s3 =	sadd.s32 s3, s5;
	[dreg:$0x0] =	wrdreg $0x0  }
0xa8: {  	s5 =	sshll.u32 s28, $0x1;
	[dreg:$0x2] =	wrdreg s3  }
0xa9: {  	[dreg:$0x3] =	wrdreg s5  }
0xaa: {  	[dreg:$0x4] =	wrdreg $0xC0  }
0xab: {  	_ =	task [dreg:s7], $0x5FFFF  }
0xac: {  	[dreg:$0x1] =	wrdreg $0xFFFFFFFF  }
0xad: {  	[dreg:$0x0] =	wrdreg $0x60  }
0xae: {  	[dreg:$0x2] =	wrdreg s24  }
0xaf: {  	[dreg:$0x3] =	wrdreg s2  }
0xb0: {  	[dreg:$0x4] =	wrdreg $0x150000  }
0xb1: {  	[dreg:$0x5] =	wrdreg $0x9  }
0xb2: {  	_ =	task.clear_ibuf [dreg:s7], $0x6FFFF;
	_ =	strace $0x90000049  }
0xb3: {  	s29 =	simm.s32 $0x9;
	_ =	strace $0x8000004B  }
0xb4: {  	_ =	swait.ge [sflag:s29], $0x1  }
0xb5: {  	[sflag:s29] =	ssyncadd.s32 $0xFFFFFFFF  }
0xb6: {  	_ =	strace $0x9000004B  }
0xb7: {  	_ =	sfence  }
0xb8: {  	s30 =	sld [smem:$0x0];
	_ =	sdelay $0x2  }
0xb9: {  	s31 =	sshll.u32 s1, $0xD;
	s1 =	sshrl.u32 s1, $0x2  }
0xba: {  	s3 =	sand.u32 $0x4000, s31;
	s1 =	sadd.s32 s1, s30  }
0xbb: {  	s0 =	sor.u32 s3, s0;
	s1 =	sshll.u32 s1, $0x11  }
0xbc: {  	s0 =	sor.u32 s1, s0  }
0xbd: {  	s0 =	sadd.s32 $0x8F2B, s0  }
0xbe: {  	[sflag:s0] =	ssyncadd.remote.s32 $0x1  }
0xbf: {  	_ =	sfence.sel $0xFFFF  }
0xc0: {  	[dreg:$0x0] =	wrdreg $0xFFFFFFFF;
	(pc) =	sbr.abs _section_cstart, $3  }
0xc1: {  	[dreg:$0x1] =	wrdreg $0xFFFFFFFF  }
0xc2: {  	_ =	task.clear_ibuf [dreg:s7], $0x2FFFF;
	_ =	strace $0x9FFFFFFF  }
0xc3: {  	(tm) =	ssettm $0x7FFFFFFF  }
tec
execute0_lowered:
.L_overlay_start_1:
0x0: {  	(tag) =	ssettag $0x1  }
0x1: {  	s0 =	rddreg [dreg:$0x0]  }
0x2: {  	s1 =	rddreg [dreg:$0x1]  }
0x3: {  	s2 =	rddreg [dreg:$0x2];
	s3 =	simm.s32 $0x0;
	s4 =	srdreg.scid  }
0x4: {  	s9 =	stileid.u32;
	s14 =	simm.s32 $0x9;
	s15 =	simm.s32 $0x2800  }
0x5: {  	s16 =	simm.s32 $0x5000;
	s17 =	simm.s32 $0x100;
	s19 =	simm.s32 $0x9000  }
0x6: {  	s21 =	simm.s32 $0xD000;
	s23 =	simm.s32 $0x11000;
	s28 =	simm.s32 $0x4  }
0x7: {  	s29 =	simm.s32 $0x5;
	s30 =	simm.s32 $0x6;
	s31 =	simm.s32 $0x7  }
0x8: {  	s5 =	sand.u32 $0x1, s4;
	s24 =	sshll.u32 s9, $0x1;
	s7 =	smul.u32 $0xA000, s9  }
0x9: {  	[smem:$0x7FF] =	sst s3;
	s4 =	sadd.s32 $0xBC00, s0;
	s9 =	smul.u32 $0x28000, s9  }
0xa: {  	s6 =	sor.u32 s5, s24;
	s8 =	smul.u32 $0xA0000, s5;
	_ =	strace $0x8000004A  }
0xb: {  	s5 =	ssub.s32 $0x2, s5;
	s24 =	simm.s32 $0x1;
	s6 =	smul.u32 $0x500, s6  }
0xc: {  	s11 =	sshrl.u32 s5, $0x1;
	s25 =	sshrl.u32 s9, $0x2;
	s8 =	sadd.s32 s7, s8  }
0xd: {  	s13 =	ssub.s32 s5, s11;
	s26 =	sadd.s32 s25, s2;
	s7 =	sadd.s32 s7, s2  }
0xe: {  	s25 =	simm.s32 $0x2;
	s10 =	sadd.s32 s6, s0;
	s8 =	sshrl.u32 s8, $0x3  }
0xf: {  	s6 =	sadd.s32 s1, s6;
	s9 =	sadd.s32 $0x4000, s26;
	s11 =	sadd.s32 $0x8000, s26  }
0x10: {  	s13 =	smax.u32 s13, $0x1;
	s1 =	simm.s32 $0x0;
	s0 =	sadd.s32 s8, s0  }
0x11: {  	s5 =	sadd.s32 $0x1C00, s10;
	s8 =	sadd.s32 $0x2000, s26;
	s10 =	sadd.s32 $0x6000, s26  }
0x12: {  	v0 =	vimm.f32 $0.0e+00;
	s26 =	simm.s32 $0x3;
	s12 =	sadd.s32 $0x1FC00, s0;
	s0 =	simm.s32 $0x8  }
.LBB2_1:
0x13: {  	[tilespmem:s3], [sflag:$0x9] =	stream.linear.gather [hbm4b:s5+s3], $0x2800, $0x38;
	[tilespmem:$0x1F000] =	vst v63  }
0x14: {  	_ =	swait.ge [sflag:s14], $0x2800  }
0x15: {  	[sflag:s14] =	ssyncset.done $0x0  }
0x16: {  	[sflag:s14] =	ssyncadd.s32 $0xFFFFD800  }
0x17: {  	[tilespmem:s15], [sflag:$0x9] =	stream.linear.gather [hbm4b:s6+s3], $0x2800, $0x38;
	[tilespmem:$0x1F000] =	vst v63  }
0x18: {  	_ =	swait.ge [sflag:s14], $0x2800  }
0x19: {  	[sflag:s14] =	ssyncset.done $0x0  }
0x1a: {  	s20 =	simm.s32 $0x100;
	s18 =	simm.s32 $0x0;
	[sflag:s14] =	ssyncadd.s32 $0xFFFFD800  }
.LBB2_2:
0x1b: {  	p0 =	sne.s32 s20, $0x7F00;
	[tilespmem:s18+$0x5030] =	vst v0;
	s22 =	smov.u32 s20;
	s20 =	sadd.s32 $0x100, s20  }
.Ltmp0:
0x1c: {  	[tilespmem:s18+$0x5020] =	vst v0;
	(pc) =	sbr.rel @p0 .LBB2_2-.Ltmp0, $3  }
0x1d: {  	[tilespmem:s18+$0x5000] =	vst v0  }
0x1e: {  	[tilespmem:s18+$0x5010] =	vst v0;
	_ =	sdelay $0x1  }
0x1f: {  	s18 =	sshra.s32 s22, $0x2  }
0x20: {  	[tilespmem:s18+$0x5030] =	vst v0  }
0x21: {  	[tilespmem:s18+$0x5020] =	vst v0  }
0x22: {  	[tilespmem:s18+$0x5000] =	vst v0  }
0x23: {  	[tilespmem:s18+$0x5010] =	vst v0  }
0x24: {  	[spmem:s7] =	stream.linear.scatter [tilespmem:s16], [sflag:$0x9], $0x2000, $0x38;
	[tilespmem:$0x1F000] =	vst v63  }
0x25: {  	_ =	swait.ge [sflag:s14], $0x2000  }
0x26: {  	[sflag:s14] =	ssyncset.done $0x0  }
0x27: {  	[sflag:s14] =	ssyncadd.s32 $0xFFFFE000  }
0x28: {  	[spmem:s8] =	stream.linear.scatter [tilespmem:s16], [sflag:$0x9], $0x2000, $0x38;
	[tilespmem:$0x1F000] =	vst v63  }
0x29: {  	_ =	swait.ge [sflag:s14], $0x2000  }
0x2a: {  	[sflag:s14] =	ssyncset.done $0x0  }
0x2b: {  	[sflag:s14] =	ssyncadd.s32 $0xFFFFE000  }
0x2c: {  	[spmem:s9] =	stream.linear.scatter [tilespmem:s16], [sflag:$0x9], $0x2000, $0x38;
	[tilespmem:$0x1F000] =	vst v63  }
0x2d: {  	_ =	swait.ge [sflag:s14], $0x2000  }
0x2e: {  	[sflag:s14] =	ssyncset.done $0x0  }
0x2f: {  	[sflag:s14] =	ssyncadd.s32 $0xFFFFE000  }
0x30: {  	[spmem:s10] =	stream.linear.scatter [tilespmem:s16], [sflag:$0x9], $0x2000, $0x38;
	[tilespmem:$0x1F000] =	vst v63  }
0x31: {  	_ =	swait.ge [sflag:s14], $0x2000  }
0x32: {  	[sflag:s14] =	ssyncset.done $0x0  }
0x33: {  	[sflag:s14] =	ssyncadd.s32 $0xFFFFE000  }
0x34: {  	[spmem:s11] =	stream.linear.scatter [tilespmem:s16], [sflag:$0x9], $0x2000, $0x38;
	[tilespmem:$0x1F000] =	vst v63  }
0x35: {  	_ =	swait.ge [sflag:s14], $0x2000  }
0x36: {  	[sflag:s14] =	ssyncset.done $0x0  }
0x37: {  	[sflag:s14] =	ssyncadd.s32 $0xFFFFE000  }
0x38: {  	[bflag:$0x0] =	sbarrier.arrive $0xFFFF  }
0x39: {  	[tilespmem:s16], [sflag:$0x1] =	stream.indirect.gather [hbm4b:s4+s17], $0x40, s15, s17, $0xb8;
	[tilespmem:$0x1F000] =	vst v63  }
0x3a: {  	s20 =	simm.s32 $0x2900  }
0x3b: {  	[tilespmem:s19], [sflag:$0x2] =	stream.indirect.gather [hbm4b:s4+s17], $0x40, s20, s17, $0xb8;
	[tilespmem:$0x1F000] =	vst v63  }
0x3c: {  	s22 =	simm.s32 $0x2A00  }
0x3d: {  	[tilespmem:s21], [sflag:$0x3] =	stream.indirect.gather [hbm4b:s4+s17], $0x40, s22, s17, $0xb8;
	[tilespmem:$0x1F000] =	vst v63  }
0x3e: {  	s20 =	simm.s32 $0x2B00  }
0x3f: {  	[tilespmem:s23], [sflag:$0x4] =	stream.indirect.gather [hbm4b:s4+s17], $0x40, s20, s17, $0xb8;
	[tilespmem:$0x1F000] =	vst v63  }
0x40: {  	_ =	swait.ge [sflag:s24], $0x4000  }
0x41: {  	[sflag:s24] =	ssyncset.done $0x0  }
0x42: {  	s22 =	simm.s32 $0x0;
	[sflag:s24] =	ssyncadd.s32 $0xFFFFC000  }
0x43: {  	[spmem:s2] =	stream.indirect.scatter.add.f32 [tilespmem:s16], [sflag:$0x5], $0x40, s22, s17, $0xb8;
	[tilespmem:$0x1F000] =	vst v63  }
0x44: {  	_ =	swait.ge [sflag:s25], $0x4000  }
0x45: {  	[sflag:s25] =	ssyncset.done $0x0  }
0x46: {  	s20 =	simm.s32 $0x100;
	[sflag:s25] =	ssyncadd.s32 $0xFFFFC000  }
0x47: {  	[spmem:s2] =	stream.indirect.scatter.add.f32 [tilespmem:s19], [sflag:$0x6], $0x40, s20, s17, $0xb8;
	[tilespmem:$0x1F000] =	vst v63  }
0x48: {  	_ =	swait.ge [sflag:s26], $0x4000  }
0x49: {  	[sflag:s26] =	ssyncset.done $0x0  }
0x4a: {  	s22 =	simm.s32 $0x200;
	[sflag:s26] =	ssyncadd.s32 $0xFFFFC000  }
0x4b: {  	[spmem:s2] =	stream.indirect.scatter.add.f32 [tilespmem:s21], [sflag:$0x7], $0x40, s22, s17, $0xb8;
	[tilespmem:$0x1F000] =	vst v63  }
0x4c: {  	_ =	swait.ge [sflag:s28], $0x4000  }
0x4d: {  	[sflag:s28] =	ssyncset.done $0x0  }
0x4e: {  	s20 =	simm.s32 $0x300;
	[sflag:s28] =	ssyncadd.s32 $0xFFFFC000  }
0x4f: {  	[spmem:s2] =	stream.indirect.scatter.add.f32 [tilespmem:s23], [sflag:$0x8], $0x40, s20, s17, $0xb8;
	[tilespmem:$0x1F000] =	vst v63  }
0x50: {  	_ =	swait.ge [sflag:s29], $0x4000  }
0x51: {  	[sflag:s29] =	ssyncset.done $0x0  }
0x52: {  	s22 =	simm.s32 $0x2C00;
	[sflag:s29] =	ssyncadd.s32 $0xFFFFC000  }
0x53: {  	[tilespmem:s16], [sflag:$0x1] =	stream.indirect.gather [hbm4b:s4+s17], $0x40, s22, s17, $0xb8;
	[tilespmem:$0x1F000] =	vst v63  }
0x54: {  	_ =	swait.ge [sflag:s30], $0x4000  }
0x55: {  	[sflag:s30] =	ssyncset.done $0x0  }
0x56: {  	s20 =	simm.s32 $0x2D00;
	[sflag:s30] =	ssyncadd.s32 $0xFFFFC000  }
0x57: {  	[tilespmem:s19], [sflag:$0x2] =	stream.indirect.gather [hbm4b:s4+s17], $0x40, s20, s17, $0xb8;
	[tilespmem:$0x1F000] =	vst v63  }
0x58: {  	_ =	swait.ge [sflag:s31], $0x4000  }
0x59: {  	[sflag:s31] =	ssyncset.done $0x0  }
0x5a: {  	s22 =	simm.s32 $0x2E00;
	[sflag:s31] =	ssyncadd.s32 $0xFFFFC000  }
0x5b: {  	[tilespmem:s21], [sflag:$0x3] =	stream.indirect.gather [hbm4b:s4+s17], $0x40, s22, s17, $0xb8;
	[tilespmem:$0x1F000] =	vst v63  }
0x5c: {  	_ =	swait.ge [sflag:s0], $0x4000  }
0x5d: {  	[sflag:s0] =	ssyncset.done $0x0  }
0x5e: {  	s18 =	simm.s32 $0x1000;
	s20 =	simm.s32 $0x2F00;
	[sflag:s0] =	ssyncadd.s32 $0xFFFFC000  }
.LBB2_4:
0x5f: {  	[tilespmem:s23], [sflag:$0x4] =	stream.indirect.gather [hbm4b:s4+s17], $0x40, s20, s17, $0xb8;
	[tilespmem:$0x1F000] =	vst v63  }
0x60: {  	s20 =	smov.u32 s18  }
0x61: {  	p0 =	sne.s32 s18, $0x8000;
	s18 =	sadd.s32 $0x1000, s18;
	_ =	swait.ge [sflag:s24], $0x4000  }
0x62: {  	[sflag:s24] =	ssyncset.done $0x0  }
0x63: {  	s20 =	sshra.s32 s20, $0x2;
	[sflag:s24] =	ssyncadd.s32 $0xFFFFC000  }
0x64: {  	[spmem:s2] =	stream.indirect.scatter.add.f32 [tilespmem:s16], [sflag:$0x5], $0x40, s20, s17, $0xb8;
	[tilespmem:$0x1F000] =	vst v63  }
0x65: {  	_ =	swait.ge [sflag:s25], $0x4000  }
0x66: {  	[sflag:s25] =	ssyncset.done $0x0  }
0x67: {  	s22 =	sadd.s32 $0x100, s20;
	[sflag:s25] =	ssyncadd.s32 $0xFFFFC000  }
0x68: {  	[spmem:s2] =	stream.indirect.scatter.add.f32 [tilespmem:s19], [sflag:$0x6], $0x40, s22, s17, $0xb8;
	[tilespmem:$0x1F000] =	vst v63  }
0x69: {  	_ =	swait.ge [sflag:s26], $0x4000  }
0x6a: {  	[sflag:s26] =	ssyncset.done $0x0  }
0x6b: {  	s22 =	sadd.s32 $0x200, s20;
	[sflag:s26] =	ssyncadd.s32 $0xFFFFC000  }
0x6c: {  	[spmem:s2] =	stream.indirect.scatter.add.f32 [tilespmem:s21], [sflag:$0x7], $0x40, s22, s17, $0xb8;
	[tilespmem:$0x1F000] =	vst v63  }
0x6d: {  	_ =	swait.ge [sflag:s28], $0x4000  }
0x6e: {  	[sflag:s28] =	ssyncset.done $0x0  }
0x6f: {  	s22 =	sadd.s32 $0x300, s20;
	[sflag:s28] =	ssyncadd.s32 $0xFFFFC000  }
0x70: {  	[spmem:s2] =	stream.indirect.scatter.add.f32 [tilespmem:s23], [sflag:$0x8], $0x40, s22, s17, $0xb8;
	[tilespmem:$0x1F000] =	vst v63  }
0x71: {  	_ =	swait.ge [sflag:s29], $0x4000  }
0x72: {  	[sflag:s29] =	ssyncset.done $0x0  }
0x73: {  	s22 =	sadd.s32 $0x2C00, s20;
	[sflag:s29] =	ssyncadd.s32 $0xFFFFC000  }
0x74: {  	[tilespmem:s16], [sflag:$0x1] =	stream.indirect.gather [hbm4b:s4+s17], $0x40, s22, s17, $0xb8;
	[tilespmem:$0x1F000] =	vst v63  }
0x75: {  	_ =	swait.ge [sflag:s30], $0x4000  }
0x76: {  	[sflag:s30] =	ssyncset.done $0x0  }
0x77: {  	s22 =	sadd.s32 $0x2D00, s20;
	[sflag:s30] =	ssyncadd.s32 $0xFFFFC000  }
0x78: {  	[tilespmem:s19], [sflag:$0x2] =	stream.indirect.gather [hbm4b:s4+s17], $0x40, s22, s17, $0xb8;
	[tilespmem:$0x1F000] =	vst v63  }
0x79: {  	_ =	swait.ge [sflag:s31], $0x4000  }
0x7a: {  	[sflag:s31] =	ssyncset.done $0x0  }
.Ltmp1:
0x7b: {  	s22 =	sadd.s32 $0x2E00, s20;
	[sflag:s31] =	ssyncadd.s32 $0xFFFFC000;
	(pc) =	sbr.rel @p0 .LBB2_4-.Ltmp1, $4  }
0x7c: {  	[tilespmem:s21], [sflag:$0x3] =	stream.indirect.gather [hbm4b:s4+s17], $0x40, s22, s17, $0xb8;
	[tilespmem:$0x1F000] =	vst v63  }
0x7d: {  	_ =	swait.ge [sflag:s0], $0x4000  }
0x7e: {  	[sflag:s0] =	ssyncset.done $0x0  }
0x7f: {  	s20 =	sadd.s32 $0x2F00, s20;
	[sflag:s0] =	ssyncadd.s32 $0xFFFFC000  }
0x80: {  	[tilespmem:s23], [sflag:$0x4] =	stream.indirect.gather [hbm4b:s4+s17], $0x40, s20, s17, $0xb8;
	[tilespmem:$0x1F000] =	vst v63  }
0x81: {  	_ =	swait.ge [sflag:s24], $0x4000  }
0x82: {  	[sflag:s24] =	ssyncset.done $0x0  }
0x83: {  	s18 =	simm.s32 $0x2400;
	[sflag:s24] =	ssyncadd.s32 $0xFFFFC000  }
0x84: {  	[spmem:s2] =	stream.indirect.scatter.add.f32 [tilespmem:s16], [sflag:$0x5], $0x40, s18, s17, $0xb8;
	[tilespmem:$0x1F000] =	vst v63  }
0x85: {  	_ =	swait.ge [sflag:s25], $0x4000  }
0x86: {  	[sflag:s25] =	ssyncset.done $0x0  }
0x87: {  	s22 =	simm.s32 $0x2500;
	[sflag:s25] =	ssyncadd.s32 $0xFFFFC000  }
0x88: {  	[spmem:s2] =	stream.indirect.scatter.add.f32 [tilespmem:s19], [sflag:$0x6], $0x40, s22, s17, $0xb8;
	[tilespmem:$0x1F000] =	vst v63  }
0x89: {  	_ =	swait.ge [sflag:s26], $0x4000  }
0x8a: {  	[sflag:s26] =	ssyncset.done $0x0  }
0x8b: {  	s20 =	simm.s32 $0x2600;
	[sflag:s26] =	ssyncadd.s32 $0xFFFFC000  }
0x8c: {  	[spmem:s2] =	stream.indirect.scatter.add.f32 [tilespmem:s21], [sflag:$0x7], $0x40, s20, s17, $0xb8;
	[tilespmem:$0x1F000] =	vst v63  }
0x8d: {  	_ =	swait.ge [sflag:s28], $0x4000  }
0x8e: {  	[sflag:s28] =	ssyncset.done $0x0  }
0x8f: {  	s22 =	simm.s32 $0x2700;
	[sflag:s28] =	ssyncadd.s32 $0xFFFFC000  }
0x90: {  	[spmem:s2] =	stream.indirect.scatter.add.f32 [tilespmem:s23], [sflag:$0x8], $0x40, s22, s17, $0xb8;
	[tilespmem:$0x1F000] =	vst v63  }
0x91: {  	_ =	swait.ge [sflag:s29], $0x4000  }
0x92: {  	[sflag:s29] =	ssyncset.done $0x0  }
0x93: {  	[sflag:s29] =	ssyncadd.s32 $0xFFFFC000  }
0x94: {  	_ =	swait.ge [sflag:s30], $0x4000  }
0x95: {  	[sflag:s30] =	ssyncset.done $0x0  }
0x96: {  	[sflag:s30] =	ssyncadd.s32 $0xFFFFC000  }
0x97: {  	_ =	swait.ge [sflag:s31], $0x4000  }
0x98: {  	[sflag:s31] =	ssyncset.done $0x0  }
0x99: {  	[sflag:s31] =	ssyncadd.s32 $0xFFFFC000  }
0x9a: {  	s20 =	stileid.u32;
	_ =	swait.ge [sflag:s0], $0x4000  }
0x9b: {  	s1 =	sadd.s32 $0x1, s1;
	s18 =	sshll.u32 s20, $0x6;
	[sflag:s0] =	ssyncset.done $0x0  }
0x9c: {  	p0 =	sne.s32 s1, s13;
	s18 =	sor.u32 $0x1C09, s18;
	[sflag:s0] =	ssyncadd.s32 $0xFFFFC000  }
.Ltmp2:
0x9d: {  	s22 =	sshrl.u32 s7, $0x3;
	[bflag:$0x0] =	sbarrier.arrive $0xFFFF;
	(pc) =	sbr.rel @p0 .LBB2_1-.Ltmp2, $4  }
0x9e: {  	[hbm:s12], [sflag:s18] =	dma.local [spmem:s22], $0x1400  }
0x9f: {  	_ =	swait.ge [sflag:s14], $0x1400  }
0xa0: {  	[sflag:s14] =	ssyncset.done $0x0  }
0xa1: {  	[sflag:s14] =	ssyncadd.s32 $0xFFFFEC00  }
0xa2: {  	_ =	sfence.sel $0x180000  }
0xa3: {  	[bflag:$0x0] =	sbarrier.arrive $0xFFFF  }
0xa4: {  	_ =	strace $0x9000004A  }
0xa5: {  	s0 =	stileid.u32;
	[bflag:$0x2] =	sbarrier.arrive $0xFFFF  }
0xa6: {  	p0 =	sne.s32 s0, $0x0;
	s0 =	rddreg [dreg:$0x3]  }
0xa7: {  	s0 =	sadd.s32 @!p0 $0x100000, s0  }
0xa8: {  	[sflag:s0] =	ssyncadd.tile.s32 @!p0 $0x1;
	_ =	shalt  }
.Lfunc_end2:
_tile_overlayer_lowered:
.L_overlay_start_2:
0xa9: {  	(tag) =	ssettag $0x2  }
0xaa: {  	s0 =	rddreg [dreg:$0x0];
	s2 =	stileid.u32  }
0xab: {  	s1 =	rddreg [dreg:$0x1];
	p0 =	sne.s32 s2, $0x0  }
0xac: {  	s3 =	rddreg [dreg:$0x2];
	[bflag:$0x3] =	sbarrier.arrive $0xFFFF;
	s2 =	simm.s32 @!p0 $0x1C09  }
0xad: {  	[timem:s3], [sflag:s2] =	dma.local @!p0 [hbm:s0], s1  }
0xae: {  	s0 =	simm.s32 @!p0 $0x9  }
0xaf: {  	_ =	swait.ge @!p0 [sflag:s0], s1  }
0xb0: {  	s1 =	ssub.s32 @!p0 $0x0, s1;
	[sflag:s0] =	ssyncset.done @!p0 $0x0  }
0xb1: {  	[sflag:s0] =	ssyncadd.s32 @!p0 s1  }
0xb2: {  	[bflag:$0x3] =	sbarrier.arrive $0xFFFF  }
0xb3: {  	_ =	shalt  }

// kernel: kernel.15.cloned.1.call-start
scs
__scs_entry_jumppad:
0x0: {  	(pc) =	sbr.rel $0x88, $3  }
0x1: {  	(tag) =	ssettag $0x0;
	lr =	simm.s32 $0x1  }
0x2: {  	[smem:$0x3F9B] =	sst lr;
	_ =	strace $0xD0000000  }
0x3: {  	_ = 	snop  }
0x4: {  	_ = 	snop  }
0x5: {  	_ = 	snop  }
0x6: {  	_ = 	snop  }
0x7: {  	_ = 	snop  }
__scs_overlays_trampoline_lowered:
0x8: {  	[smem:$0x3FAA] =	sst s0  }
0x9: {  	[smem:$0x3FAB] =	sst s1  }
0xa: {  	[smem:$0x3FAC] =	sst s2  }
0xb: {  	[smem:$0x3FAD] =	sst s3  }
0xc: {  	[smem:$0x3FAE] =	sst s4  }
0xd: {  	[smem:$0x3FAF] =	sst s5  }
0xe: {  	[smem:$0x3FB0] =	sst s6  }
0xf: {  	[smem:$0x3FB1] =	sst s7  }
0x10: {  	[smem:$0x3FB2] =	sst s8  }
0x11: {  	[smem:$0x3FB3] =	sst s9;
	s0 =	simm.s32 @!p0 $0x0  }
0x12: {  	s1 =	sld [smem:$0x3F99];
	s0 =	simm.s32 @p0 $0x1  }
0x13: {  	[smem:$0x3FB4] =	sst s0;
	s0 =	simm.s32 @!p1 $0x0  }
0x14: {  	s2 =	sld [smem:$0x3F98];
	s0 =	simm.s32 @p1 $0x1  }
0x15: {  	[smem:$0x3FB5] =	sst s0;
	s0 =	simm.s32 @!p2 $0x0  }
0x16: {  	s3 =	sld [smem:$0x3FDB];
	s0 =	simm.s32 @p2 $0x1  }
0x17: {  	s4 =	simm.s32 $0x1BF5;
	[smem:$0x3FB7] =	sst s0  }
0x18: {  	s0 =	sld [smem:$0x3F9A];
	_ =	swait.ge [sflag:s4], $0x0  }
0x19: {  	s7 =	sld [smem:$0x3F9B]  }
0x1a: {  	s8 =	sadd.s32 $0xFFFFE003, lr  }
0x1b: {  	s9 =	sadd.s32 $0xFFFFFEF7, lr;
	s5 =	simm.s32 $0xFFFFFFFF;
	p2 =	slt.u32 s8, $0xFFFFF086  }
0x1c: {  	p1 =	slt.u32 s9, $0xF7A;
	s5 =	simm.s32 @!p2 $0x0  }
0x1d: {  	s5 =	simm.s32 @p1 $0x1;
	p0 =	seq.s32 s7, s2  }
0x1e: {  	s7 =	smul.u32 @!p0 $0xF7A, s2;
	p2 =	seq.s32 @!p0 s5, $0x0  }
0x1f: {  	s9 =	smul.u32 $0xF7A, s1;
	s8 =	simm.s32 @!p0 $0x1BF5;
	p2 =	por !p2, p0  }
0x20: {  	[sflag:s8] =	ssyncset.s32 @!p0 $0xFFFFF086;
	s6 =	sadd.s32 @!p0 s3, s7;
	s7 =	simm.s32 @!p0 $0x108  }
0x21: {  	s3 =	sadd.s32 s3, s9;
	s6 =	sadd.s32 @!p0 $0x88, s6;
	s7 =	simm.s32 @p2 $0x1082  }
0x22: {  	[simem:s7], [sflag:s8] =	dma.local @!p0 [hbm:s6], $0xF7A  }
0x23: {  	s9 =	sor.u32 $0xD0000000, s2;
	s6 =	simm.s32 $0x108;
	_ =	swait.ge @!p0 [sflag:s8], $0x0  }
0x24: {  	s3 =	sadd.s32 $0x88, s3;
	s6 =	simm.s32 @!p1 $0x1082;
	[sflag:s4] =	ssyncset.s32 $0xFFFFF086  }
0x25: {  	[simem:s6], [sflag:s4] =	dma.local [hbm:s3], $0xF7A  }
0x26: {  	[smem:$0x3F9B] =	sst s1;
	(tag) =	ssettag s2;
	_ =	strace s9  }
0x27: {  	s1 =	sld [smem:$0x3FAB]  }
0x28: {  	s2 =	sld [smem:$0x3FAC]  }
0x29: {  	s4 =	sld [smem:$0x3FAE]  }
0x2a: {  	p0 =	seq.s32 s5, $0x0;
	s5 =	sld [smem:$0x3FAF]  }
0x2b: {  	s6 =	sld [smem:$0x3FB0]  }
0x2c: {  	s7 =	sld [smem:$0x3FB1]  }
0x2d: {  	s3 =	simm.s32 $0x108;
	s8 =	sld [smem:$0x3FB2]  }
0x2e: {  	s3 =	simm.s32 @!p0 $0x1082;
	s9 =	sld [smem:$0x3FB3]  }
0x2f: {  	lr =	sadd.s32 s0, s3;
	s0 =	sld [smem:$0x3FAA]  }
0x30: {  	s3 =	sld [smem:$0x3FAD]  }
0x31: {  	[smem:$0x3FB6] =	sst s10  }
0x32: {  	s10 =	sld [smem:$0x3FB4];
	_ =	sdelay $0x3  }
0x33: {  	p0 =	seq.s32 s10, $0x1;
	s10 =	sld [smem:$0x3FB6];
	_ =	sdelay $0x3  }
0x34: {  	[smem:$0x3FB6] =	sst s10  }
0x35: {  	s10 =	sld [smem:$0x3FB5];
	_ =	sdelay $0x3  }
0x36: {  	p1 =	seq.s32 s10, $0x1;
	s10 =	sld [smem:$0x3FB6];
	_ =	sdelay $0x3  }
0x37: {  	[smem:$0x3FB6] =	sst s10  }
0x38: {  	s10 =	sld [smem:$0x3FB7]  }
0x39: {  	_ = 	snop;
	(pc) =	sbr.ind lr, $3  }
0x3a: {  	_ = 	snop  }
0x3b: {  	_ = 	snop  }
0x3c: {  	p2 =	seq.s32 s10, $0x1;
	s10 =	sld [smem:$0x3FB6]  }
0x3d: {  	_ =	shalt  }
0x3e: {  	_ =	shalt  }
0x3f: {  	_ =	shalt  }
0x40: {  	_ =	shalt  }
0x41: {  	_ =	shalt  }
0x42: {  	_ =	shalt  }
0x43: {  	_ =	shalt  }
0x44: {  	_ =	shalt  }
0x45: {  	_ =	shalt  }
0x46: {  	_ =	shalt  }
0x47: {  	_ =	shalt  }
0x48: {  	_ =	shalt  }
0x49: {  	_ =	shalt  }
0x4a: {  	_ =	shalt  }
0x4b: {  	_ =	shalt  }
0x4c: {  	_ =	shalt  }
0x4d: {  	_ =	shalt  }
0x4e: {  	_ =	shalt  }
0x4f: {  	_ =	shalt  }
0x50: {  	_ =	shalt  }
0x51: {  	_ =	shalt  }
0x52: {  	_ =	shalt  }
0x53: {  	_ =	shalt  }
0x54: {  	_ =	shalt  }
0x55: {  	_ =	shalt  }
0x56: {  	_ =	shalt  }
0x57: {  	_ =	shalt  }
0x58: {  	_ =	shalt  }
0x59: {  	_ =	shalt  }
0x5a: {  	_ =	shalt  }
0x5b: {  	_ =	shalt  }
0x5c: {  	_ =	shalt  }
0x5d: {  	_ =	shalt  }
0x5e: {  	_ =	shalt  }
0x5f: {  	_ =	shalt  }
0x60: {  	_ =	shalt  }
0x61: {  	_ =	shalt  }
0x62: {  	_ =	shalt  }
0x63: {  	_ =	shalt  }
0x64: {  	_ =	shalt  }
0x65: {  	_ =	shalt  }
0x66: {  	_ =	shalt  }
0x67: {  	_ =	shalt  }
0x68: {  	_ =	shalt  }
0x69: {  	_ =	shalt  }
0x6a: {  	_ =	shalt  }
0x6b: {  	_ =	shalt  }
0x6c: {  	_ =	shalt  }
0x6d: {  	_ =	shalt  }
0x6e: {  	_ =	shalt  }
0x6f: {  	_ =	shalt  }
0x70: {  	_ =	shalt  }
0x71: {  	_ =	shalt  }
0x72: {  	_ =	shalt  }
0x73: {  	_ =	shalt  }
0x74: {  	_ =	shalt  }
0x75: {  	_ =	shalt  }
0x76: {  	_ =	shalt  }
0x77: {  	_ =	shalt  }
0x78: {  	_ =	shalt  }
0x79: {  	_ =	shalt  }
0x7a: {  	_ =	shalt  }
0x7b: {  	_ =	shalt  }
0x7c: {  	_ =	shalt  }
0x7d: {  	_ =	shalt  }
0x7e: {  	_ =	shalt  }
0x7f: {  	_ =	shalt  }
0x80: {  	_ =	shalt  }
0x81: {  	_ =	shalt  }
0x82: {  	_ =	shalt  }
0x83: {  	_ =	shalt  }
0x84: {  	_ =	shalt  }
0x85: {  	_ =	shalt  }
0x86: {  	_ =	shalt  }
0x87: {  	_ =	shalt  }
.Lfunc_end0:
.L_simem_size_0:
called_computation.2_lowered:
.L_overlay_start_0:
0x88: {  	s2 =	sld [smem:$0x3FD9]  }
0x89: {  	s3 =	sld [smem:$0x3FFE];
	_ =	sdelay $0x1  }
0x8a: {  	s1 =	srdreg.scid  }
0x8b: {  	s0 =	sand.u32 $0x1, s1  }
0x8c: {  	s17 =	sshll.u32 s0, $0xA;
	s2 =	sadd.s32 s3, s2  }
0x8d: {  	s2 =	sadd.s32 s2, s17  }
0x8e: {  	[smem:$0x3FC2] =	sst s2  }
0x8f: {  	_ = 	snop  }
0x90: {  	s2 =	sld [smem:$0x3FD0];
	(tm) =	ssettm $0x1  }
0x91: {  	s18 =	sld [smem:$0x3FFB];
	_ =	sdelay $0x3  }
0x92: {  	_ =	strace s18  }
0x93: {  	s3 =	sld [smem:$0x3FFC];
	_ =	sdelay $0x3  }
0x94: {  	_ =	strace s3  }
0x95: {  	s3 =	sld [smem:$0x3FFD];
	_ =	sdelay $0x3  }
0x96: {  	_ =	strace s3  }
0x97: {  	_ =	strace $0x8FFFFFFF  }
0x98: {  	s19 =	sld [smem:$0x3FDB];
	_ =	sdelay $0x1  }
0x99: {  	s4 =	simm.s32 $_scs_section_size  }
0x9a: {  	s5 =	simm.s32 $_size__tile_overlayer_lowered;
	s6 =	simm.s32 $_tile_overlayer_lowered  }
0x9b: {  	s22 =	simm.s32 $0x1BFF;
	s21 =	sshll.u32 s6, $0x1;
	s3 =	sadd.s32 s4, s19  }
0x9c: {  	s7 =	simm.s32 $0x0;
	s20 =	sshll.u32 s5, $0x1;
	s5 =	sadd.s32 s21, s3  }
0x9d: {  	[timem:s7], [sflag:s22] =	dma.local [hbm:s5], s20  }
0x9e: {  	_ =	swait.ge [sflag:s22], s20  }
0x9f: {  	s4 =	ssub.s32 $0x0, s20;
	[sflag:s22] =	ssyncset.done $0x0  }
0xa0: {  	[sflag:s22] =	ssyncadd.s32 s4;
	_ =	sdelay $0x1  }
0xa1: {  	s23 =	simm.s32 $0x1B8B  }
0xa2: {  	_ =	swait.ge [sflag:s23], $0x1  }
0xa3: {  	[sflag:s23] =	ssyncset.done $0x0  }
0xa4: {  	s25 =	simm.s32 $0x1B8E;
	s24 =	sld [smem:$0x3FFE];
	[sflag:s23] =	ssyncadd.s32 $0xFFFFFFFF  }
0xa5: {  	s26 =	simm.s32 $execute0_lowered;
	[smem:$0x3FD2] =	sst s25  }
0xa6: {  	s5 =	sshll.u32 s26, $0x1;
	_ =	strace $0x8000004C;
	[dreg:$0x1] =	wrdreg $0xFFFFFFFF  }
0xa7: {  	s28 =	simm.s32 $_size_execute0_lowered;
	s3 =	sadd.s32 s3, s5;
	[dreg:$0x0] =	wrdreg $0x0  }
0xa8: {  	s5 =	sshll.u32 s28, $0x1;
	[dreg:$0x2] =	wrdreg s3  }
0xa9: {  	[dreg:$0x3] =	wrdreg s5  }
0xaa: {  	[dreg:$0x4] =	wrdreg $0xC0  }
0xab: {  	_ =	task [dreg:s7], $0x5FFFF  }
0xac: {  	[dreg:$0x1] =	wrdreg $0xFFFFFFFF  }
0xad: {  	[dreg:$0x0] =	wrdreg $0x60  }
0xae: {  	[dreg:$0x2] =	wrdreg s24  }
0xaf: {  	[dreg:$0x3] =	wrdreg s2  }
0xb0: {  	[dreg:$0x4] =	wrdreg $0x150000  }
0xb1: {  	[dreg:$0x5] =	wrdreg $0x9  }
0xb2: {  	_ =	task.clear_ibuf [dreg:s7], $0x6FFFF;
	_ =	strace $0x9000004C  }
0xb3: {  	s29 =	simm.s32 $0x9;
	_ =	strace $0x8000004E  }
0xb4: {  	_ =	swait.ge [sflag:s29], $0x1  }
0xb5: {  	[sflag:s29] =	ssyncadd.s32 $0xFFFFFFFF  }
0xb6: {  	_ =	strace $0x9000004E  }
0xb7: {  	_ =	sfence  }
0xb8: {  	s30 =	sld [smem:$0x0];
	_ =	sdelay $0x2  }
0xb9: {  	s31 =	sshll.u32 s1, $0xD;
	s1 =	sshrl.u32 s1, $0x2  }
0xba: {  	s3 =	sand.u32 $0x4000, s31;
	s1 =	sadd.s32 s1, s30  }
0xbb: {  	s0 =	sor.u32 s3, s0;
	s1 =	sshll.u32 s1, $0x11  }
0xbc: {  	s0 =	sor.u32 s1, s0  }
0xbd: {  	s0 =	sadd.s32 $0x8F2B, s0  }
0xbe: {  	[sflag:s0] =	ssyncadd.remote.s32 $0x1  }
0xbf: {  	_ =	sfence.sel $0xFFFF  }
0xc0: {  	[dreg:$0x0] =	wrdreg $0xFFFFFFFF;
	(pc) =	sbr.abs _section_cstart, $3  }
0xc1: {  	[dreg:$0x1] =	wrdreg $0xFFFFFFFF  }
0xc2: {  	_ =	task.clear_ibuf [dreg:s7], $0x2FFFF;
	_ =	strace $0x9FFFFFFF  }
0xc3: {  	(tm) =	ssettm $0x7FFFFFFF  }
tec
execute0_lowered:
.L_overlay_start_1:
0x0: {  	(tag) =	ssettag $0x1  }
0x1: {  	s0 =	rddreg [dreg:$0x0]  }
0x2: {  	s1 =	rddreg [dreg:$0x1]  }
0x3: {  	s2 =	rddreg [dreg:$0x2];
	s3 =	simm.s32 $0x0;
	s4 =	srdreg.scid  }
0x4: {  	s9 =	stileid.u32;
	s14 =	simm.s32 $0x9;
	s15 =	simm.s32 $0x2800  }
0x5: {  	s16 =	simm.s32 $0x5000;
	s17 =	simm.s32 $0x100;
	s19 =	simm.s32 $0x9000  }
0x6: {  	s21 =	simm.s32 $0xD000;
	s23 =	simm.s32 $0x11000;
	s28 =	simm.s32 $0x4  }
0x7: {  	s29 =	simm.s32 $0x5;
	s30 =	simm.s32 $0x6;
	s31 =	simm.s32 $0x7  }
0x8: {  	s5 =	sand.u32 $0x1, s4;
	s24 =	sshll.u32 s9, $0x1;
	s7 =	smul.u32 $0xA000, s9  }
0x9: {  	[smem:$0x7FF] =	sst s3;
	s4 =	sadd.s32 $0xBC00, s0;
	s9 =	smul.u32 $0x28000, s9  }
0xa: {  	s6 =	sor.u32 s5, s24;
	s8 =	smul.u32 $0xA0000, s5;
	_ =	strace $0x8000004D  }
0xb: {  	s5 =	ssub.s32 $0x2, s5;
	s24 =	simm.s32 $0x1;
	s6 =	smul.u32 $0x500, s6  }
0xc: {  	s11 =	sshrl.u32 s5, $0x1;
	s25 =	sshrl.u32 s9, $0x2;
	s8 =	sadd.s32 s7, s8  }
0xd: {  	s13 =	ssub.s32 s5, s11;
	s26 =	sadd.s32 s25, s2;
	s7 =	sadd.s32 s7, s2  }
0xe: {  	s25 =	simm.s32 $0x2;
	s10 =	sadd.s32 s6, s0;
	s8 =	sshrl.u32 s8, $0x3  }
0xf: {  	s6 =	sadd.s32 s1, s6;
	s9 =	sadd.s32 $0x4000, s26;
	s11 =	sadd.s32 $0x8000, s26  }
0x10: {  	s13 =	smax.u32 s13, $0x1;
	s1 =	simm.s32 $0x0;
	s0 =	sadd.s32 s8, s0  }
0x11: {  	s5 =	sadd.s32 $0x1C00, s10;
	s8 =	sadd.s32 $0x2000, s26;
	s10 =	sadd.s32 $0x6000, s26  }
0x12: {  	v0 =	vimm.f32 $0.0e+00;
	s26 =	simm.s32 $0x3;
	s12 =	sadd.s32 $0x1FC00, s0;
	s0 =	simm.s32 $0x8  }
.LBB2_1:
0x13: {  	[tilespmem:s3], [sflag:$0x9] =	stream.linear.gather [hbm4b:s5+s3], $0x2800, $0x38;
	[tilespmem:$0x1F000] =	vst v63  }
0x14: {  	_ =	swait.ge [sflag:s14], $0x2800  }
0x15: {  	[sflag:s14] =	ssyncset.done $0x0  }
0x16: {  	[sflag:s14] =	ssyncadd.s32 $0xFFFFD800  }
0x17: {  	[tilespmem:s15], [sflag:$0x9] =	stream.linear.gather [hbm4b:s6+s3], $0x2800, $0x38;
	[tilespmem:$0x1F000] =	vst v63  }
0x18: {  	_ =	swait.ge [sflag:s14], $0x2800  }
0x19: {  	[sflag:s14] =	ssyncset.done $0x0  }
0x1a: {  	s20 =	simm.s32 $0x100;
	s18 =	simm.s32 $0x0;
	[sflag:s14] =	ssyncadd.s32 $0xFFFFD800  }
.LBB2_2:
0x1b: {  	p0 =	sne.s32 s20, $0x7F00;
	[tilespmem:s18+$0x5030] =	vst v0;
	s22 =	smov.u32 s20;
	s20 =	sadd.s32 $0x100, s20  }
.Ltmp0:
0x1c: {  	[tilespmem:s18+$0x5020] =	vst v0;
	(pc) =	sbr.rel @p0 .LBB2_2-.Ltmp0, $3  }
0x1d: {  	[tilespmem:s18+$0x5000] =	vst v0  }
0x1e: {  	[tilespmem:s18+$0x5010] =	vst v0;
	_ =	sdelay $0x1  }
0x1f: {  	s18 =	sshra.s32 s22, $0x2  }
0x20: {  	[tilespmem:s18+$0x5030] =	vst v0  }
0x21: {  	[tilespmem:s18+$0x5020] =	vst v0  }
0x22: {  	[tilespmem:s18+$0x5000] =	vst v0  }
0x23: {  	[tilespmem:s18+$0x5010] =	vst v0  }
0x24: {  	[spmem:s7] =	stream.linear.scatter [tilespmem:s16], [sflag:$0x9], $0x2000, $0x38;
	[tilespmem:$0x1F000] =	vst v63  }
0x25: {  	_ =	swait.ge [sflag:s14], $0x2000  }
0x26: {  	[sflag:s14] =	ssyncset.done $0x0  }
0x27: {  	[sflag:s14] =	ssyncadd.s32 $0xFFFFE000  }
0x28: {  	[spmem:s8] =	stream.linear.scatter [tilespmem:s16], [sflag:$0x9], $0x2000, $0x38;
	[tilespmem:$0x1F000] =	vst v63  }
0x29: {  	_ =	swait.ge [sflag:s14], $0x2000  }
0x2a: {  	[sflag:s14] =	ssyncset.done $0x0  }
0x2b: {  	[sflag:s14] =	ssyncadd.s32 $0xFFFFE000  }
0x2c: {  	[spmem:s9] =	stream.linear.scatter [tilespmem:s16], [sflag:$0x9], $0x2000, $0x38;
	[tilespmem:$0x1F000] =	vst v63  }
0x2d: {  	_ =	swait.ge [sflag:s14], $0x2000  }
0x2e: {  	[sflag:s14] =	ssyncset.done $0x0  }
0x2f: {  	[sflag:s14] =	ssyncadd.s32 $0xFFFFE000  }
0x30: {  	[spmem:s10] =	stream.linear.scatter [tilespmem:s16], [sflag:$0x9], $0x2000, $0x38;
	[tilespmem:$0x1F000] =	vst v63  }
0x31: {  	_ =	swait.ge [sflag:s14], $0x2000  }
0x32: {  	[sflag:s14] =	ssyncset.done $0x0  }
0x33: {  	[sflag:s14] =	ssyncadd.s32 $0xFFFFE000  }
0x34: {  	[spmem:s11] =	stream.linear.scatter [tilespmem:s16], [sflag:$0x9], $0x2000, $0x38;
	[tilespmem:$0x1F000] =	vst v63  }
0x35: {  	_ =	swait.ge [sflag:s14], $0x2000  }
0x36: {  	[sflag:s14] =	ssyncset.done $0x0  }
0x37: {  	[sflag:s14] =	ssyncadd.s32 $0xFFFFE000  }
0x38: {  	[bflag:$0x0] =	sbarrier.arrive $0xFFFF  }
0x39: {  	[tilespmem:s16], [sflag:$0x1] =	stream.indirect.gather [hbm4b:s4+s17], $0x40, s15, s17, $0xb8;
	[tilespmem:$0x1F000] =	vst v63  }
0x3a: {  	s20 =	simm.s32 $0x2900  }
0x3b: {  	[tilespmem:s19], [sflag:$0x2] =	stream.indirect.gather [hbm4b:s4+s17], $0x40, s20, s17, $0xb8;
	[tilespmem:$0x1F000] =	vst v63  }
0x3c: {  	s22 =	simm.s32 $0x2A00  }
0x3d: {  	[tilespmem:s21], [sflag:$0x3] =	stream.indirect.gather [hbm4b:s4+s17], $0x40, s22, s17, $0xb8;
	[tilespmem:$0x1F000] =	vst v63  }
0x3e: {  	s20 =	simm.s32 $0x2B00  }
0x3f: {  	[tilespmem:s23], [sflag:$0x4] =	stream.indirect.gather [hbm4b:s4+s17], $0x40, s20, s17, $0xb8;
	[tilespmem:$0x1F000] =	vst v63  }
0x40: {  	_ =	swait.ge [sflag:s24], $0x4000  }
0x41: {  	[sflag:s24] =	ssyncset.done $0x0  }
0x42: {  	s22 =	simm.s32 $0x0;
	[sflag:s24] =	ssyncadd.s32 $0xFFFFC000  }
0x43: {  	[spmem:s2] =	stream.indirect.scatter.add.f32 [tilespmem:s16], [sflag:$0x5], $0x40, s22, s17, $0xb8;
	[tilespmem:$0x1F000] =	vst v63  }
0x44: {  	_ =	swait.ge [sflag:s25], $0x4000  }
0x45: {  	[sflag:s25] =	ssyncset.done $0x0  }
0x46: {  	s20 =	simm.s32 $0x100;
	[sflag:s25] =	ssyncadd.s32 $0xFFFFC000  }
0x47: {  	[spmem:s2] =	stream.indirect.scatter.add.f32 [tilespmem:s19], [sflag:$0x6], $0x40, s20, s17, $0xb8;
	[tilespmem:$0x1F000] =	vst v63  }
0x48: {  	_ =	swait.ge [sflag:s26], $0x4000  }
0x49: {  	[sflag:s26] =	ssyncset.done $0x0  }
0x4a: {  	s22 =	simm.s32 $0x200;
	[sflag:s26] =	ssyncadd.s32 $0xFFFFC000  }
0x4b: {  	[spmem:s2] =	stream.indirect.scatter.add.f32 [tilespmem:s21], [sflag:$0x7], $0x40, s22, s17, $0xb8;
	[tilespmem:$0x1F000] =	vst v63  }
0x4c: {  	_ =	swait.ge [sflag:s28], $0x4000  }
0x4d: {  	[sflag:s28] =	ssyncset.done $0x0  }
0x4e: {  	s20 =	simm.s32 $0x300;
	[sflag:s28] =	ssyncadd.s32 $0xFFFFC000  }
0x4f: {  	[spmem:s2] =	stream.indirect.scatter.add.f32 [tilespmem:s23], [sflag:$0x8], $0x40, s20, s17, $0xb8;
	[tilespmem:$0x1F000] =	vst v63  }
0x50: {  	_ =	swait.ge [sflag:s29], $0x4000  }
0x51: {  	[sflag:s29] =	ssyncset.done $0x0  }
0x52: {  	s22 =	simm.s32 $0x2C00;
	[sflag:s29] =	ssyncadd.s32 $0xFFFFC000  }
0x53: {  	[tilespmem:s16], [sflag:$0x1] =	stream.indirect.gather [hbm4b:s4+s17], $0x40, s22, s17, $0xb8;
	[tilespmem:$0x1F000] =	vst v63  }
0x54: {  	_ =	swait.ge [sflag:s30], $0x4000  }
0x55: {  	[sflag:s30] =	ssyncset.done $0x0  }
0x56: {  	s20 =	simm.s32 $0x2D00;
	[sflag:s30] =	ssyncadd.s32 $0xFFFFC000  }
0x57: {  	[tilespmem:s19], [sflag:$0x2] =	stream.indirect.gather [hbm4b:s4+s17], $0x40, s20, s17, $0xb8;
	[tilespmem:$0x1F000] =	vst v63  }
0x58: {  	_ =	swait.ge [sflag:s31], $0x4000  }
0x59: {  	[sflag:s31] =	ssyncset.done $0x0  }
0x5a: {  	s22 =	simm.s32 $0x2E00;
	[sflag:s31] =	ssyncadd.s32 $0xFFFFC000  }
0x5b: {  	[tilespmem:s21], [sflag:$0x3] =	stream.indirect.gather [hbm4b:s4+s17], $0x40, s22, s17, $0xb8;
	[tilespmem:$0x1F000] =	vst v63  }
0x5c: {  	_ =	swait.ge [sflag:s0], $0x4000  }
0x5d: {  	[sflag:s0] =	ssyncset.done $0x0  }
0x5e: {  	s18 =	simm.s32 $0x1000;
	s20 =	simm.s32 $0x2F00;
	[sflag:s0] =	ssyncadd.s32 $0xFFFFC000  }
.LBB2_4:
0x5f: {  	[tilespmem:s23], [sflag:$0x4] =	stream.indirect.gather [hbm4b:s4+s17], $0x40, s20, s17, $0xb8;
	[tilespmem:$0x1F000] =	vst v63  }
0x60: {  	s20 =	smov.u32 s18  }
0x61: {  	p0 =	sne.s32 s18, $0x8000;
	s18 =	sadd.s32 $0x1000, s18;
	_ =	swait.ge [sflag:s24], $0x4000  }
0x62: {  	[sflag:s24] =	ssyncset.done $0x0  }
0x63: {  	s20 =	sshra.s32 s20, $0x2;
	[sflag:s24] =	ssyncadd.s32 $0xFFFFC000  }
0x64: {  	[spmem:s2] =	stream.indirect.scatter.add.f32 [tilespmem:s16], [sflag:$0x5], $0x40, s20, s17, $0xb8;
	[tilespmem:$0x1F000] =	vst v63  }
0x65: {  	_ =	swait.ge [sflag:s25], $0x4000  }
0x66: {  	[sflag:s25] =	ssyncset.done $0x0  }
0x67: {  	s22 =	sadd.s32 $0x100, s20;
	[sflag:s25] =	ssyncadd.s32 $0xFFFFC000  }
0x68: {  	[spmem:s2] =	stream.indirect.scatter.add.f32 [tilespmem:s19], [sflag:$0x6], $0x40, s22, s17, $0xb8;
	[tilespmem:$0x1F000] =	vst v63  }
0x69: {  	_ =	swait.ge [sflag:s26], $0x4000  }
0x6a: {  	[sflag:s26] =	ssyncset.done $0x0  }
0x6b: {  	s22 =	sadd.s32 $0x200, s20;
	[sflag:s26] =	ssyncadd.s32 $0xFFFFC000  }
0x6c: {  	[spmem:s2] =	stream.indirect.scatter.add.f32 [tilespmem:s21], [sflag:$0x7], $0x40, s22, s17, $0xb8;
	[tilespmem:$0x1F000] =	vst v63  }
0x6d: {  	_ =	swait.ge [sflag:s28], $0x4000  }
0x6e: {  	[sflag:s28] =	ssyncset.done $0x0  }
0x6f: {  	s22 =	sadd.s32 $0x300, s20;
	[sflag:s28] =	ssyncadd.s32 $0xFFFFC000  }
0x70: {  	[spmem:s2] =	stream.indirect.scatter.add.f32 [tilespmem:s23], [sflag:$0x8], $0x40, s22, s17, $0xb8;
	[tilespmem:$0x1F000] =	vst v63  }
0x71: {  	_ =	swait.ge [sflag:s29], $0x4000  }
0x72: {  	[sflag:s29] =	ssyncset.done $0x0  }
0x73: {  	s22 =	sadd.s32 $0x2C00, s20;
	[sflag:s29] =	ssyncadd.s32 $0xFFFFC000  }
0x74: {  	[tilespmem:s16], [sflag:$0x1] =	stream.indirect.gather [hbm4b:s4+s17], $0x40, s22, s17, $0xb8;
	[tilespmem:$0x1F000] =	vst v63  }
0x75: {  	_ =	swait.ge [sflag:s30], $0x4000  }
0x76: {  	[sflag:s30] =	ssyncset.done $0x0  }
0x77: {  	s22 =	sadd.s32 $0x2D00, s20;
	[sflag:s30] =	ssyncadd.s32 $0xFFFFC000  }
0x78: {  	[tilespmem:s19], [sflag:$0x2] =	stream.indirect.gather [hbm4b:s4+s17], $0x40, s22, s17, $0xb8;
	[tilespmem:$0x1F000] =	vst v63  }
0x79: {  	_ =	swait.ge [sflag:s31], $0x4000  }
0x7a: {  	[sflag:s31] =	ssyncset.done $0x0  }
.Ltmp1:
0x7b: {  	s22 =	sadd.s32 $0x2E00, s20;
	[sflag:s31] =	ssyncadd.s32 $0xFFFFC000;
	(pc) =	sbr.rel @p0 .LBB2_4-.Ltmp1, $4  }
0x7c: {  	[tilespmem:s21], [sflag:$0x3] =	stream.indirect.gather [hbm4b:s4+s17], $0x40, s22, s17, $0xb8;
	[tilespmem:$0x1F000] =	vst v63  }
0x7d: {  	_ =	swait.ge [sflag:s0], $0x4000  }
0x7e: {  	[sflag:s0] =	ssyncset.done $0x0  }
0x7f: {  	s20 =	sadd.s32 $0x2F00, s20;
	[sflag:s0] =	ssyncadd.s32 $0xFFFFC000  }
0x80: {  	[tilespmem:s23], [sflag:$0x4] =	stream.indirect.gather [hbm4b:s4+s17], $0x40, s20, s17, $0xb8;
	[tilespmem:$0x1F000] =	vst v63  }
0x81: {  	_ =	swait.ge [sflag:s24], $0x4000  }
0x82: {  	[sflag:s24] =	ssyncset.done $0x0  }
0x83: {  	s18 =	simm.s32 $0x2400;
	[sflag:s24] =	ssyncadd.s32 $0xFFFFC000  }
0x84: {  	[spmem:s2] =	stream.indirect.scatter.add.f32 [tilespmem:s16], [sflag:$0x5], $0x40, s18, s17, $0xb8;
	[tilespmem:$0x1F000] =	vst v63  }
0x85: {  	_ =	swait.ge [sflag:s25], $0x4000  }
0x86: {  	[sflag:s25] =	ssyncset.done $0x0  }
0x87: {  	s22 =	simm.s32 $0x2500;
	[sflag:s25] =	ssyncadd.s32 $0xFFFFC000  }
0x88: {  	[spmem:s2] =	stream.indirect.scatter.add.f32 [tilespmem:s19], [sflag:$0x6], $0x40, s22, s17, $0xb8;
	[tilespmem:$0x1F000] =	vst v63  }
0x89: {  	_ =	swait.ge [sflag:s26], $0x4000  }
0x8a: {  	[sflag:s26] =	ssyncset.done $0x0  }
0x8b: {  	s20 =	simm.s32 $0x2600;
	[sflag:s26] =	ssyncadd.s32 $0xFFFFC000  }
0x8c: {  	[spmem:s2] =	stream.indirect.scatter.add.f32 [tilespmem:s21], [sflag:$0x7], $0x40, s20, s17, $0xb8;
	[tilespmem:$0x1F000] =	vst v63  }
0x8d: {  	_ =	swait.ge [sflag:s28], $0x4000  }
0x8e: {  	[sflag:s28] =	ssyncset.done $0x0  }
0x8f: {  	s22 =	simm.s32 $0x2700;
	[sflag:s28] =	ssyncadd.s32 $0xFFFFC000  }
0x90: {  	[spmem:s2] =	stream.indirect.scatter.add.f32 [tilespmem:s23], [sflag:$0x8], $0x40, s22, s17, $0xb8;
	[tilespmem:$0x1F000] =	vst v63  }
0x91: {  	_ =	swait.ge [sflag:s29], $0x4000  }
0x92: {  	[sflag:s29] =	ssyncset.done $0x0  }
0x93: {  	[sflag:s29] =	ssyncadd.s32 $0xFFFFC000  }
0x94: {  	_ =	swait.ge [sflag:s30], $0x4000  }
0x95: {  	[sflag:s30] =	ssyncset.done $0x0  }
0x96: {  	[sflag:s30] =	ssyncadd.s32 $0xFFFFC000  }
0x97: {  	_ =	swait.ge [sflag:s31], $0x4000  }
0x98: {  	[sflag:s31] =	ssyncset.done $0x0  }
0x99: {  	[sflag:s31] =	ssyncadd.s32 $0xFFFFC000  }
0x9a: {  	s20 =	stileid.u32;
	_ =	swait.ge [sflag:s0], $0x4000  }
0x9b: {  	s1 =	sadd.s32 $0x1, s1;
	s18 =	sshll.u32 s20, $0x6;
	[sflag:s0] =	ssyncset.done $0x0  }
0x9c: {  	p0 =	sne.s32 s1, s13;
	s18 =	sor.u32 $0x1C09, s18;
	[sflag:s0] =	ssyncadd.s32 $0xFFFFC000  }
.Ltmp2:
0x9d: {  	s22 =	sshrl.u32 s7, $0x3;
	[bflag:$0x0] =	sbarrier.arrive $0xFFFF;
	(pc) =	sbr.rel @p0 .LBB2_1-.Ltmp2, $4  }
0x9e: {  	[hbm:s12], [sflag:s18] =	dma.local [spmem:s22], $0x1400  }
0x9f: {  	_ =	swait.ge [sflag:s14], $0x1400  }
0xa0: {  	[sflag:s14] =	ssyncset.done $0x0  }
0xa1: {  	[sflag:s14] =	ssyncadd.s32 $0xFFFFEC00  }
0xa2: {  	_ =	sfence.sel $0x180000  }
0xa3: {  	[bflag:$0x0] =	sbarrier.arrive $0xFFFF  }
0xa4: {  	_ =	strace $0x9000004D  }
0xa5: {  	s0 =	stileid.u32;
	[bflag:$0x2] =	sbarrier.arrive $0xFFFF  }
0xa6: {  	p0 =	sne.s32 s0, $0x0;
	s0 =	rddreg [dreg:$0x3]  }
0xa7: {  	s0 =	sadd.s32 @!p0 $0x100000, s0  }
0xa8: {  	[sflag:s0] =	ssyncadd.tile.s32 @!p0 $0x1;
	_ =	shalt  }
.Lfunc_end2:
_tile_overlayer_lowered:
.L_overlay_start_2:
0xa9: {  	(tag) =	ssettag $0x2  }
0xaa: {  	s0 =	rddreg [dreg:$0x0];
	s2 =	stileid.u32  }
0xab: {  	s1 =	rddreg [dreg:$0x1];
	p0 =	sne.s32 s2, $0x0  }
0xac: {  	s3 =	rddreg [dreg:$0x2];
	[bflag:$0x3] =	sbarrier.arrive $0xFFFF;
	s2 =	simm.s32 @!p0 $0x1C09  }
0xad: {  	[timem:s3], [sflag:s2] =	dma.local @!p0 [hbm:s0], s1  }
0xae: {  	s0 =	simm.s32 @!p0 $0x9  }
0xaf: {  	_ =	swait.ge @!p0 [sflag:s0], s1  }
0xb0: {  	s1 =	ssub.s32 @!p0 $0x0, s1;
	[sflag:s0] =	ssyncset.done @!p0 $0x0  }
0xb1: {  	[sflag:s0] =	ssyncadd.s32 @!p0 s1  }
0xb2: {  	[bflag:$0x3] =	sbarrier.arrive $0xFFFF  }
0xb3: {  	_ =	shalt  }

// kernel: kernel.9.cloned.1.call-start
scs
__scs_entry_jumppad:
0x0: {  	(pc) =	sbr.rel $0x88, $3  }
0x1: {  	(tag) =	ssettag $0x0;
	lr =	simm.s32 $0x1  }
0x2: {  	[smem:$0x3F9B] =	sst lr;
	_ =	strace $0xD0000000  }
0x3: {  	_ = 	snop  }
0x4: {  	_ = 	snop  }
0x5: {  	_ = 	snop  }
0x6: {  	_ = 	snop  }
0x7: {  	_ = 	snop  }
__scs_overlays_trampoline_lowered:
0x8: {  	[smem:$0x3FAA] =	sst s0  }
0x9: {  	[smem:$0x3FAB] =	sst s1  }
0xa: {  	[smem:$0x3FAC] =	sst s2  }
0xb: {  	[smem:$0x3FAD] =	sst s3  }
0xc: {  	[smem:$0x3FAE] =	sst s4  }
0xd: {  	[smem:$0x3FAF] =	sst s5  }
0xe: {  	[smem:$0x3FB0] =	sst s6  }
0xf: {  	[smem:$0x3FB1] =	sst s7  }
0x10: {  	[smem:$0x3FB2] =	sst s8  }
0x11: {  	[smem:$0x3FB3] =	sst s9;
	s0 =	simm.s32 @!p0 $0x0  }
0x12: {  	s1 =	sld [smem:$0x3F99];
	s0 =	simm.s32 @p0 $0x1  }
0x13: {  	[smem:$0x3FB4] =	sst s0;
	s0 =	simm.s32 @!p1 $0x0  }
0x14: {  	s2 =	sld [smem:$0x3F98];
	s0 =	simm.s32 @p1 $0x1  }
0x15: {  	[smem:$0x3FB5] =	sst s0;
	s0 =	simm.s32 @!p2 $0x0  }
0x16: {  	s3 =	sld [smem:$0x3FDB];
	s0 =	simm.s32 @p2 $0x1  }
0x17: {  	s4 =	simm.s32 $0x1BF5;
	[smem:$0x3FB7] =	sst s0  }
0x18: {  	s0 =	sld [smem:$0x3F9A];
	_ =	swait.ge [sflag:s4], $0x0  }
0x19: {  	s7 =	sld [smem:$0x3F9B]  }
0x1a: {  	s8 =	sadd.s32 $0xFFFFE003, lr  }
0x1b: {  	s9 =	sadd.s32 $0xFFFFFEF7, lr;
	s5 =	simm.s32 $0xFFFFFFFF;
	p2 =	slt.u32 s8, $0xFFFFF086  }
0x1c: {  	p1 =	slt.u32 s9, $0xF7A;
	s5 =	simm.s32 @!p2 $0x0  }
0x1d: {  	s5 =	simm.s32 @p1 $0x1;
	p0 =	seq.s32 s7, s2  }
0x1e: {  	s7 =	smul.u32 @!p0 $0xF7A, s2;
	p2 =	seq.s32 @!p0 s5, $0x0  }
0x1f: {  	s9 =	smul.u32 $0xF7A, s1;
	s8 =	simm.s32 @!p0 $0x1BF5;
	p2 =	por !p2, p0  }
0x20: {  	[sflag:s8] =	ssyncset.s32 @!p0 $0xFFFFF086;
	s6 =	sadd.s32 @!p0 s3, s7;
	s7 =	simm.s32 @!p0 $0x108  }
0x21: {  	s3 =	sadd.s32 s3, s9;
	s6 =	sadd.s32 @!p0 $0x88, s6;
	s7 =	simm.s32 @p2 $0x1082  }
0x22: {  	[simem:s7], [sflag:s8] =	dma.local @!p0 [hbm:s6], $0xF7A  }
0x23: {  	s9 =	sor.u32 $0xD0000000, s2;
	s6 =	simm.s32 $0x108;
	_ =	swait.ge @!p0 [sflag:s8], $0x0  }
0x24: {  	s3 =	sadd.s32 $0x88, s3;
	s6 =	simm.s32 @!p1 $0x1082;
	[sflag:s4] =	ssyncset.s32 $0xFFFFF086  }
0x25: {  	[simem:s6], [sflag:s4] =	dma.local [hbm:s3], $0xF7A  }
0x26: {  	[smem:$0x3F9B] =	sst s1;
	(tag) =	ssettag s2;
	_ =	strace s9  }
0x27: {  	s1 =	sld [smem:$0x3FAB]  }
0x28: {  	s2 =	sld [smem:$0x3FAC]  }
0x29: {  	s4 =	sld [smem:$0x3FAE]  }
0x2a: {  	p0 =	seq.s32 s5, $0x0;
	s5 =	sld [smem:$0x3FAF]  }
0x2b: {  	s6 =	sld [smem:$0x3FB0]  }
0x2c: {  	s7 =	sld [smem:$0x3FB1]  }
0x2d: {  	s3 =	simm.s32 $0x108;
	s8 =	sld [smem:$0x3FB2]  }
0x2e: {  	s3 =	simm.s32 @!p0 $0x1082;
	s9 =	sld [smem:$0x3FB3]  }
0x2f: {  	lr =	sadd.s32 s0, s3;
	s0 =	sld [smem:$0x3FAA]  }
0x30: {  	s3 =	sld [smem:$0x3FAD]  }
0x31: {  	[smem:$0x3FB6] =	sst s10  }
0x32: {  	s10 =	sld [smem:$0x3FB4];
	_ =	sdelay $0x3  }
0x33: {  	p0 =	seq.s32 s10, $0x1;
	s10 =	sld [smem:$0x3FB6];
	_ =	sdelay $0x3  }
0x34: {  	[smem:$0x3FB6] =	sst s10  }
0x35: {  	s10 =	sld [smem:$0x3FB5];
	_ =	sdelay $0x3  }
0x36: {  	p1 =	seq.s32 s10, $0x1;
	s10 =	sld [smem:$0x3FB6];
	_ =	sdelay $0x3  }
0x37: {  	[smem:$0x3FB6] =	sst s10  }
0x38: {  	s10 =	sld [smem:$0x3FB7]  }
0x39: {  	_ = 	snop;
	(pc) =	sbr.ind lr, $3  }
0x3a: {  	_ = 	snop  }
0x3b: {  	_ = 	snop  }
0x3c: {  	p2 =	seq.s32 s10, $0x1;
	s10 =	sld [smem:$0x3FB6]  }
0x3d: {  	_ =	shalt  }
0x3e: {  	_ =	shalt  }
0x3f: {  	_ =	shalt  }
0x40: {  	_ =	shalt  }
0x41: {  	_ =	shalt  }
0x42: {  	_ =	shalt  }
0x43: {  	_ =	shalt  }
0x44: {  	_ =	shalt  }
0x45: {  	_ =	shalt  }
0x46: {  	_ =	shalt  }
0x47: {  	_ =	shalt  }
0x48: {  	_ =	shalt  }
0x49: {  	_ =	shalt  }
0x4a: {  	_ =	shalt  }
0x4b: {  	_ =	shalt  }
0x4c: {  	_ =	shalt  }
0x4d: {  	_ =	shalt  }
0x4e: {  	_ =	shalt  }
0x4f: {  	_ =	shalt  }
0x50: {  	_ =	shalt  }
0x51: {  	_ =	shalt  }
0x52: {  	_ =	shalt  }
0x53: {  	_ =	shalt  }
0x54: {  	_ =	shalt  }
0x55: {  	_ =	shalt  }
0x56: {  	_ =	shalt  }
0x57: {  	_ =	shalt  }
0x58: {  	_ =	shalt  }
0x59: {  	_ =	shalt  }
0x5a: {  	_ =	shalt  }
0x5b: {  	_ =	shalt  }
0x5c: {  	_ =	shalt  }
0x5d: {  	_ =	shalt  }
0x5e: {  	_ =	shalt  }
0x5f: {  	_ =	shalt  }
0x60: {  	_ =	shalt  }
0x61: {  	_ =	shalt  }
0x62: {  	_ =	shalt  }
0x63: {  	_ =	shalt  }
0x64: {  	_ =	shalt  }
0x65: {  	_ =	shalt  }
0x66: {  	_ =	shalt  }
0x67: {  	_ =	shalt  }
0x68: {  	_ =	shalt  }
0x69: {  	_ =	shalt  }
0x6a: {  	_ =	shalt  }
0x6b: {  	_ =	shalt  }
0x6c: {  	_ =	shalt  }
0x6d: {  	_ =	shalt  }
0x6e: {  	_ =	shalt  }
0x6f: {  	_ =	shalt  }
0x70: {  	_ =	shalt  }
0x71: {  	_ =	shalt  }
0x72: {  	_ =	shalt  }
0x73: {  	_ =	shalt  }
0x74: {  	_ =	shalt  }
0x75: {  	_ =	shalt  }
0x76: {  	_ =	shalt  }
0x77: {  	_ =	shalt  }
0x78: {  	_ =	shalt  }
0x79: {  	_ =	shalt  }
0x7a: {  	_ =	shalt  }
0x7b: {  	_ =	shalt  }
0x7c: {  	_ =	shalt  }
0x7d: {  	_ =	shalt  }
0x7e: {  	_ =	shalt  }
0x7f: {  	_ =	shalt  }
0x80: {  	_ =	shalt  }
0x81: {  	_ =	shalt  }
0x82: {  	_ =	shalt  }
0x83: {  	_ =	shalt  }
0x84: {  	_ =	shalt  }
0x85: {  	_ =	shalt  }
0x86: {  	_ =	shalt  }
0x87: {  	_ =	shalt  }
.Lfunc_end0:
.L_simem_size_0:
called_computation_lowered:
.L_overlay_start_0:
0x88: {  	s2 =	sld [smem:$0x3FD9]  }
0x89: {  	s3 =	sld [smem:$0x3FFE];
	_ =	sdelay $0x1  }
0x8a: {  	s1 =	srdreg.scid  }
0x8b: {  	s0 =	sand.u32 $0x1, s1  }
0x8c: {  	s16 =	sshll.u32 s0, $0xA;
	s2 =	sadd.s32 s3, s2  }
0x8d: {  	s2 =	sadd.s32 s2, s16  }
0x8e: {  	[smem:$0x3FC2] =	sst s2  }
0x8f: {  	_ = 	snop  }
0x90: {  	(tm) =	ssettm $0x1  }
0x91: {  	s17 =	sld [smem:$0x3FFB];
	_ =	sdelay $0x3  }
0x92: {  	_ =	strace s17  }
0x93: {  	s2 =	sld [smem:$0x3FFC];
	_ =	sdelay $0x3  }
0x94: {  	_ =	strace s2  }
0x95: {  	s2 =	sld [smem:$0x3FFD];
	_ =	sdelay $0x3  }
0x96: {  	_ =	strace s2  }
0x97: {  	_ =	strace $0x8FFFFFFF  }
0x98: {  	s18 =	sld [smem:$0x3FDB];
	_ =	sdelay $0x1  }
0x99: {  	s19 =	simm.s32 $_scs_section_size  }
0x9a: {  	s4 =	simm.s32 $_size__tile_overlayer_lowered;
	s5 =	simm.s32 $_tile_overlayer_lowered  }
0x9b: {  	s22 =	simm.s32 $0x1BFF;
	s21 =	sshll.u32 s5, $0x1;
	s2 =	sadd.s32 s19, s18  }
0x9c: {  	s6 =	simm.s32 $0x0;
	s20 =	sshll.u32 s4, $0x1;
	s4 =	sadd.s32 s21, s2  }
0x9d: {  	[timem:s6], [sflag:s22] =	dma.local [hbm:s4], s20  }
0x9e: {  	_ =	swait.ge [sflag:s22], s20  }
0x9f: {  	s3 =	ssub.s32 $0x0, s20;
	[sflag:s22] =	ssyncset.done $0x0  }
0xa0: {  	[sflag:s22] =	ssyncadd.s32 s3;
	_ =	sdelay $0x1  }
0xa1: {  	s23 =	simm.s32 $0x1B8B  }
0xa2: {  	_ =	swait.ge [sflag:s23], $0x1  }
0xa3: {  	[sflag:s23] =	ssyncset.done $0x0  }
0xa4: {  	s25 =	simm.s32 $0x1B8E;
	s24 =	sld [smem:$0x3FFE];
	[sflag:s23] =	ssyncadd.s32 $0xFFFFFFFF  }
0xa5: {  	s26 =	simm.s32 $execute0_lowered;
	[smem:$0x3FD2] =	sst s25  }
0xa6: {  	s4 =	sshll.u32 s26, $0x1;
	_ =	strace $0x80000046;
	[dreg:$0x1] =	wrdreg $0xFFFFFFFF  }
0xa7: {  	s28 =	simm.s32 $_size_execute0_lowered;
	s2 =	sadd.s32 s2, s4;
	[dreg:$0x0] =	wrdreg $0x0  }
0xa8: {  	s4 =	sshll.u32 s28, $0x1;
	[dreg:$0x2] =	wrdreg s2  }
0xa9: {  	[dreg:$0x3] =	wrdreg s4  }
0xaa: {  	[dreg:$0x4] =	wrdreg $0xC0  }
0xab: {  	_ =	task [dreg:s6], $0x5FFFF  }
0xac: {  	[dreg:$0x1] =	wrdreg $0xFFFFFFFF  }
0xad: {  	[dreg:$0x0] =	wrdreg $0x60  }
0xae: {  	[dreg:$0x2] =	wrdreg s24  }
0xaf: {  	[dreg:$0x3] =	wrdreg $0x52800  }
0xb0: {  	[dreg:$0x4] =	wrdreg $0x9  }
0xb1: {  	_ =	task.clear_ibuf [dreg:s6], $0x5FFFF;
	_ =	strace $0x90000046  }
0xb2: {  	s29 =	simm.s32 $0x9;
	_ =	strace $0x80000048  }
0xb3: {  	_ =	swait.ge [sflag:s29], $0x1  }
0xb4: {  	[sflag:s29] =	ssyncadd.s32 $0xFFFFFFFF  }
0xb5: {  	_ =	strace $0x90000048  }
0xb6: {  	_ =	sfence  }
0xb7: {  	s30 =	sld [smem:$0x0];
	_ =	sdelay $0x2  }
0xb8: {  	s31 =	sshll.u32 s1, $0xD;
	s1 =	sshrl.u32 s1, $0x2  }
0xb9: {  	s3 =	sand.u32 $0x4000, s31;
	s1 =	sadd.s32 s1, s30  }
0xba: {  	s0 =	sor.u32 s3, s0;
	s1 =	sshll.u32 s1, $0x11  }
0xbb: {  	s0 =	sor.u32 s1, s0  }
0xbc: {  	s0 =	sadd.s32 $0x8F2B, s0  }
0xbd: {  	[sflag:s0] =	ssyncadd.remote.s32 $0x1  }
0xbe: {  	_ =	sfence.sel $0xFFFF  }
0xbf: {  	[dreg:$0x0] =	wrdreg $0xFFFFFFFF;
	(pc) =	sbr.abs _section_cstart, $3  }
0xc0: {  	[dreg:$0x1] =	wrdreg $0xFFFFFFFF  }
0xc1: {  	_ =	task.clear_ibuf [dreg:s6], $0x2FFFF;
	_ =	strace $0x9FFFFFFF  }
0xc2: {  	(tm) =	ssettm $0x7FFFFFFF  }
0xc3: {  	_ =	shalt  }
tec
execute0_lowered:
.L_overlay_start_1:
0x0: {  	(tag) =	ssettag $0x1  }
0x1: {  	s4 =	rddreg [dreg:$0x0]  }
0x2: {  	s2 =	rddreg [dreg:$0x1];
	s3 =	srdreg.scid  }
0x3: {  	s1 =	stileid.u32;
	s0 =	rddreg [dreg:$0x2];
	s10 =	simm.s32 $0x2800  }
0x4: {  	s11 =	simm.s32 $0x1;
	s14 =	simm.s32 $0x0;
	s5 =	sand.u32 $0x1, s3  }
0x5: {  	s6 =	smul.u32 $0x280, s1;
	s3 =	simm.s32 $0x0;
	s7 =	sshll.u32 s1, $0x1  }
0x6: {  	s12 =	sshll.u32 s1, $0x6;
	s8 =	smul.u32 $0x2800, s5;
	[smem:$0x7FF] =	sst s3  }
0x7: {  	s7 =	sor.u32 s5, s7;
	s5 =	ssub.s32 $0x2, s5;
	s12 =	sor.u32 $0x1C02, s12  }
0x8: {  	s7 =	smul.u32 $0x500, s7;
	_ =	strace $0x80000047;
	s9 =	sshrl.u32 s5, $0x1  }
0x9: {  	s8 =	sadd.s32 s6, s8;
	s9 =	ssub.s32 s5, s9;
	s5 =	sadd.s32 s6, s2  }
0xa: {  	s8 =	sshrl.u32 s8, $0x3;
	s7 =	sadd.s32 s7, s4;
	s13 =	sshrl.u32 s5, $0x3  }
0xb: {  	s8 =	sadd.s32 s8, s4;
	s4 =	sadd.s32 $0x1C00, s7;
	s7 =	smax.u32 s9, $0x1  }
0xc: {  	v0 =	vimm.f32 $1.000000000e+00;
	v1 =	vimm.f32 $0.0e+00;
	s9 =	simm.s32 $0x5000;
	s6 =	sadd.s32 $0xBC00, s8;
	s8 =	simm.s32 $0x2  }
.LBB2_1:
0xd: {  	[tilespmem:s3], [sflag:$0x2] =	stream.linear.gather [hbm4b:s4+s3], $0x2800, $0x38;
	[tilespmem:$0x5500] =	vst v63  }
0xe: {  	_ =	swait.ge [sflag:s8], $0x2800  }
0xf: {  	[sflag:s8] =	ssyncset.done $0x0  }
0x10: {  	s15 =	simm.s32 $0x0;
	s16 =	simm.s32 $0x200;
	[sflag:s8] =	ssyncadd.s32 $0xFFFFD800  }
.LBB2_2:
0x11: {  	p0 =	sne.s32 s16, $0x9E00;
	[tilespmem:s15+$0x2870] =	vst v0  }
0x12: {  	[tilespmem:s15+$0x2800] =	vst v0  }
0x13: {  	[tilespmem:s15+$0x2810] =	vst v0  }
.Ltmp0:
0x14: {  	[tilespmem:s15+$0x2820] =	vst v0;
	(pc) =	sbr.rel @p0 .LBB2_2-.Ltmp0, $4  }
0x15: {  	[tilespmem:s15+$0x2830] =	vst v0  }
0x16: {  	[tilespmem:s15+$0x2840] =	vst v0  }
0x17: {  	[tilespmem:s15+$0x2850] =	vst v0  }
0x18: {  	[tilespmem:s15+$0x2860] =	vst v0;
	s15 =	sshra.s32 s16, $0x2;
	s16 =	sadd.s32 $0x200, s16  }
0x19: {  	[tilespmem:s15+$0x2870] =	vst v0  }
0x1a: {  	[tilespmem:s15+$0x2800] =	vst v0  }
0x1b: {  	[tilespmem:s15+$0x2810] =	vst v0  }
0x1c: {  	[tilespmem:s15+$0x2820] =	vst v0  }
0x1d: {  	[tilespmem:s15+$0x2830] =	vst v0  }
0x1e: {  	[tilespmem:s15+$0x2840] =	vst v0  }
0x1f: {  	[tilespmem:s15+$0x2850] =	vst v0  }
0x20: {  	[tilespmem:s15+$0x2860] =	vst v0  }
0x21: {  	[tilespmem:$0x5000] =	vst v1  }
0x22: {  	[tilespmem:$0x5010] =	vst v1  }
0x23: {  	[tilespmem:$0x5020] =	vst v1  }
0x24: {  	[tilespmem:$0x5030] =	vst v1  }
0x25: {  	[tilespmem:$0x5040] =	vst v1  }
0x26: {  	[tilespmem:$0x5050] =	vst v1  }
0x27: {  	[tilespmem:$0x5060] =	vst v1  }
0x28: {  	[tilespmem:$0x5070] =	vst v1  }
0x29: {  	[tilespmem:$0x5080] =	vst v1  }
0x2a: {  	[tilespmem:$0x5090] =	vst v1  }
0x2b: {  	[tilespmem:$0x50A0] =	vst v1  }
0x2c: {  	[tilespmem:$0x50B0] =	vst v1  }
0x2d: {  	[tilespmem:$0x50C0] =	vst v1  }
0x2e: {  	[tilespmem:$0x50D0] =	vst v1  }
0x2f: {  	[tilespmem:$0x50E0] =	vst v1  }
0x30: {  	[tilespmem:$0x50F0] =	vst v1  }
0x31: {  	[tilespmem:$0x5100] =	vst v1  }
0x32: {  	[tilespmem:$0x5110] =	vst v1  }
0x33: {  	[tilespmem:$0x5120] =	vst v1  }
0x34: {  	[tilespmem:$0x5130] =	vst v1  }
0x35: {  	[tilespmem:$0x5140] =	vst v1  }
0x36: {  	[tilespmem:$0x5150] =	vst v1  }
0x37: {  	[tilespmem:$0x5160] =	vst v1  }
0x38: {  	[tilespmem:$0x5170] =	vst v1  }
0x39: {  	[tilespmem:$0x5180] =	vst v1  }
0x3a: {  	[tilespmem:$0x5190] =	vst v1  }
0x3b: {  	[tilespmem:$0x51A0] =	vst v1  }
0x3c: {  	[tilespmem:$0x51B0] =	vst v1  }
0x3d: {  	[tilespmem:$0x51C0] =	vst v1  }
0x3e: {  	[tilespmem:$0x51D0] =	vst v1  }
0x3f: {  	[tilespmem:$0x51E0] =	vst v1  }
0x40: {  	[tilespmem:$0x51F0] =	vst v1  }
0x41: {  	[tilespmem:$0x5200] =	vst v1  }
0x42: {  	[tilespmem:$0x5210] =	vst v1  }
0x43: {  	[tilespmem:$0x5220] =	vst v1  }
0x44: {  	[tilespmem:$0x5230] =	vst v1  }
0x45: {  	[tilespmem:$0x5240] =	vst v1  }
0x46: {  	[tilespmem:$0x5250] =	vst v1  }
0x47: {  	[tilespmem:$0x5260] =	vst v1  }
0x48: {  	[tilespmem:$0x5270] =	vst v1  }
0x49: {  	[spmem:s5] =	stream.linear.scatter [tilespmem:s9], [sflag:$0x2], $0x280, $0x38;
	[tilespmem:$0x5500] =	vst v63  }
0x4a: {  	_ =	swait.ge [sflag:s8], $0x280  }
0x4b: {  	[sflag:s8] =	ssyncset.done $0x0  }
0x4c: {  	[sflag:s8] =	ssyncadd.s32 $0xFFFFFD80  }
0x4d: {  	[bflag:$0x0] =	sbarrier.arrive $0xFFFF  }
0x4e: {  	[spmem:s2] =	stream.indirect.scatter.add.f32 [tilespmem:s10], [sflag:$0x1], $0x1, s3, s10, $0xb8;
	[tilespmem:$0x5500] =	vst v63  }
0x4f: {  	_ =	swait.ge [sflag:s11], $0x2800  }
0x50: {  	s14 =	sadd.s32 $0x1, s14;
	[sflag:s11] =	ssyncset.done $0x0  }
0x51: {  	p0 =	sne.s32 s14, s7;
	[sflag:s11] =	ssyncadd.s32 $0xFFFFD800  }
.Ltmp1:
0x52: {  	[bflag:$0x0] =	sbarrier.arrive $0xFFFF;
	(pc) =	sbr.rel @p0 .LBB2_1-.Ltmp1, $4  }
0x53: {  	[hbm:s6], [sflag:s12] =	dma.local [spmem:s13], $0x50  }
0x54: {  	_ =	swait.ge [sflag:s8], $0x50  }
0x55: {  	[sflag:s8] =	ssyncset.done $0x0  }
0x56: {  	[sflag:s8] =	ssyncadd.s32 $0xFFFFFFB0  }
0x57: {  	_ =	sfence.sel $0x180000  }
0x58: {  	[bflag:$0x0] =	sbarrier.arrive $0xFFFF  }
0x59: {  	p0 =	sne.s32 s1, $0x0;
	_ =	strace $0x90000047  }
0x5a: {  	s0 =	sadd.s32 @!p0 $0x100000, s0;
	[bflag:$0x2] =	sbarrier.arrive $0xFFFF  }
0x5b: {  	[sflag:s0] =	ssyncadd.tile.s32 @!p0 $0x1;
	_ =	shalt  }
.Lfunc_end2:
_tile_overlayer_lowered:
.L_overlay_start_2:
0x5c: {  	(tag) =	ssettag $0x2  }
0x5d: {  	s0 =	rddreg [dreg:$0x0];
	s2 =	stileid.u32  }
0x5e: {  	s1 =	rddreg [dreg:$0x1];
	p0 =	sne.s32 s2, $0x0  }
0x5f: {  	s3 =	rddreg [dreg:$0x2];
	[bflag:$0x3] =	sbarrier.arrive $0xFFFF;
	s2 =	simm.s32 @!p0 $0x1C02  }
0x60: {  	[timem:s3], [sflag:s2] =	dma.local @!p0 [hbm:s0], s1  }
0x61: {  	s0 =	simm.s32 @!p0 $0x2  }
0x62: {  	_ =	swait.ge @!p0 [sflag:s0], s1  }
0x63: {  	s1 =	ssub.s32 @!p0 $0x0, s1;
	[sflag:s0] =	ssyncset.done @!p0 $0x0  }
0x64: {  	[sflag:s0] =	ssyncadd.s32 @!p0 s1  }
0x65: {  	[bflag:$0x3] =	sbarrier.arrive $0xFFFF  }
0x66: {  	_ =	shalt  }

</sc_bundles>
